<compile_context>
chip_gen: v7x
topology: tpu7x:2x2x1
jax: 0.10.2.dev20260603
libtpu: 0.0.44.dev20260713+nightly
codegen_flags: <defaults>
</compile_context>

<pallas_src>
import functools

import jax
import jax.numpy as jnp
from jax import lax
from jax.experimental import pallas as pl
from jax.experimental.pallas import tpu as pltpu
from jax.experimental.pallas import tpu_sc as plsc

EMBED_DIM = 64
LANES = 16
CHUNK = 640
IDX_MINOR = 128
GATHERS = CHUNK // IDX_MINOR
COL_CHUNKS = EMBED_DIM // LANES
TEST_UNROLL = 8
FIX_UNROLL = 4


def _make_sc_gather(n_rows: int):
  info = plsc.get_sparse_core_info()
  nc, ns = info.num_cores, info.num_subcores
  nw = nc * ns
  assert n_rows % (nw * CHUNK) == 0
  chunks_per_w = n_rows // (nw * CHUNK)
  rows_per_w = chunks_per_w * CHUNK
  idx_rows_per_w = rows_per_w // IDX_MINOR

  mesh = plsc.VectorSubcoreMesh(core_axis_name="c", subcore_axis_name="s")

  @functools.partial(
      pl.kernel,
      out_type=jax.ShapeDtypeStruct((n_rows, 2 * EMBED_DIM), jnp.float32),
      name="sc_gather_mask",
      mesh=mesh,
      scratch_types=[
          pltpu.VMEM((idx_rows_per_w, IDX_MINOR), jnp.int32),
          pltpu.VMEM((CHUNK, EMBED_DIM), jnp.float32),
          pltpu.VMEM((CHUNK, EMBED_DIM), jnp.float32),
          pltpu.VMEM((EMBED_DIM,), jnp.float32),
          pltpu.SemaphoreType.DMA,
          pltpu.SemaphoreType.DMA,
          pltpu.SemaphoreType.DMA,
          pltpu.SemaphoreType.DMA,
      ],
      compiler_params=pltpu.CompilerParams(
          use_tc_tiling_on_sc=False, needs_layout_passes=False),
  )
  def sc_kernel(x_hbm, table_hbm, out_hbm, idx_v, buf0, buf1, zv_v,
                gsem0, gsem1, wsem0, wsem1):
    wid = lax.axis_index("s") * nc + lax.axis_index("c")
    row_base = wid * rows_per_w
    pltpu.sync_copy(table_hbm.at[0], zv_v)
    pltpu.sync_copy(x_hbm.at[pl.ds(wid * idx_rows_per_w, idx_rows_per_w)],
                    idx_v)
    zvc = [zv_v[pl.ds(c * LANES, LANES)] for c in range(COL_CHUNKS)]

    bufs = (buf0, buf1)
    gsems = (gsem0, gsem1)
    wsems = (wsem0, wsem1)

    def fire_gather(g, buf, gsem):
      for j in range(GATHERS):
        pltpu.async_copy(
            table_hbm.at[idx_v.at[g * GATHERS + j]],
            buf.at[pl.ds(j * IDX_MINOR, IDX_MINOR)],
            gsem,
        )

    def drain_gather(g, buf, gsem):
      for j in range(GATHERS):
        pltpu.make_async_copy(
            table_hbm.at[idx_v.at[g * GATHERS + j]],
            buf.at[pl.ds(j * IDX_MINOR, IDX_MINOR)],
            gsem,
        ).wait()

    def fire_wb(g, buf, wsem):
      pltpu.async_copy(
          buf,
          out_hbm.at[pl.ds(row_base + g * CHUNK, CHUNK), pl.ds(0, EMBED_DIM)],
          wsem)

    def drain_wb(g, buf, wsem):
      pltpu.make_async_copy(
          buf,
          out_hbm.at[pl.ds(row_base + g * CHUNK, CHUNK), pl.ds(0, EMBED_DIM)],
          wsem).wait()

    def fixup(buf):
      def row_body(i, carry2):
        for u in range(FIX_UNROLL):
          r = i * FIX_UNROLL + u
          vals = [buf[r, pl.ds(c * LANES, LANES)] for c in range(COL_CHUNKS)]
          d = vals[0] != zvc[0]
          for c in range(1, COL_CHUNKS):
            d = jnp.logical_or(d, vals[c] != zvc[c])
          nf = d.astype(jnp.float32)
          for shift in (8, 4, 2, 1):
            perm = (lax.iota(jnp.int32, LANES) + shift) % LANES
            nf = jnp.maximum(nf, nf.at[perm].get(mode="promise_in_bounds"))
          for c in range(COL_CHUNKS):
            buf[r, pl.ds(c * LANES, LANES)] = vals[c] * nf
        return carry2

      lax.fori_loop(0, CHUNK // FIX_UNROLL, row_body, 0)

    def process(buf):
      def test_body(i, acc):
        for u in range(TEST_UNROLL):
          r = i * TEST_UNROLL + u
          acc = jnp.logical_or(acc, buf[r, pl.ds(0, LANES)] == zvc[0])
        return acc

      acc0 = jnp.zeros((LANES,), jnp.bool_)
      acc = lax.fori_loop(0, CHUNK // TEST_UNROLL, test_body, acc0)
      maybe = jnp.any(acc)
      pl.when(maybe)(lambda: fixup(buf))

    fire_gather(0, buf0, gsem0)

    def chunk_pair(i, carry):
      for p in range(2):
        g = i * 2 + p
        buf, gsem, wsem = bufs[p], gsems[p], wsems[p]
        nbuf, ngsem, nwsem = bufs[1 - p], gsems[1 - p], wsems[1 - p]
        drain_gather(g, buf, gsem)

        @pl.when(g + 1 < chunks_per_w)
        def _():
          @pl.when(g >= 1)
          def _():
            drain_wb(g - 1, nbuf, nwsem)
          fire_gather(g + 1, nbuf, ngsem)

        process(buf)
        fire_wb(g, buf, wsem)
      return carry

    lax.fori_loop(0, chunks_per_w // 2, chunk_pair, 0)
    drain_wb(chunks_per_w - 2, buf0, wsem0)
    drain_wb(chunks_per_w - 1, buf1, wsem1)

  return sc_kernel


def kernel(x, table):
  b, l = x.shape
  n = b * l
  x2 = x.reshape(n // IDX_MINOR, IDX_MINOR)
  out = _make_sc_gather(n)(x2, table)
  return out.reshape(b, l, 2 * EMBED_DIM)[:, :, :EMBED_DIM]

# --- scband reference (transcript-rebuilt; emitter-appended) ---
"""Pipeline reference for scband-gensim-embedder-82360292868860 (READ-ONLY COPY).

The authoritative reference and input builder live on the scoring server;
editing this copy changes nothing except your own understanding.
"""

import jax, jax.numpy as jnp
import numpy as np

VOCAB = 1000000
EMBED_DIM = 64
BATCH = 4096
SEQ = 200


def setup_inputs(seed: int = 0) -> dict:
    key = jax.random.key(seed)
    k1, k2 = jax.random.split(key)
    x = jax.random.randint(k1, (BATCH, SEQ), 0, VOCAB, dtype=jnp.int32)
    # Pretrained gensim embedding matrix, materialized as a dense table.
    table = jax.random.normal(k2, (VOCAB, EMBED_DIM), dtype=jnp.float32)
    return {"x": x, "table": table}


def reference(x, table):
    # x: int[B, L] token ids -> emb: float[B, L, D]
    emb = jnp.take(table, x, axis=0)
    # zero_index_vector = embedding of token id 0 (a frozen buffer in the torch module)
    zero_index_vector = table[0]
    # Rows whose embedding equals the index-0 embedding are overwritten with zeros.
    mask = jnp.all(emb == zero_index_vector[None, None, :], axis=2)
    out = jnp.where(mask[:, :, None], jnp.zeros((), dtype=emb.dtype), emb)
    return out

if __name__ == "__main__":
    import jax
    _d = setup_inputs()
    print(jax.jit(kernel)(*tuple(_d.values())))

</pallas_src>

<mosaic_0001>
#map = affine_map<(d0, d1) -> (0, 0)>
module attributes {stable_mosaic.version = 14 : i64} {
  func.func @sc_gather_mask(%arg0: i32, %arg1: i32, %arg2: memref<6400x128xi32, #tpu.memory_space<hbm>>, %arg3: memref<1000000x64xf32, #tpu.memory_space<hbm>>, %arg4: memref<819200x128xf32, #tpu.memory_space<hbm>>, %arg5: memref<200x128xi32, #tpu.memory_space<vmem>>, %arg6: memref<640x64xf32, #tpu.memory_space<vmem>>, %arg7: memref<640x64xf32, #tpu.memory_space<vmem>>, %arg8: memref<64xf32, #tpu.memory_space<vmem>>, %arg9: memref<!tpu.dma_semaphore, #tpu.memory_space<semaphore_mem>>, %arg10: memref<!tpu.dma_semaphore, #tpu.memory_space<semaphore_mem>>, %arg11: memref<!tpu.dma_semaphore, #tpu.memory_space<semaphore_mem>>, %arg12: memref<!tpu.dma_semaphore, #tpu.memory_space<semaphore_mem>>) attributes {dimension_semantics = [#tpu.dimension_semantics<core_parallel>, #tpu.dimension_semantics<subcore_parallel>], iteration_bounds = array<i64: 2, 16>, scalar_prefetch = 0 : i64, scratch_operands = 8 : i64, tpu.core_type = #tpu.core_type<sc_vector_subcore>, window_params = [{transform_indices = #map}, {transform_indices = #map}, {transform_indices = #map}]} {
    %mul3A = arith.constant 2 : i32
    %mul3A_0 = arith.muli %arg1, %mul3A : i32
    %add3A = arith.addi %mul3A_0, %arg0 : i32
    %mul3A_1 = arith.constant 25600 : i32
    %mul3A_2 = arith.muli %add3A, %mul3A_1 : i32
    %run_scoped3A = arith.constant 0 : i32
    "tpu.region"() ({
      %run_scoped3A_77 = tpu.sem_alloc : memref<!tpu.dma_semaphore, #tpu.memory_space<semaphore_mem>>
      %dma_start3A_78 = arith.constant 0 : i32
      %dma_start3A_79 = tpu.memref_slice %arg3[%run_scoped3A, %dma_start3A_78] : memref<1000000x64xf32, #tpu.memory_space<hbm>> -> memref<1x64xf32, #tpu.memory_space<hbm>>
      %dma_start3A_80 = tpu.memref_squeeze %dma_start3A_79 : memref<1x64xf32, #tpu.memory_space<hbm>> -> memref<64xf32, #tpu.memory_space<hbm>>
      %dma_start3A_81 = arith.constant 0 : i32
      %dma_start3A_82 = tpu.memref_slice %arg3[%run_scoped3A, %dma_start3A_81] : memref<1000000x64xf32, #tpu.memory_space<hbm>> -> memref<1x64xf32, #tpu.memory_space<hbm>>
      %dma_start3A_83 = tpu.memref_squeeze %dma_start3A_82 : memref<1x64xf32, #tpu.memory_space<hbm>> -> memref<64xf32, #tpu.memory_space<hbm>>
      tpu.enqueue_dma source(%dma_start3A_83 : memref<64xf32, #tpu.memory_space<hbm>>) target(%arg8 : memref<64xf32, #tpu.memory_space<vmem>>) target_semaphore(%run_scoped3A_77 : memref<!tpu.dma_semaphore, #tpu.memory_space<semaphore_mem>>)
      %dma_wait3A_84 = arith.constant 0 : i32
      %dma_wait3A_85 = tpu.memref_slice %arg3[%run_scoped3A, %dma_wait3A_84] : memref<1000000x64xf32, #tpu.memory_space<hbm>> -> memref<1x64xf32, #tpu.memory_space<hbm>>
      %dma_wait3A_86 = tpu.memref_squeeze %dma_wait3A_85 : memref<1x64xf32, #tpu.memory_space<hbm>> -> memref<64xf32, #tpu.memory_space<hbm>>
      %dma_wait3A_87 = arith.constant 0 : i32
      %dma_wait3A_88 = tpu.memref_slice %arg3[%run_scoped3A, %dma_wait3A_87] : memref<1000000x64xf32, #tpu.memory_space<hbm>> -> memref<1x64xf32, #tpu.memory_space<hbm>>
      %dma_wait3A_89 = tpu.memref_squeeze %dma_wait3A_88 : memref<1x64xf32, #tpu.memory_space<hbm>> -> memref<64xf32, #tpu.memory_space<hbm>>
      tpu.wait_dma2 semaphore(%run_scoped3A_77 : memref<!tpu.dma_semaphore, #tpu.memory_space<semaphore_mem>>) src(%dma_wait3A_89 : memref<64xf32, #tpu.memory_space<hbm>>) dst(%arg8 : memref<64xf32, #tpu.memory_space<vmem>>)
      tpu.yield
    }) : () -> ()
    %mul3A_3 = arith.constant 200 : i32
    %mul3A_4 = arith.muli %add3A, %mul3A_3 : i32
    "tpu.region"() ({
      %run_scoped3A_77 = tpu.sem_alloc : memref<!tpu.dma_semaphore, #tpu.memory_space<semaphore_mem>>
      %dma_start3A_78 = arith.constant 0 : i32
      %dma_start3A_79 = tpu.memref_slice %arg2[%mul3A_4, %dma_start3A_78] : memref<6400x128xi32, #tpu.memory_space<hbm>> -> memref<200x128xi32, #tpu.memory_space<hbm>>
      %dma_start3A_80 = arith.constant 0 : i32
      %dma_start3A_81 = tpu.memref_slice %arg2[%mul3A_4, %dma_start3A_80] : memref<6400x128xi32, #tpu.memory_space<hbm>> -> memref<200x128xi32, #tpu.memory_space<hbm>>
      tpu.enqueue_dma source(%dma_start3A_81 : memref<200x128xi32, #tpu.memory_space<hbm>>) target(%arg5 : memref<200x128xi32, #tpu.memory_space<vmem>>) target_semaphore(%run_scoped3A_77 : memref<!tpu.dma_semaphore, #tpu.memory_space<semaphore_mem>>)
      %dma_wait3A_82 = arith.constant 0 : i32
      %dma_wait3A_83 = tpu.memref_slice %arg2[%mul3A_4, %dma_wait3A_82] : memref<6400x128xi32, #tpu.memory_space<hbm>> -> memref<200x128xi32, #tpu.memory_space<hbm>>
      %dma_wait3A_84 = arith.constant 0 : i32
      %dma_wait3A_85 = tpu.memref_slice %arg2[%mul3A_4, %dma_wait3A_84] : memref<6400x128xi32, #tpu.memory_space<hbm>> -> memref<200x128xi32, #tpu.memory_space<hbm>>
      tpu.wait_dma2 semaphore(%run_scoped3A_77 : memref<!tpu.dma_semaphore, #tpu.memory_space<semaphore_mem>>) src(%dma_wait3A_85 : memref<200x128xi32, #tpu.memory_space<hbm>>) dst(%arg5 : memref<200x128xi32, #tpu.memory_space<vmem>>)
      tpu.yield
    }) : () -> ()
    %get3A = arith.constant 0 : index
    %get3A_5 = tpu.vector_load %arg8[%get3A] {strides = array<i32>} : memref<64xf32, #tpu.memory_space<vmem>>, vector<16xf32>,
    %get3A_6 = arith.constant 16 : index
    %get3A_7 = tpu.vector_load %arg8[%get3A_6] {strides = array<i32>} : memref<64xf32, #tpu.memory_space<vmem>>, vector<16xf32>,
    %get3A_8 = arith.constant 32 : index
    %get3A_9 = tpu.vector_load %arg8[%get3A_8] {strides = array<i32>} : memref<64xf32, #tpu.memory_space<vmem>>, vector<16xf32>,
    %get3A_10 = arith.constant 48 : index
    %get3A_11 = tpu.vector_load %arg8[%get3A_10] {strides = array<i32>} : memref<64xf32, #tpu.memory_space<vmem>>, vector<16xf32>,
    %dma_start3A = arith.constant 0 : i32
    %dma_start3A_12 = arith.constant 0 : i32
    %dma_start3A_13 = arith.constant 0 : i32
    %dma_start3A_14 = tpu.memref_slice %arg6[%dma_start3A_12, %dma_start3A_13] : memref<640x64xf32, #tpu.memory_space<vmem>> -> memref<128x64xf32, #tpu.memory_space<vmem>>
    %dma_start3A_15 = arith.constant 0 : i32
    %dma_start3A_16 = tpu.memref_slice %arg5[%dma_start3A, %dma_start3A_15] : memref<200x128xi32, #tpu.memory_space<vmem>> -> memref<1x128xi32, #tpu.memory_space<vmem>>
    %dma_start3A_17 = tpu.memref_squeeze %dma_start3A_16 : memref<1x128xi32, #tpu.memory_space<vmem>> -> memref<128xi32, #tpu.memory_space<vmem>>
    %dma_start3A_18 = arith.constant 0 : i32
    %dma_start3A_19 = arith.constant 0 : i32
    %dma_start3A_20 = tpu.memref_slice %arg3[%dma_start3A_18, %dma_start3A_19] : memref<1000000x64xf32, #tpu.memory_space<hbm>> -> memref<1000000x64xf32, #tpu.memory_space<hbm>>
    tpu.enqueue_indirect_dma source(%dma_start3A_20 : memref<1000000x64xf32, #tpu.memory_space<hbm>>) target(%dma_start3A_14 : memref<128x64xf32, #tpu.memory_space<vmem>>) offsets(%dma_start3A_17 : memref<128xi32, #tpu.memory_space<vmem>>) semaphore(%arg9 : memref<!tpu.dma_semaphore, #tpu.memory_space<semaphore_mem>>)
    %dma_start3A_21 = arith.constant 1 : i32
    %dma_start3A_22 = arith.constant 128 : i32
    %dma_start3A_23 = arith.constant 0 : i32
    %dma_start3A_24 = tpu.memref_slice %arg6[%dma_start3A_22, %dma_start3A_23] : memref<640x64xf32, #tpu.memory_space<vmem>> -> memref<128x64xf32, #tpu.memory_space<vmem>>
    %dma_start3A_25 = arith.constant 0 : i32
    %dma_start3A_26 = tpu.memref_slice %arg5[%dma_start3A_21, %dma_start3A_25] : memref<200x128xi32, #tpu.memory_space<vmem>> -> memref<1x128xi32, #tpu.memory_space<vmem>>
    %dma_start3A_27 = tpu.memref_squeeze %dma_start3A_26 : memref<1x128xi32, #tpu.memory_space<vmem>> -> memref<128xi32, #tpu.memory_space<vmem>>
    %dma_start3A_28 = arith.constant 0 : i32
    %dma_start3A_29 = arith.constant 0 : i32
    %dma_start3A_30 = tpu.memref_slice %arg3[%dma_start3A_28, %dma_start3A_29] : memref<1000000x64xf32, #tpu.memory_space<hbm>> -> memref<1000000x64xf32, #tpu.memory_space<hbm>>
    tpu.enqueue_indirect_dma source(%dma_start3A_30 : memref<1000000x64xf32, #tpu.memory_space<hbm>>) target(%dma_start3A_24 : memref<128x64xf32, #tpu.memory_space<vmem>>) offsets(%dma_start3A_27 : memref<128xi32, #tpu.memory_space<vmem>>) semaphore(%arg9 : memref<!tpu.dma_semaphore, #tpu.memory_space<semaphore_mem>>)
    %dma_start3A_31 = arith.constant 2 : i32
    %dma_start3A_32 = arith.constant 256 : i32
    %dma_start3A_33 = arith.constant 0 : i32
    %dma_start3A_34 = tpu.memref_slice %arg6[%dma_start3A_32, %dma_start3A_33] : memref<640x64xf32, #tpu.memory_space<vmem>> -> memref<128x64xf32, #tpu.memory_space<vmem>>
    %dma_start3A_35 = arith.constant 0 : i32
    %dma_start3A_36 = tpu.memref_slice %arg5[%dma_start3A_31, %dma_start3A_35] : memref<200x128xi32, #tpu.memory_space<vmem>> -> memref<1x128xi32, #tpu.memory_space<vmem>>
    %dma_start3A_37 = tpu.memref_squeeze %dma_start3A_36 : memref<1x128xi32, #tpu.memory_space<vmem>> -> memref<128xi32, #tpu.memory_space<vmem>>
    %dma_start3A_38 = arith.constant 0 : i32
    %dma_start3A_39 = arith.constant 0 : i32
    %dma_start3A_40 = tpu.memref_slice %arg3[%dma_start3A_38, %dma_start3A_39] : memref<1000000x64xf32, #tpu.memory_space<hbm>> -> memref<1000000x64xf32, #tpu.memory_space<hbm>>
    tpu.enqueue_indirect_dma source(%dma_start3A_40 : memref<1000000x64xf32, #tpu.memory_space<hbm>>) target(%dma_start3A_34 : memref<128x64xf32, #tpu.memory_space<vmem>>) offsets(%dma_start3A_37 : memref<128xi32, #tpu.memory_space<vmem>>) semaphore(%arg9 : memref<!tpu.dma_semaphore, #tpu.memory_space<semaphore_mem>>)
    %dma_start3A_41 = arith.constant 3 : i32
    %dma_start3A_42 = arith.constant 384 : i32
    %dma_start3A_43 = arith.constant 0 : i32
    %dma_start3A_44 = tpu.memref_slice %arg6[%dma_start3A_42, %dma_start3A_43] : memref<640x64xf32, #tpu.memory_space<vmem>> -> memref<128x64xf32, #tpu.memory_space<vmem>>
    %dma_start3A_45 = arith.constant 0 : i32
    %dma_start3A_46 = tpu.memref_slice %arg5[%dma_start3A_41, %dma_start3A_45] : memref<200x128xi32, #tpu.memory_space<vmem>> -> memref<1x128xi32, #tpu.memory_space<vmem>>
    %dma_start3A_47 = tpu.memref_squeeze %dma_start3A_46 : memref<1x128xi32, #tpu.memory_space<vmem>> -> memref<128xi32, #tpu.memory_space<vmem>>
    %dma_start3A_48 = arith.constant 0 : i32
    %dma_start3A_49 = arith.constant 0 : i32
    %dma_start3A_50 = tpu.memref_slice %arg3[%dma_start3A_48, %dma_start3A_49] : memref<1000000x64xf32, #tpu.memory_space<hbm>> -> memref<1000000x64xf32, #tpu.memory_space<hbm>>
    tpu.enqueue_indirect_dma source(%dma_start3A_50 : memref<1000000x64xf32, #tpu.memory_space<hbm>>) target(%dma_start3A_44 : memref<128x64xf32, #tpu.memory_space<vmem>>) offsets(%dma_start3A_47 : memref<128xi32, #tpu.memory_space<vmem>>) semaphore(%arg9 : memref<!tpu.dma_semaphore, #tpu.memory_space<semaphore_mem>>)
    %dma_start3A_51 = arith.constant 4 : i32
    %dma_start3A_52 = arith.constant 512 : i32
    %dma_start3A_53 = arith.constant 0 : i32
    %dma_start3A_54 = tpu.memref_slice %arg6[%dma_start3A_52, %dma_start3A_53] : memref<640x64xf32, #tpu.memory_space<vmem>> -> memref<128x64xf32, #tpu.memory_space<vmem>>
    %dma_start3A_55 = arith.constant 0 : i32
    %dma_start3A_56 = tpu.memref_slice %arg5[%dma_start3A_51, %dma_start3A_55] : memref<200x128xi32, #tpu.memory_space<vmem>> -> memref<1x128xi32, #tpu.memory_space<vmem>>
    %dma_start3A_57 = tpu.memref_squeeze %dma_start3A_56 : memref<1x128xi32, #tpu.memory_space<vmem>> -> memref<128xi32, #tpu.memory_space<vmem>>
    %dma_start3A_58 = arith.constant 0 : i32
    %dma_start3A_59 = arith.constant 0 : i32
    %dma_start3A_60 = tpu.memref_slice %arg3[%dma_start3A_58, %dma_start3A_59] : memref<1000000x64xf32, #tpu.memory_space<hbm>> -> memref<1000000x64xf32, #tpu.memory_space<hbm>>
    tpu.enqueue_indirect_dma source(%dma_start3A_60 : memref<1000000x64xf32, #tpu.memory_space<hbm>>) target(%dma_start3A_54 : memref<128x64xf32, #tpu.memory_space<vmem>>) offsets(%dma_start3A_57 : memref<128xi32, #tpu.memory_space<vmem>>) semaphore(%arg9 : memref<!tpu.dma_semaphore, #tpu.memory_space<semaphore_mem>>)
    %scan3A = arith.constant 0 : i32
    %scan3A_61 = arith.constant 0 : i32
    %scan3A_62 = arith.constant 20 : i32
    %scan3A_63 = arith.addi %scan3A_61, %scan3A_62 : i32
    %scan3A_64 = arith.constant 1 : i32
    scf.for %scan3A_77 = %scan3A_61 to %scan3A_63 step %scan3A_64  : i32 {
      %mul3A_78 = arith.constant 2 : i32
      %mul3A_79 = arith.muli %scan3A_77, %mul3A_78 : i32
      %add3A_80 = arith.constant 0 : i32
      %add3A_81 = arith.addi %mul3A_79, %add3A_80 : i32
      %mul3A_82 = arith.constant 5 : i32
      %mul3A_83 = arith.muli %add3A_81, %mul3A_82 : i32
      %add3A_84 = arith.constant 0 : i32
      %add3A_85 = arith.addi %mul3A_83, %add3A_84 : i32
      %dma_wait3A_86 = arith.constant 0 : i32
      %dma_wait3A_87 = arith.constant 0 : i32
      %dma_wait3A_88 = tpu.memref_slice %arg6[%dma_wait3A_86, %dma_wait3A_87] : memref<640x64xf32, #tpu.memory_space<vmem>> -> memref<128x64xf32, #tpu.memory_space<vmem>>
      %dma_wait3A_89 = arith.constant 0 : i32
      %dma_wait3A_90 = tpu.memref_slice %arg5[%add3A_85, %dma_wait3A_89] : memref<200x128xi32, #tpu.memory_space<vmem>> -> memref<1x128xi32, #tpu.memory_space<vmem>>
      %dma_wait3A_91 = tpu.memref_squeeze %dma_wait3A_90 : memref<1x128xi32, #tpu.memory_space<vmem>> -> memref<128xi32, #tpu.memory_space<vmem>>
      %dma_wait3A_92 = arith.constant 0 : i32
      %dma_wait3A_93 = arith.constant 0 : i32
      %dma_wait3A_94 = tpu.memref_slice %arg3[%dma_wait3A_92, %dma_wait3A_93] : memref<1000000x64xf32, #tpu.memory_space<hbm>> -> memref<1000000x64xf32, #tpu.memory_space<hbm>>
      tpu.wait_indirect_dma semaphore(%arg9 : memref<!tpu.dma_semaphore, #tpu.memory_space<semaphore_mem>>) src(%dma_wait3A_94 : memref<1000000x64xf32, #tpu.memory_space<hbm>>) dst(%dma_wait3A_88 : memref<128x64xf32, #tpu.memory_space<vmem>>)
      %mul3A_95 = arith.constant 5 : i32
      %mul3A_96 = arith.muli %add3A_81, %mul3A_95 : i32
      %add3A_97 = arith.constant 1 : i32
      %add3A_98 = arith.addi %mul3A_96, %add3A_97 : i32
      %dma_wait3A_99 = arith.constant 128 : i32
      %dma_wait3A_100 = arith.constant 0 : i32
      %dma_wait3A_101 = tpu.memref_slice %arg6[%dma_wait3A_99, %dma_wait3A_100] : memref<640x64xf32, #tpu.memory_space<vmem>> -> memref<128x64xf32, #tpu.memory_space<vmem>>
      %dma_wait3A_102 = arith.constant 0 : i32
      %dma_wait3A_103 = tpu.memref_slice %arg5[%add3A_98, %dma_wait3A_102] : memref<200x128xi32, #tpu.memory_space<vmem>> -> memref<1x128xi32, #tpu.memory_space<vmem>>
      %dma_wait3A_104 = tpu.memref_squeeze %dma_wait3A_103 : memref<1x128xi32, #tpu.memory_space<vmem>> -> memref<128xi32, #tpu.memory_space<vmem>>
      %dma_wait3A_105 = arith.constant 0 : i32
      %dma_wait3A_106 = arith.constant 0 : i32
      %dma_wait3A_107 = tpu.memref_slice %arg3[%dma_wait3A_105, %dma_wait3A_106] : memref<1000000x64xf32, #tpu.memory_space<hbm>> -> memref<1000000x64xf32, #tpu.memory_space<hbm>>
      tpu.wait_indirect_dma semaphore(%arg9 : memref<!tpu.dma_semaphore, #tpu.memory_space<semaphore_mem>>) src(%dma_wait3A_107 : memref<1000000x64xf32, #tpu.memory_space<hbm>>) dst(%dma_wait3A_101 : memref<128x64xf32, #tpu.memory_space<vmem>>)
      %mul3A_108 = arith.constant 5 : i32
      %mul3A_109 = arith.muli %add3A_81, %mul3A_108 : i32
      %add3A_110 = arith.constant 2 : i32
      %add3A_111 = arith.addi %mul3A_109, %add3A_110 : i32
      %dma_wait3A_112 = arith.constant 256 : i32
      %dma_wait3A_113 = arith.constant 0 : i32
      %dma_wait3A_114 = tpu.memref_slice %arg6[%dma_wait3A_112, %dma_wait3A_113] : memref<640x64xf32, #tpu.memory_space<vmem>> -> memref<128x64xf32, #tpu.memory_space<vmem>>
      %dma_wait3A_115 = arith.constant 0 : i32
      %dma_wait3A_116 = tpu.memref_slice %arg5[%add3A_111, %dma_wait3A_115] : memref<200x128xi32, #tpu.memory_space<vmem>> -> memref<1x128xi32, #tpu.memory_space<vmem>>
      %dma_wait3A_117 = tpu.memref_squeeze %dma_wait3A_116 : memref<1x128xi32, #tpu.memory_space<vmem>> -> memref<128xi32, #tpu.memory_space<vmem>>
      %dma_wait3A_118 = arith.constant 0 : i32
      %dma_wait3A_119 = arith.constant 0 : i32
      %dma_wait3A_120 = tpu.memref_slice %arg3[%dma_wait3A_118, %dma_wait3A_119] : memref<1000000x64xf32, #tpu.memory_space<hbm>> -> memref<1000000x64xf32, #tpu.memory_space<hbm>>
      tpu.wait_indirect_dma semaphore(%arg9 : memref<!tpu.dma_semaphore, #tpu.memory_space<semaphore_mem>>) src(%dma_wait3A_120 : memref<1000000x64xf32, #tpu.memory_space<hbm>>) dst(%dma_wait3A_114 : memref<128x64xf32, #tpu.memory_space<vmem>>)
      %mul3A_121 = arith.constant 5 : i32
      %mul3A_122 = arith.muli %add3A_81, %mul3A_121 : i32
      %add3A_123 = arith.constant 3 : i32
      %add3A_124 = arith.addi %mul3A_122, %add3A_123 : i32
      %dma_wait3A_125 = arith.constant 384 : i32
      %dma_wait3A_126 = arith.constant 0 : i32
      %dma_wait3A_127 = tpu.memref_slice %arg6[%dma_wait3A_125, %dma_wait3A_126] : memref<640x64xf32, #tpu.memory_space<vmem>> -> memref<128x64xf32, #tpu.memory_space<vmem>>
      %dma_wait3A_128 = arith.constant 0 : i32
      %dma_wait3A_129 = tpu.memref_slice %arg5[%add3A_124, %dma_wait3A_128] : memref<200x128xi32, #tpu.memory_space<vmem>> -> memref<1x128xi32, #tpu.memory_space<vmem>>
      %dma_wait3A_130 = tpu.memref_squeeze %dma_wait3A_129 : memref<1x128xi32, #tpu.memory_space<vmem>> -> memref<128xi32, #tpu.memory_space<vmem>>
      %dma_wait3A_131 = arith.constant 0 : i32
      %dma_wait3A_132 = arith.constant 0 : i32
      %dma_wait3A_133 = tpu.memref_slice %arg3[%dma_wait3A_131, %dma_wait3A_132] : memref<1000000x64xf32, #tpu.memory_space<hbm>> -> memref<1000000x64xf32, #tpu.memory_space<hbm>>
      tpu.wait_indirect_dma semaphore(%arg9 : memref<!tpu.dma_semaphore, #tpu.memory_space<semaphore_mem>>) src(%dma_wait3A_133 : memref<1000000x64xf32, #tpu.memory_space<hbm>>) dst(%dma_wait3A_127 : memref<128x64xf32, #tpu.memory_space<vmem>>)
      %mul3A_134 = arith.constant 5 : i32
      %mul3A_135 = arith.muli %add3A_81, %mul3A_134 : i32
      %add3A_136 = arith.constant 4 : i32
      %add3A_137 = arith.addi %mul3A_135, %add3A_136 : i32
      %dma_wait3A_138 = arith.constant 512 : i32
      %dma_wait3A_139 = arith.constant 0 : i32
      %dma_wait3A_140 = tpu.memref_slice %arg6[%dma_wait3A_138, %dma_wait3A_139] : memref<640x64xf32, #tpu.memory_space<vmem>> -> memref<128x64xf32, #tpu.memory_space<vmem>>
      %dma_wait3A_141 = arith.constant 0 : i32
      %dma_wait3A_142 = tpu.memref_slice %arg5[%add3A_137, %dma_wait3A_141] : memref<200x128xi32, #tpu.memory_space<vmem>> -> memref<1x128xi32, #tpu.memory_space<vmem>>
      %dma_wait3A_143 = tpu.memref_squeeze %dma_wait3A_142 : memref<1x128xi32, #tpu.memory_space<vmem>> -> memref<128xi32, #tpu.memory_space<vmem>>
      %dma_wait3A_144 = arith.constant 0 : i32
      %dma_wait3A_145 = arith.constant 0 : i32
      %dma_wait3A_146 = tpu.memref_slice %arg3[%dma_wait3A_144, %dma_wait3A_145] : memref<1000000x64xf32, #tpu.memory_space<hbm>> -> memref<1000000x64xf32, #tpu.memory_space<hbm>>
      tpu.wait_indirect_dma semaphore(%arg9 : memref<!tpu.dma_semaphore, #tpu.memory_space<semaphore_mem>>) src(%dma_wait3A_146 : memref<1000000x64xf32, #tpu.memory_space<hbm>>) dst(%dma_wait3A_140 : memref<128x64xf32, #tpu.memory_space<vmem>>)
      %add3A_147 = arith.constant 1 : i32
      %add3A_148 = arith.addi %add3A_81, %add3A_147 : i32
      %lt3A = arith.constant 40 : i32
      %lt3A_149 = arith.cmpi slt, %add3A_148, %lt3A : i32
      %convert_element_type3A = arith.extui %lt3A_149 : i1 to i32
      %cond3A = arith.constant 0 : i32
      %cond3A_150 = arith.cmpi ne, %convert_element_type3A, %cond3A : i32
      scf.if %cond3A_150 {
        %ge3A = arith.constant 1 : i32
        %ge3A_283 = arith.cmpi sge, %add3A_81, %ge3A : i32
        %convert_element_type3A_284 = arith.extui %ge3A_283 : i1 to i32
        %cond3A_285 = arith.constant 0 : i32
        %cond3A_286 = arith.cmpi ne, %convert_element_type3A_284, %cond3A_285 : i32
        scf.if %cond3A_286 {
          %sub3A = arith.constant 1 : i32
          %sub3A_354 = arith.subi %add3A_81, %sub3A : i32
          %mul3A_355 = arith.constant 640 : i32
          %mul3A_356 = arith.muli %sub3A_354, %mul3A_355 : i32
          %add3A_357 = arith.addi %mul3A_2, %mul3A_356 : i32
          %dma_wait3A_358 = arith.constant 0 : i32
          %dma_wait3A_359 = tpu.memref_slice %arg4[%add3A_357, %dma_wait3A_358] : memref<819200x128xf32, #tpu.memory_space<hbm>> -> memref<640x64xf32, #tpu.memory_space<hbm>>
          %dma_wait3A_360 = arith.constant 0 : i32
          %dma_wait3A_361 = tpu.memref_slice %arg4[%add3A_357, %dma_wait3A_360] : memref<819200x128xf32, #tpu.memory_space<hbm>> -> memref<640x64xf32, #tpu.memory_space<hbm>>
          tpu.wait_dma2 semaphore(%arg12 : memref<!tpu.dma_semaphore, #tpu.memory_space<semaphore_mem>>) src(%arg7 : memref<640x64xf32, #tpu.memory_space<vmem>>) dst(%dma_wait3A_361 : memref<640x64xf32, #tpu.memory_space<hbm>>)
        } else {
        }
        %add3A_287 = arith.constant 1 : i32
        %add3A_288 = arith.addi %add3A_81, %add3A_287 : i32
        %mul3A_289 = arith.constant 5 : i32
        %mul3A_290 = arith.muli %add3A_288, %mul3A_289 : i32
        %add3A_291 = arith.constant 0 : i32
        %add3A_292 = arith.addi %mul3A_290, %add3A_291 : i32
        %dma_start3A_293 = arith.constant 0 : i32
        %dma_start3A_294 = arith.constant 0 : i32
        %dma_start3A_295 = tpu.memref_slice %arg7[%dma_start3A_293, %dma_start3A_294] : memref<640x64xf32, #tpu.memory_space<vmem>> -> memref<128x64xf32, #tpu.memory_space<vmem>>
        %dma_start3A_296 = arith.constant 0 : i32
        %dma_start3A_297 = tpu.memref_slice %arg5[%add3A_292, %dma_start3A_296] : memref<200x128xi32, #tpu.memory_space<vmem>> -> memref<1x128xi32, #tpu.memory_space<vmem>>
        %dma_start3A_298 = tpu.memref_squeeze %dma_start3A_297 : memref<1x128xi32, #tpu.memory_space<vmem>> -> memref<128xi32, #tpu.memory_space<vmem>>
        %dma_start3A_299 = arith.constant 0 : i32
        %dma_start3A_300 = arith.constant 0 : i32
        %dma_start3A_301 = tpu.memref_slice %arg3[%dma_start3A_299, %dma_start3A_300] : memref<1000000x64xf32, #tpu.memory_space<hbm>> -> memref<1000000x64xf32, #tpu.memory_space<hbm>>
        tpu.enqueue_indirect_dma source(%dma_start3A_301 : memref<1000000x64xf32, #tpu.memory_space<hbm>>) target(%dma_start3A_295 : memref<128x64xf32, #tpu.memory_space<vmem>>) offsets(%dma_start3A_298 : memref<128xi32, #tpu.memory_space<vmem>>) semaphore(%arg10 : memref<!tpu.dma_semaphore, #tpu.memory_space<semaphore_mem>>)
        %mul3A_302 = arith.constant 5 : i32
        %mul3A_303 = arith.muli %add3A_288, %mul3A_302 : i32
        %add3A_304 = arith.constant 1 : i32
        %add3A_305 = arith.addi %mul3A_303, %add3A_304 : i32
        %dma_start3A_306 = arith.constant 128 : i32
        %dma_start3A_307 = arith.constant 0 : i32
        %dma_start3A_308 = tpu.memref_slice %arg7[%dma_start3A_306, %dma_start3A_307] : memref<640x64xf32, #tpu.memory_space<vmem>> -> memref<128x64xf32, #tpu.memory_space<vmem>>
        %dma_start3A_309 = arith.constant 0 : i32
        %dma_start3A_310 = tpu.memref_slice %arg5[%add3A_305, %dma_start3A_309] : memref<200x128xi32, #tpu.memory_space<vmem>> -> memref<1x128xi32, #tpu.memory_space<vmem>>
        %dma_start3A_311 = tpu.memref_squeeze %dma_start3A_310 : memref<1x128xi32, #tpu.memory_space<vmem>> -> memref<128xi32, #tpu.memory_space<vmem>>
        %dma_start3A_312 = arith.constant 0 : i32
        %dma_start3A_313 = arith.constant 0 : i32
        %dma_start3A_314 = tpu.memref_slice %arg3[%dma_start3A_312, %dma_start3A_313] : memref<1000000x64xf32, #tpu.memory_space<hbm>> -> memref<1000000x64xf32, #tpu.memory_space<hbm>>
        tpu.enqueue_indirect_dma source(%dma_start3A_314 : memref<1000000x64xf32, #tpu.memory_space<hbm>>) target(%dma_start3A_308 : memref<128x64xf32, #tpu.memory_space<vmem>>) offsets(%dma_start3A_311 : memref<128xi32, #tpu.memory_space<vmem>>) semaphore(%arg10 : memref<!tpu.dma_semaphore, #tpu.memory_space<semaphore_mem>>)
        %mul3A_315 = arith.constant 5 : i32
        %mul3A_316 = arith.muli %add3A_288, %mul3A_315 : i32
        %add3A_317 = arith.constant 2 : i32
        %add3A_318 = arith.addi %mul3A_316, %add3A_317 : i32
        %dma_start3A_319 = arith.constant 256 : i32
        %dma_start3A_320 = arith.constant 0 : i32
        %dma_start3A_321 = tpu.memref_slice %arg7[%dma_start3A_319, %dma_start3A_320] : memref<640x64xf32, #tpu.memory_space<vmem>> -> memref<128x64xf32, #tpu.memory_space<vmem>>
        %dma_start3A_322 = arith.constant 0 : i32
        %dma_start3A_323 = tpu.memref_slice %arg5[%add3A_318, %dma_start3A_322] : memref<200x128xi32, #tpu.memory_space<vmem>> -> memref<1x128xi32, #tpu.memory_space<vmem>>
        %dma_start3A_324 = tpu.memref_squeeze %dma_start3A_323 : memref<1x128xi32, #tpu.memory_space<vmem>> -> memref<128xi32, #tpu.memory_space<vmem>>
        %dma_start3A_325 = arith.constant 0 : i32
        %dma_start3A_326 = arith.constant 0 : i32
        %dma_start3A_327 = tpu.memref_slice %arg3[%dma_start3A_325, %dma_start3A_326] : memref<1000000x64xf32, #tpu.memory_space<hbm>> -> memref<1000000x64xf32, #tpu.memory_space<hbm>>
        tpu.enqueue_indirect_dma source(%dma_start3A_327 : memref<1000000x64xf32, #tpu.memory_space<hbm>>) target(%dma_start3A_321 : memref<128x64xf32, #tpu.memory_space<vmem>>) offsets(%dma_start3A_324 : memref<128xi32, #tpu.memory_space<vmem>>) semaphore(%arg10 : memref<!tpu.dma_semaphore, #tpu.memory_space<semaphore_mem>>)
        %mul3A_328 = arith.constant 5 : i32
        %mul3A_329 = arith.muli %add3A_288, %mul3A_328 : i32
        %add3A_330 = arith.constant 3 : i32
        %add3A_331 = arith.addi %mul3A_329, %add3A_330 : i32
        %dma_start3A_332 = arith.constant 384 : i32
        %dma_start3A_333 = arith.constant 0 : i32
        %dma_start3A_334 = tpu.memref_slice %arg7[%dma_start3A_332, %dma_start3A_333] : memref<640x64xf32, #tpu.memory_space<vmem>> -> memref<128x64xf32, #tpu.memory_space<vmem>>
        %dma_start3A_335 = arith.constant 0 : i32
        %dma_start3A_336 = tpu.memref_slice %arg5[%add3A_331, %dma_start3A_335] : memref<200x128xi32, #tpu.memory_space<vmem>> -> memref<1x128xi32, #tpu.memory_space<vmem>>
        %dma_start3A_337 = tpu.memref_squeeze %dma_start3A_336 : memref<1x128xi32, #tpu.memory_space<vmem>> -> memref<128xi32, #tpu.memory_space<vmem>>
        %dma_start3A_338 = arith.constant 0 : i32
        %dma_start3A_339 = arith.constant 0 : i32
        %dma_start3A_340 = tpu.memref_slice %arg3[%dma_start3A_338, %dma_start3A_339] : memref<1000000x64xf32, #tpu.memory_space<hbm>> -> memref<1000000x64xf32, #tpu.memory_space<hbm>>
        tpu.enqueue_indirect_dma source(%dma_start3A_340 : memref<1000000x64xf32, #tpu.memory_space<hbm>>) target(%dma_start3A_334 : memref<128x64xf32, #tpu.memory_space<vmem>>) offsets(%dma_start3A_337 : memref<128xi32, #tpu.memory_space<vmem>>) semaphore(%arg10 : memref<!tpu.dma_semaphore, #tpu.memory_space<semaphore_mem>>)
        %mul3A_341 = arith.constant 5 : i32
        %mul3A_342 = arith.muli %add3A_288, %mul3A_341 : i32
        %add3A_343 = arith.constant 4 : i32
        %add3A_344 = arith.addi %mul3A_342, %add3A_343 : i32
        %dma_start3A_345 = arith.constant 512 : i32
        %dma_start3A_346 = arith.constant 0 : i32
        %dma_start3A_347 = tpu.memref_slice %arg7[%dma_start3A_345, %dma_start3A_346] : memref<640x64xf32, #tpu.memory_space<vmem>> -> memref<128x64xf32, #tpu.memory_space<vmem>>
        %dma_start3A_348 = arith.constant 0 : i32
        %dma_start3A_349 = tpu.memref_slice %arg5[%add3A_344, %dma_start3A_348] : memref<200x128xi32, #tpu.memory_space<vmem>> -> memref<1x128xi32, #tpu.memory_space<vmem>>
        %dma_start3A_350 = tpu.memref_squeeze %dma_start3A_349 : memref<1x128xi32, #tpu.memory_space<vmem>> -> memref<128xi32, #tpu.memory_space<vmem>>
        %dma_start3A_351 = arith.constant 0 : i32
        %dma_start3A_352 = arith.constant 0 : i32
        %dma_start3A_353 = tpu.memref_slice %arg3[%dma_start3A_351, %dma_start3A_352] : memref<1000000x64xf32, #tpu.memory_space<hbm>> -> memref<1000000x64xf32, #tpu.memory_space<hbm>>
        tpu.enqueue_indirect_dma source(%dma_start3A_353 : memref<1000000x64xf32, #tpu.memory_space<hbm>>) target(%dma_start3A_347 : memref<128x64xf32, #tpu.memory_space<vmem>>) offsets(%dma_start3A_350 : memref<128xi32, #tpu.memory_space<vmem>>) semaphore(%arg10 : memref<!tpu.dma_semaphore, #tpu.memory_space<semaphore_mem>>)
      } else {
      }
      %broadcast_in_dim3A = arith.constant false
      %broadcast_in_dim3A_151 = vector.broadcast %broadcast_in_dim3A : i1 to vector<16xi1>
      %scan3A_152 = arith.constant 0 : i32
      %scan3A_153 = arith.constant 80 : i32
      %scan3A_154 = arith.addi %scan3A_152, %scan3A_153 : i32
      %scan3A_155 = arith.constant 1 : i32
      %scan3A_156 = scf.for %scan3A_283 = %scan3A_152 to %scan3A_154 step %scan3A_155 iter_args(%scan3A_284 = %broadcast_in_dim3A_151) -> (vector<16xi1>)  : i32 {
        %mul3A_285 = arith.constant 8 : i32
        %mul3A_286 = arith.muli %scan3A_283, %mul3A_285 : i32
        %add3A_287 = arith.constant 0 : i32
        %add3A_288 = arith.addi %mul3A_286, %add3A_287 : i32
        %get3A_289 = arith.index_cast %add3A_288 : i32 to index
        %get3A_290 = arith.constant 0 : index
        %get3A_291 = tpu.vector_load %arg6[%get3A_289, %get3A_290] {strides = array<i32>} : memref<640x64xf32, #tpu.memory_space<vmem>>, vector<16xf32>,
        %eq3A = arith.cmpf oeq, %get3A_291, %get3A_5 : vector<16xf32>
        %or3A = arith.ori %scan3A_284, %eq3A : vector<16xi1>
        %mul3A_292 = arith.constant 8 : i32
        %mul3A_293 = arith.muli %scan3A_283, %mul3A_292 : i32
        %add3A_294 = arith.constant 1 : i32
        %add3A_295 = arith.addi %mul3A_293, %add3A_294 : i32
        %get3A_296 = arith.index_cast %add3A_295 : i32 to index
        %get3A_297 = arith.constant 0 : index
        %get3A_298 = tpu.vector_load %arg6[%get3A_296, %get3A_297] {strides = array<i32>} : memref<640x64xf32, #tpu.memory_space<vmem>>, vector<16xf32>,
        %eq3A_299 = arith.cmpf oeq, %get3A_298, %get3A_5 : vector<16xf32>
        %or3A_300 = arith.ori %or3A, %eq3A_299 : vector<16xi1>
        %mul3A_301 = arith.constant 8 : i32
        %mul3A_302 = arith.muli %scan3A_283, %mul3A_301 : i32
        %add3A_303 = arith.constant 2 : i32
        %add3A_304 = arith.addi %mul3A_302, %add3A_303 : i32
        %get3A_305 = arith.index_cast %add3A_304 : i32 to index
        %get3A_306 = arith.constant 0 : index
        %get3A_307 = tpu.vector_load %arg6[%get3A_305, %get3A_306] {strides = array<i32>} : memref<640x64xf32, #tpu.memory_space<vmem>>, vector<16xf32>,
        %eq3A_308 = arith.cmpf oeq, %get3A_307, %get3A_5 : vector<16xf32>
        %or3A_309 = arith.ori %or3A_300, %eq3A_308 : vector<16xi1>
        %mul3A_310 = arith.constant 8 : i32
        %mul3A_311 = arith.muli %scan3A_283, %mul3A_310 : i32
        %add3A_312 = arith.constant 3 : i32
        %add3A_313 = arith.addi %mul3A_311, %add3A_312 : i32
        %get3A_314 = arith.index_cast %add3A_313 : i32 to index
        %get3A_315 = arith.constant 0 : index
        %get3A_316 = tpu.vector_load %arg6[%get3A_314, %get3A_315] {strides = array<i32>} : memref<640x64xf32, #tpu.memory_space<vmem>>, vector<16xf32>,
        %eq3A_317 = arith.cmpf oeq, %get3A_316, %get3A_5 : vector<16xf32>
        %or3A_318 = arith.ori %or3A_309, %eq3A_317 : vector<16xi1>
        %mul3A_319 = arith.constant 8 : i32
        %mul3A_320 = arith.muli %scan3A_283, %mul3A_319 : i32
        %add3A_321 = arith.constant 4 : i32
        %add3A_322 = arith.addi %mul3A_320, %add3A_321 : i32
        %get3A_323 = arith.index_cast %add3A_322 : i32 to index
        %get3A_324 = arith.constant 0 : index
        %get3A_325 = tpu.vector_load %arg6[%get3A_323, %get3A_324] {strides = array<i32>} : memref<640x64xf32, #tpu.memory_space<vmem>>, vector<16xf32>,
        %eq3A_326 = arith.cmpf oeq, %get3A_325, %get3A_5 : vector<16xf32>
        %or3A_327 = arith.ori %or3A_318, %eq3A_326 : vector<16xi1>
        %mul3A_328 = arith.constant 8 : i32
        %mul3A_329 = arith.muli %scan3A_283, %mul3A_328 : i32
        %add3A_330 = arith.constant 5 : i32
        %add3A_331 = arith.addi %mul3A_329, %add3A_330 : i32
        %get3A_332 = arith.index_cast %add3A_331 : i32 to index
        %get3A_333 = arith.constant 0 : index
        %get3A_334 = tpu.vector_load %arg6[%get3A_332, %get3A_333] {strides = array<i32>} : memref<640x64xf32, #tpu.memory_space<vmem>>, vector<16xf32>,
        %eq3A_335 = arith.cmpf oeq, %get3A_334, %get3A_5 : vector<16xf32>
        %or3A_336 = arith.ori %or3A_327, %eq3A_335 : vector<16xi1>
        %mul3A_337 = arith.constant 8 : i32
        %mul3A_338 = arith.muli %scan3A_283, %mul3A_337 : i32
        %add3A_339 = arith.constant 6 : i32
        %add3A_340 = arith.addi %mul3A_338, %add3A_339 : i32
        %get3A_341 = arith.index_cast %add3A_340 : i32 to index
        %get3A_342 = arith.constant 0 : index
        %get3A_343 = tpu.vector_load %arg6[%get3A_341, %get3A_342] {strides = array<i32>} : memref<640x64xf32, #tpu.memory_space<vmem>>, vector<16xf32>,
        %eq3A_344 = arith.cmpf oeq, %get3A_343, %get3A_5 : vector<16xf32>
        %or3A_345 = arith.ori %or3A_336, %eq3A_344 : vector<16xi1>
        %mul3A_346 = arith.constant 8 : i32
        %mul3A_347 = arith.muli %scan3A_283, %mul3A_346 : i32
        %add3A_348 = arith.constant 7 : i32
        %add3A_349 = arith.addi %mul3A_347, %add3A_348 : i32
        %get3A_350 = arith.index_cast %add3A_349 : i32 to index
        %get3A_351 = arith.constant 0 : index
        %get3A_352 = tpu.vector_load %arg6[%get3A_350, %get3A_351] {strides = array<i32>} : memref<640x64xf32, #tpu.memory_space<vmem>>, vector<16xf32>,
        %eq3A_353 = arith.cmpf oeq, %get3A_352, %get3A_5 : vector<16xf32>
        %or3A_354 = arith.ori %or3A_345, %eq3A_353 : vector<16xi1>
        scf.yield %or3A_354 : vector<16xi1>
      }
      %scan3A_157 = arith.constant 80 : i32
      %reduce_or3A = arith.constant 1.000000e+00 : f32
      %reduce_or3A_158 = arith.constant 0.000000e+00 : f32
      %reduce_or3A_159 = vector.broadcast %reduce_or3A : f32 to vector<16xf32>
      %reduce_or3A_160 = vector.broadcast %reduce_or3A_158 : f32 to vector<16xf32>
      %reduce_or3A_161 = arith.select %scan3A_156, %reduce_or3A_159, %reduce_or3A_160 : vector<16xi1>, vector<16xf32>
      %reduce_or3A_162 = arith.constant true
      %reduce_or3A_163 = vector.broadcast %reduce_or3A_162 : i1 to vector<16xi1>
      %reduce_or3A_164 = tpu.scan <max>, %reduce_or3A_161 masked %reduce_or3A_163 : vector<16xf32>, vector<16xi1> -> vector<16xf32>
      %reduce_or3A_165 = vector.extract %reduce_or3A_164[15] : f32 from vector<16xf32>
      %reduce_or3A_166 = arith.constant 0.000000e+00 : f32
      %reduce_or3A_167 = arith.cmpf ogt, %reduce_or3A_165, %reduce_or3A_166 : f32
      %convert_element_type3A_168 = arith.extui %reduce_or3A_167 : i1 to i32
      %cond3A_169 = arith.constant 0 : i32
      %cond3A_170 = arith.cmpi ne, %convert_element_type3A_168, %cond3A_169 : i32
      scf.if %cond3A_170 {
        %scan3A_283 = arith.constant 0 : i32
        %scan3A_284 = arith.constant 0 : i32
        %scan3A_285 = arith.constant 160 : i32
        %scan3A_286 = arith.addi %scan3A_284, %scan3A_285 : i32
        %scan3A_287 = arith.constant 1 : i32
        scf.for %scan3A_289 = %scan3A_284 to %scan3A_286 step %scan3A_287  : i32 {
          %mul3A_290 = arith.constant 4 : i32
          %mul3A_291 = arith.muli %scan3A_289, %mul3A_290 : i32
          %add3A_292 = arith.constant 0 : i32
          %add3A_293 = arith.addi %mul3A_291, %add3A_292 : i32
          %get3A_294 = arith.index_cast %add3A_293 : i32 to index
          %get3A_295 = arith.constant 0 : index
          %get3A_296 = tpu.vector_load %arg6[%get3A_294, %get3A_295] {strides = array<i32>} : memref<640x64xf32, #tpu.memory_space<vmem>>, vector<16xf32>,
          %get3A_297 = arith.index_cast %add3A_293 : i32 to index
          %get3A_298 = arith.constant 16 : index
          %get3A_299 = tpu.vector_load %arg6[%get3A_297, %get3A_298] {strides = array<i32>} : memref<640x64xf32, #tpu.memory_space<vmem>>, vector<16xf32>,
          %get3A_300 = arith.index_cast %add3A_293 : i32 to index
          %get3A_301 = arith.constant 32 : index
          %get3A_302 = tpu.vector_load %arg6[%get3A_300, %get3A_301] {strides = array<i32>} : memref<640x64xf32, #tpu.memory_space<vmem>>, vector<16xf32>,
          %get3A_303 = arith.index_cast %add3A_293 : i32 to index
          %get3A_304 = arith.constant 48 : index
          %get3A_305 = tpu.vector_load %arg6[%get3A_303, %get3A_304] {strides = array<i32>} : memref<640x64xf32, #tpu.memory_space<vmem>>, vector<16xf32>,
          %ne3A = arith.cmpf one, %get3A_296, %get3A_5 : vector<16xf32>
          %ne3A_306 = arith.cmpf one, %get3A_299, %get3A_7 : vector<16xf32>
          %or3A = arith.ori %ne3A, %ne3A_306 : vector<16xi1>
          %ne3A_307 = arith.cmpf one, %get3A_302, %get3A_9 : vector<16xf32>
          %or3A_308 = arith.ori %or3A, %ne3A_307 : vector<16xi1>
          %ne3A_309 = arith.cmpf one, %get3A_305, %get3A_11 : vector<16xf32>
          %or3A_310 = arith.ori %or3A_308, %ne3A_309 : vector<16xi1>
          %convert_element_type3A_311 = arith.extui %or3A_310 : vector<16xi1> to vector<16xi32>
          %convert_element_type3A_312 = arith.sitofp %convert_element_type3A_311 : vector<16xi32> to vector<16xf32>
          %iota3A = tpu.iota {dimensions = array<i32: 0>} : vector<16xi32>
          %add3A_313 = arith.constant 8 : i32
          %add3A_314 = vector.broadcast %add3A_313 : i32 to vector<16xi32>
          %add3A_315 = arith.addi %iota3A, %add3A_314 : vector<16xi32>
          %jit3A = arith.constant 16 : i32
          %eq3A = arith.constant 0 : i32
          %eq3A_316 = arith.cmpi eq, %jit3A, %eq3A : i32
          %jit3A_317 = arith.constant 1 : i32
          %select_n3A = arith.select %eq3A_316, %jit3A_317, %jit3A : i32
          %rem3A = vector.broadcast %select_n3A : i32 to vector<16xi32>
          %rem3A_318 = arith.remsi %add3A_315, %rem3A : vector<16xi32>
          %ne3A_319 = arith.constant 0 : i32
          %ne3A_320 = vector.broadcast %ne3A_319 : i32 to vector<16xi32>
          %ne3A_321 = arith.cmpi ne, %rem3A_318, %ne3A_320 : vector<16xi32>
          %lt3A_322 = arith.constant 0 : i32
          %lt3A_323 = vector.broadcast %lt3A_322 : i32 to vector<16xi32>
          %lt3A_324 = arith.cmpi slt, %rem3A_318, %lt3A_323 : vector<16xi32>
          %lt3A_325 = arith.constant 0 : i32
          %lt3A_326 = arith.cmpi slt, %select_n3A, %lt3A_325 : i32
          %ne3A_327 = vector.broadcast %lt3A_326 : i1 to vector<16xi1>
          %ne3A_328 = vector.broadcast %ne3A_327 : vector<16xi1> to vector<16xi1>
          %ne3A_329 = arith.xori %lt3A_324, %ne3A_328 : vector<16xi1>
          %and3A = arith.andi %ne3A_329, %ne3A_321 : vector<16xi1>
          %add3A_330 = vector.broadcast %select_n3A : i32 to vector<16xi32>
          %add3A_331 = arith.addi %rem3A_318, %add3A_330 : vector<16xi32>
          %select_n3A_332 = arith.select %and3A, %add3A_331, %rem3A_318 : vector<16xi1>, vector<16xi32>
          %lt3A_333 = arith.constant 0 : i32
          %lt3A_334 = vector.broadcast %lt3A_333 : i32 to vector<16xi32>
          %lt3A_335 = arith.cmpi slt, %select_n3A_332, %lt3A_334 : vector<16xi32>
          %add3A_336 = arith.constant 16 : i32
          %add3A_337 = vector.broadcast %add3A_336 : i32 to vector<16xi32>
          %add3A_338 = arith.addi %select_n3A_332, %add3A_337 : vector<16xi32>
          %select_n3A_339 = arith.select %lt3A_335, %add3A_338, %select_n3A_332 : vector<16xi1>, vector<16xi32>
          %broadcast_in_dim3A_340 = vector.shape_cast %select_n3A_339 : vector<16xi32> to vector<16x1xi32>
          %gather3A = vector.shape_cast %broadcast_in_dim3A_340 : vector<16x1xi32> to vector<16xi32>
          %gather3A_341 = tpu.dynamic_gather %convert_element_type3A_312[%gather3A] in [0] : vector<16xf32>, vector<16xi32> -> vector<16xf32>
          %max3A = arith.maximumf %convert_element_type3A_312, %gather3A_341 : vector<16xf32>
          %iota3A_342 = tpu.iota {dimensions = array<i32: 0>} : vector<16xi32>
          %add3A_343 = arith.constant 4 : i32
          %add3A_344 = vector.broadcast %add3A_343 : i32 to vector<16xi32>
          %add3A_345 = arith.addi %iota3A_342, %add3A_344 : vector<16xi32>
          %jit3A_346 = arith.constant 16 : i32
          %eq3A_347 = arith.constant 0 : i32
          %eq3A_348 = arith.cmpi eq, %jit3A_346, %eq3A_347 : i32
          %jit3A_349 = arith.constant 1 : i32
          %select_n3A_350 = arith.select %eq3A_348, %jit3A_349, %jit3A_346 : i32
          %rem3A_351 = vector.broadcast %select_n3A_350 : i32 to vector<16xi32>
          %rem3A_352 = arith.remsi %add3A_345, %rem3A_351 : vector<16xi32>
          %ne3A_353 = arith.constant 0 : i32
          %ne3A_354 = vector.broadcast %ne3A_353 : i32 to vector<16xi32>
          %ne3A_355 = arith.cmpi ne, %rem3A_352, %ne3A_354 : vector<16xi32>
          %lt3A_356 = arith.constant 0 : i32
          %lt3A_357 = vector.broadcast %lt3A_356 : i32 to vector<16xi32>
          %lt3A_358 = arith.cmpi slt, %rem3A_352, %lt3A_357 : vector<16xi32>
          %lt3A_359 = arith.constant 0 : i32
          %lt3A_360 = arith.cmpi slt, %select_n3A_350, %lt3A_359 : i32
          %ne3A_361 = vector.broadcast %lt3A_360 : i1 to vector<16xi1>
          %ne3A_362 = vector.broadcast %ne3A_361 : vector<16xi1> to vector<16xi1>
          %ne3A_363 = arith.xori %lt3A_358, %ne3A_362 : vector<16xi1>
          %and3A_364 = arith.andi %ne3A_363, %ne3A_355 : vector<16xi1>
          %add3A_365 = vector.broadcast %select_n3A_350 : i32 to vector<16xi32>
          %add3A_366 = arith.addi %rem3A_352, %add3A_365 : vector<16xi32>
          %select_n3A_367 = arith.select %and3A_364, %add3A_366, %rem3A_352 : vector<16xi1>, vector<16xi32>
          %lt3A_368 = arith.constant 0 : i32
          %lt3A_369 = vector.broadcast %lt3A_368 : i32 to vector<16xi32>
          %lt3A_370 = arith.cmpi slt, %select_n3A_367, %lt3A_369 : vector<16xi32>
          %add3A_371 = arith.constant 16 : i32
          %add3A_372 = vector.broadcast %add3A_371 : i32 to vector<16xi32>
          %add3A_373 = arith.addi %select_n3A_367, %add3A_372 : vector<16xi32>
          %select_n3A_374 = arith.select %lt3A_370, %add3A_373, %select_n3A_367 : vector<16xi1>, vector<16xi32>
          %broadcast_in_dim3A_375 = vector.shape_cast %select_n3A_374 : vector<16xi32> to vector<16x1xi32>
          %gather3A_376 = vector.shape_cast %broadcast_in_dim3A_375 : vector<16x1xi32> to vector<16xi32>
          %gather3A_377 = tpu.dynamic_gather %max3A[%gather3A_376] in [0] : vector<16xf32>, vector<16xi32> -> vector<16xf32>
          %max3A_378 = arith.maximumf %max3A, %gather3A_377 : vector<16xf32>
          %iota3A_379 = tpu.iota {dimensions = array<i32: 0>} : vector<16xi32>
          %add3A_380 = arith.constant 2 : i32
          %add3A_381 = vector.broadcast %add3A_380 : i32 to vector<16xi32>
          %add3A_382 = arith.addi %iota3A_379, %add3A_381 : vector<16xi32>
          %jit3A_383 = arith.constant 16 : i32
          %eq3A_384 = arith.constant 0 : i32
          %eq3A_385 = arith.cmpi eq, %jit3A_383, %eq3A_384 : i32
          %jit3A_386 = arith.constant 1 : i32
          %select_n3A_387 = arith.select %eq3A_385, %jit3A_386, %jit3A_383 : i32
          %rem3A_388 = vector.broadcast %select_n3A_387 : i32 to vector<16xi32>
          %rem3A_389 = arith.remsi %add3A_382, %rem3A_388 : vector<16xi32>
          %ne3A_390 = arith.constant 0 : i32
          %ne3A_391 = vector.broadcast %ne3A_390 : i32 to vector<16xi32>
          %ne3A_392 = arith.cmpi ne, %rem3A_389, %ne3A_391 : vector<16xi32>
          %lt3A_393 = arith.constant 0 : i32
          %lt3A_394 = vector.broadcast %lt3A_393 : i32 to vector<16xi32>
          %lt3A_395 = arith.cmpi slt, %rem3A_389, %lt3A_394 : vector<16xi32>
          %lt3A_396 = arith.constant 0 : i32
          %lt3A_397 = arith.cmpi slt, %select_n3A_387, %lt3A_396 : i32
          %ne3A_398 = vector.broadcast %lt3A_397 : i1 to vector<16xi1>
          %ne3A_399 = vector.broadcast %ne3A_398 : vector<16xi1> to vector<16xi1>
          %ne3A_400 = arith.xori %lt3A_395, %ne3A_399 : vector<16xi1>
          %and3A_401 = arith.andi %ne3A_400, %ne3A_392 : vector<16xi1>
          %add3A_402 = vector.broadcast %select_n3A_387 : i32 to vector<16xi32>
          %add3A_403 = arith.addi %rem3A_389, %add3A_402 : vector<16xi32>
          %select_n3A_404 = arith.select %and3A_401, %add3A_403, %rem3A_389 : vector<16xi1>, vector<16xi32>
          %lt3A_405 = arith.constant 0 : i32
          %lt3A_406 = vector.broadcast %lt3A_405 : i32 to vector<16xi32>
          %lt3A_407 = arith.cmpi slt, %select_n3A_404, %lt3A_406 : vector<16xi32>
          %add3A_408 = arith.constant 16 : i32
          %add3A_409 = vector.broadcast %add3A_408 : i32 to vector<16xi32>
          %add3A_410 = arith.addi %select_n3A_404, %add3A_409 : vector<16xi32>
          %select_n3A_411 = arith.select %lt3A_407, %add3A_410, %select_n3A_404 : vector<16xi1>, vector<16xi32>
          %broadcast_in_dim3A_412 = vector.shape_cast %select_n3A_411 : vector<16xi32> to vector<16x1xi32>
          %gather3A_413 = vector.shape_cast %broadcast_in_dim3A_412 : vector<16x1xi32> to vector<16xi32>
          %gather3A_414 = tpu.dynamic_gather %max3A_378[%gather3A_413] in [0] : vector<16xf32>, vector<16xi32> -> vector<16xf32>
          %max3A_415 = arith.maximumf %max3A_378, %gather3A_414 : vector<16xf32>
          %iota3A_416 = tpu.iota {dimensions = array<i32: 0>} : vector<16xi32>
          %add3A_417 = arith.constant 1 : i32
          %add3A_418 = vector.broadcast %add3A_417 : i32 to vector<16xi32>
          %add3A_419 = arith.addi %iota3A_416, %add3A_418 : vector<16xi32>
          %jit3A_420 = arith.constant 16 : i32
          %eq3A_421 = arith.constant 0 : i32
          %eq3A_422 = arith.cmpi eq, %jit3A_420, %eq3A_421 : i32
          %jit3A_423 = arith.constant 1 : i32
          %select_n3A_424 = arith.select %eq3A_422, %jit3A_423, %jit3A_420 : i32
          %rem3A_425 = vector.broadcast %select_n3A_424 : i32 to vector<16xi32>
          %rem3A_426 = arith.remsi %add3A_419, %rem3A_425 : vector<16xi32>
          %ne3A_427 = arith.constant 0 : i32
          %ne3A_428 = vector.broadcast %ne3A_427 : i32 to vector<16xi32>
          %ne3A_429 = arith.cmpi ne, %rem3A_426, %ne3A_428 : vector<16xi32>
          %lt3A_430 = arith.constant 0 : i32
          %lt3A_431 = vector.broadcast %lt3A_430 : i32 to vector<16xi32>
          %lt3A_432 = arith.cmpi slt, %rem3A_426, %lt3A_431 : vector<16xi32>
          %lt3A_433 = arith.constant 0 : i32
          %lt3A_434 = arith.cmpi slt, %select_n3A_424, %lt3A_433 : i32
          %ne3A_435 = vector.broadcast %lt3A_434 : i1 to vector<16xi1>
          %ne3A_436 = vector.broadcast %ne3A_435 : vector<16xi1> to vector<16xi1>
          %ne3A_437 = arith.xori %lt3A_432, %ne3A_436 : vector<16xi1>
          %and3A_438 = arith.andi %ne3A_437, %ne3A_429 : vector<16xi1>
          %add3A_439 = vector.broadcast %select_n3A_424 : i32 to vector<16xi32>
          %add3A_440 = arith.addi %rem3A_426, %add3A_439 : vector<16xi32>
          %select_n3A_441 = arith.select %and3A_438, %add3A_440, %rem3A_426 : vector<16xi1>, vector<16xi32>
          %lt3A_442 = arith.constant 0 : i32
          %lt3A_443 = vector.broadcast %lt3A_442 : i32 to vector<16xi32>
          %lt3A_444 = arith.cmpi slt, %select_n3A_441, %lt3A_443 : vector<16xi32>
          %add3A_445 = arith.constant 16 : i32
          %add3A_446 = vector.broadcast %add3A_445 : i32 to vector<16xi32>
          %add3A_447 = arith.addi %select_n3A_441, %add3A_446 : vector<16xi32>
          %select_n3A_448 = arith.select %lt3A_444, %add3A_447, %select_n3A_441 : vector<16xi1>, vector<16xi32>
          %broadcast_in_dim3A_449 = vector.shape_cast %select_n3A_448 : vector<16xi32> to vector<16x1xi32>
          %gather3A_450 = vector.shape_cast %broadcast_in_dim3A_449 : vector<16x1xi32> to vector<16xi32>
          %gather3A_451 = tpu.dynamic_gather %max3A_415[%gather3A_450] in [0] : vector<16xf32>, vector<16xi32> -> vector<16xf32>
          %max3A_452 = arith.maximumf %max3A_415, %gather3A_451 : vector<16xf32>
          %mul3A_453 = arith.mulf %get3A_296, %max3A_452 : vector<16xf32>
          %swap3A = arith.index_cast %add3A_293 : i32 to index
          %swap3A_454 = arith.constant 0 : index
          %swap3A_455 = tpu.vector_load %arg6[%swap3A, %swap3A_454] {strides = array<i32>} : memref<640x64xf32, #tpu.memory_space<vmem>>, vector<16xf32>,
          tpu.vector_store %arg6[%swap3A, %swap3A_454], %mul3A_453 {strides = array<i32>} : memref<640x64xf32, #tpu.memory_space<vmem>>, vector<16xf32>,
          %mul3A_456 = arith.mulf %get3A_299, %max3A_452 : vector<16xf32>
          %swap3A_457 = arith.index_cast %add3A_293 : i32 to index
          %swap3A_458 = arith.constant 16 : index
          %swap3A_459 = tpu.vector_load %arg6[%swap3A_457, %swap3A_458] {strides = array<i32>} : memref<640x64xf32, #tpu.memory_space<vmem>>, vector<16xf32>,
          tpu.vector_store %arg6[%swap3A_457, %swap3A_458], %mul3A_456 {strides = array<i32>} : memref<640x64xf32, #tpu.memory_space<vmem>>, vector<16xf32>,
          %mul3A_460 = arith.mulf %get3A_302, %max3A_452 : vector<16xf32>
          %swap3A_461 = arith.index_cast %add3A_293 : i32 to index
          %swap3A_462 = arith.constant 32 : index
          %swap3A_463 = tpu.vector_load %arg6[%swap3A_461, %swap3A_462] {strides = array<i32>} : memref<640x64xf32, #tpu.memory_space<vmem>>, vector<16xf32>,
          tpu.vector_store %arg6[%swap3A_461, %swap3A_462], %mul3A_460 {strides = array<i32>} : memref<640x64xf32, #tpu.memory_space<vmem>>, vector<16xf32>,
          %mul3A_464 = arith.mulf %get3A_305, %max3A_452 : vector<16xf32>
          %swap3A_465 = arith.index_cast %add3A_293 : i32 to index
          %swap3A_466 = arith.constant 48 : index
          %swap3A_467 = tpu.vector_load %arg6[%swap3A_465, %swap3A_466] {strides = array<i32>} : memref<640x64xf32, #tpu.memory_space<vmem>>, vector<16xf32>,
          tpu.vector_store %arg6[%swap3A_465, %swap3A_466], %mul3A_464 {strides = array<i32>} : memref<640x64xf32, #tpu.memory_space<vmem>>, vector<16xf32>,
          %mul3A_468 = arith.constant 4 : i32
          %mul3A_469 = arith.muli %scan3A_289, %mul3A_468 : i32
          %add3A_470 = arith.constant 1 : i32
          %add3A_471 = arith.addi %mul3A_469, %add3A_470 : i32
          %get3A_472 = arith.index_cast %add3A_471 : i32 to index
          %get3A_473 = arith.constant 0 : index
          %get3A_474 = tpu.vector_load %arg6[%get3A_472, %get3A_473] {strides = array<i32>} : memref<640x64xf32, #tpu.memory_space<vmem>>, vector<16xf32>,
          %get3A_475 = arith.index_cast %add3A_471 : i32 to index
          %get3A_476 = arith.constant 16 : index
          %get3A_477 = tpu.vector_load %arg6[%get3A_475, %get3A_476] {strides = array<i32>} : memref<640x64xf32, #tpu.memory_space<vmem>>, vector<16xf32>,
          %get3A_478 = arith.index_cast %add3A_471 : i32 to index
          %get3A_479 = arith.constant 32 : index
          %get3A_480 = tpu.vector_load %arg6[%get3A_478, %get3A_479] {strides = array<i32>} : memref<640x64xf32, #tpu.memory_space<vmem>>, vector<16xf32>,
          %get3A_481 = arith.index_cast %add3A_471 : i32 to index
          %get3A_482 = arith.constant 48 : index
          %get3A_483 = tpu.vector_load %arg6[%get3A_481, %get3A_482] {strides = array<i32>} : memref<640x64xf32, #tpu.memory_space<vmem>>, vector<16xf32>,
          %ne3A_484 = arith.cmpf one, %get3A_474, %get3A_5 : vector<16xf32>
          %ne3A_485 = arith.cmpf one, %get3A_477, %get3A_7 : vector<16xf32>
          %or3A_486 = arith.ori %ne3A_484, %ne3A_485 : vector<16xi1>
          %ne3A_487 = arith.cmpf one, %get3A_480, %get3A_9 : vector<16xf32>
          %or3A_488 = arith.ori %or3A_486, %ne3A_487 : vector<16xi1>
          %ne3A_489 = arith.cmpf one, %get3A_483, %get3A_11 : vector<16xf32>
          %or3A_490 = arith.ori %or3A_488, %ne3A_489 : vector<16xi1>
          %convert_element_type3A_491 = arith.extui %or3A_490 : vector<16xi1> to vector<16xi32>
          %convert_element_type3A_492 = arith.sitofp %convert_element_type3A_491 : vector<16xi32> to vector<16xf32>
          %iota3A_493 = tpu.iota {dimensions = array<i32: 0>} : vector<16xi32>
          %add3A_494 = arith.constant 8 : i32
          %add3A_495 = vector.broadcast %add3A_494 : i32 to vector<16xi32>
          %add3A_496 = arith.addi %iota3A_493, %add3A_495 : vector<16xi32>
          %jit3A_497 = arith.constant 16 : i32
          %eq3A_498 = arith.constant 0 : i32
          %eq3A_499 = arith.cmpi eq, %jit3A_497, %eq3A_498 : i32
          %jit3A_500 = arith.constant 1 : i32
          %select_n3A_501 = arith.select %eq3A_499, %jit3A_500, %jit3A_497 : i32
          %rem3A_502 = vector.broadcast %select_n3A_501 : i32 to vector<16xi32>
          %rem3A_503 = arith.remsi %add3A_496, %rem3A_502 : vector<16xi32>
          %ne3A_504 = arith.constant 0 : i32
          %ne3A_505 = vector.broadcast %ne3A_504 : i32 to vector<16xi32>
          %ne3A_506 = arith.cmpi ne, %rem3A_503, %ne3A_505 : vector<16xi32>
          %lt3A_507 = arith.constant 0 : i32
          %lt3A_508 = vector.broadcast %lt3A_507 : i32 to vector<16xi32>
          %lt3A_509 = arith.cmpi slt, %rem3A_503, %lt3A_508 : vector<16xi32>
          %lt3A_510 = arith.constant 0 : i32
          %lt3A_511 = arith.cmpi slt, %select_n3A_501, %lt3A_510 : i32
          %ne3A_512 = vector.broadcast %lt3A_511 : i1 to vector<16xi1>
          %ne3A_513 = vector.broadcast %ne3A_512 : vector<16xi1> to vector<16xi1>
          %ne3A_514 = arith.xori %lt3A_509, %ne3A_513 : vector<16xi1>
          %and3A_515 = arith.andi %ne3A_514, %ne3A_506 : vector<16xi1>
          %add3A_516 = vector.broadcast %select_n3A_501 : i32 to vector<16xi32>
          %add3A_517 = arith.addi %rem3A_503, %add3A_516 : vector<16xi32>
          %select_n3A_518 = arith.select %and3A_515, %add3A_517, %rem3A_503 : vector<16xi1>, vector<16xi32>
          %lt3A_519 = arith.constant 0 : i32
          %lt3A_520 = vector.broadcast %lt3A_519 : i32 to vector<16xi32>
          %lt3A_521 = arith.cmpi slt, %select_n3A_518, %lt3A_520 : vector<16xi32>
          %add3A_522 = arith.constant 16 : i32
          %add3A_523 = vector.broadcast %add3A_522 : i32 to vector<16xi32>
          %add3A_524 = arith.addi %select_n3A_518, %add3A_523 : vector<16xi32>
          %select_n3A_525 = arith.select %lt3A_521, %add3A_524, %select_n3A_518 : vector<16xi1>, vector<16xi32>
          %broadcast_in_dim3A_526 = vector.shape_cast %select_n3A_525 : vector<16xi32> to vector<16x1xi32>
          %gather3A_527 = vector.shape_cast %broadcast_in_dim3A_526 : vector<16x1xi32> to vector<16xi32>
          %gather3A_528 = tpu.dynamic_gather %convert_element_type3A_492[%gather3A_527] in [0] : vector<16xf32>, vector<16xi32> -> vector<16xf32>
          %max3A_529 = arith.maximumf %convert_element_type3A_492, %gather3A_528 : vector<16xf32>
          %iota3A_530 = tpu.iota {dimensions = array<i32: 0>} : vector<16xi32>
          %add3A_531 = arith.constant 4 : i32
          %add3A_532 = vector.broadcast %add3A_531 : i32 to vector<16xi32>
          %add3A_533 = arith.addi %iota3A_530, %add3A_532 : vector<16xi32>
          %jit3A_534 = arith.constant 16 : i32
          %eq3A_535 = arith.constant 0 : i32
          %eq3A_536 = arith.cmpi eq, %jit3A_534, %eq3A_535 : i32
          %jit3A_537 = arith.constant 1 : i32
          %select_n3A_538 = arith.select %eq3A_536, %jit3A_537, %jit3A_534 : i32
          %rem3A_539 = vector.broadcast %select_n3A_538 : i32 to vector<16xi32>
          %rem3A_540 = arith.remsi %add3A_533, %rem3A_539 : vector<16xi32>
          %ne3A_541 = arith.constant 0 : i32
          %ne3A_542 = vector.broadcast %ne3A_541 : i32 to vector<16xi32>
          %ne3A_543 = arith.cmpi ne, %rem3A_540, %ne3A_542 : vector<16xi32>
          %lt3A_544 = arith.constant 0 : i32
          %lt3A_545 = vector.broadcast %lt3A_544 : i32 to vector<16xi32>
          %lt3A_546 = arith.cmpi slt, %rem3A_540, %lt3A_545 : vector<16xi32>
          %lt3A_547 = arith.constant 0 : i32
          %lt3A_548 = arith.cmpi slt, %select_n3A_538, %lt3A_547 : i32
          %ne3A_549 = vector.broadcast %lt3A_548 : i1 to vector<16xi1>
          %ne3A_550 = vector.broadcast %ne3A_549 : vector<16xi1> to vector<16xi1>
          %ne3A_551 = arith.xori %lt3A_546, %ne3A_550 : vector<16xi1>
          %and3A_552 = arith.andi %ne3A_551, %ne3A_543 : vector<16xi1>
          %add3A_553 = vector.broadcast %select_n3A_538 : i32 to vector<16xi32>
          %add3A_554 = arith.addi %rem3A_540, %add3A_553 : vector<16xi32>
          %select_n3A_555 = arith.select %and3A_552, %add3A_554, %rem3A_540 : vector<16xi1>, vector<16xi32>
          %lt3A_556 = arith.constant 0 : i32
          %lt3A_557 = vector.broadcast %lt3A_556 : i32 to vector<16xi32>
          %lt3A_558 = arith.cmpi slt, %select_n3A_555, %lt3A_557 : vector<16xi32>
          %add3A_559 = arith.constant 16 : i32
          %add3A_560 = vector.broadcast %add3A_559 : i32 to vector<16xi32>
          %add3A_561 = arith.addi %select_n3A_555, %add3A_560 : vector<16xi32>
          %select_n3A_562 = arith.select %lt3A_558, %add3A_561, %select_n3A_555 : vector<16xi1>, vector<16xi32>
          %broadcast_in_dim3A_563 = vector.shape_cast %select_n3A_562 : vector<16xi32> to vector<16x1xi32>
          %gather3A_564 = vector.shape_cast %broadcast_in_dim3A_563 : vector<16x1xi32> to vector<16xi32>
          %gather3A_565 = tpu.dynamic_gather %max3A_529[%gather3A_564] in [0] : vector<16xf32>, vector<16xi32> -> vector<16xf32>
          %max3A_566 = arith.maximumf %max3A_529, %gather3A_565 : vector<16xf32>
          %iota3A_567 = tpu.iota {dimensions = array<i32: 0>} : vector<16xi32>
          %add3A_568 = arith.constant 2 : i32
          %add3A_569 = vector.broadcast %add3A_568 : i32 to vector<16xi32>
          %add3A_570 = arith.addi %iota3A_567, %add3A_569 : vector<16xi32>
          %jit3A_571 = arith.constant 16 : i32
          %eq3A_572 = arith.constant 0 : i32
          %eq3A_573 = arith.cmpi eq, %jit3A_571, %eq3A_572 : i32
          %jit3A_574 = arith.constant 1 : i32
          %select_n3A_575 = arith.select %eq3A_573, %jit3A_574, %jit3A_571 : i32
          %rem3A_576 = vector.broadcast %select_n3A_575 : i32 to vector<16xi32>
          %rem3A_577 = arith.remsi %add3A_570, %rem3A_576 : vector<16xi32>
          %ne3A_578 = arith.constant 0 : i32
          %ne3A_579 = vector.broadcast %ne3A_578 : i32 to vector<16xi32>
          %ne3A_580 = arith.cmpi ne, %rem3A_577, %ne3A_579 : vector<16xi32>
          %lt3A_581 = arith.constant 0 : i32
          %lt3A_582 = vector.broadcast %lt3A_581 : i32 to vector<16xi32>
          %lt3A_583 = arith.cmpi slt, %rem3A_577, %lt3A_582 : vector<16xi32>
          %lt3A_584 = arith.constant 0 : i32
          %lt3A_585 = arith.cmpi slt, %select_n3A_575, %lt3A_584 : i32
          %ne3A_586 = vector.broadcast %lt3A_585 : i1 to vector<16xi1>
          %ne3A_587 = vector.broadcast %ne3A_586 : vector<16xi1> to vector<16xi1>
          %ne3A_588 = arith.xori %lt3A_583, %ne3A_587 : vector<16xi1>
          %and3A_589 = arith.andi %ne3A_588, %ne3A_580 : vector<16xi1>
          %add3A_590 = vector.broadcast %select_n3A_575 : i32 to vector<16xi32>
          %add3A_591 = arith.addi %rem3A_577, %add3A_590 : vector<16xi32>
          %select_n3A_592 = arith.select %and3A_589, %add3A_591, %rem3A_577 : vector<16xi1>, vector<16xi32>
          %lt3A_593 = arith.constant 0 : i32
          %lt3A_594 = vector.broadcast %lt3A_593 : i32 to vector<16xi32>
          %lt3A_595 = arith.cmpi slt, %select_n3A_592, %lt3A_594 : vector<16xi32>
          %add3A_596 = arith.constant 16 : i32
          %add3A_597 = vector.broadcast %add3A_596 : i32 to vector<16xi32>
          %add3A_598 = arith.addi %select_n3A_592, %add3A_597 : vector<16xi32>
          %select_n3A_599 = arith.select %lt3A_595, %add3A_598, %select_n3A_592 : vector<16xi1>, vector<16xi32>
          %broadcast_in_dim3A_600 = vector.shape_cast %select_n3A_599 : vector<16xi32> to vector<16x1xi32>
          %gather3A_601 = vector.shape_cast %broadcast_in_dim3A_600 : vector<16x1xi32> to vector<16xi32>
          %gather3A_602 = tpu.dynamic_gather %max3A_566[%gather3A_601] in [0] : vector<16xf32>, vector<16xi32> -> vector<16xf32>
          %max3A_603 = arith.maximumf %max3A_566, %gather3A_602 : vector<16xf32>
          %iota3A_604 = tpu.iota {dimensions = array<i32: 0>} : vector<16xi32>
          %add3A_605 = arith.constant 1 : i32
          %add3A_606 = vector.broadcast %add3A_605 : i32 to vector<16xi32>
          %add3A_607 = arith.addi %iota3A_604, %add3A_606 : vector<16xi32>
          %jit3A_608 = arith.constant 16 : i32
          %eq3A_609 = arith.constant 0 : i32
          %eq3A_610 = arith.cmpi eq, %jit3A_608, %eq3A_609 : i32
          %jit3A_611 = arith.constant 1 : i32
          %select_n3A_612 = arith.select %eq3A_610, %jit3A_611, %jit3A_608 : i32
          %rem3A_613 = vector.broadcast %select_n3A_612 : i32 to vector<16xi32>
          %rem3A_614 = arith.remsi %add3A_607, %rem3A_613 : vector<16xi32>
          %ne3A_615 = arith.constant 0 : i32
          %ne3A_616 = vector.broadcast %ne3A_615 : i32 to vector<16xi32>
          %ne3A_617 = arith.cmpi ne, %rem3A_614, %ne3A_616 : vector<16xi32>
          %lt3A_618 = arith.constant 0 : i32
          %lt3A_619 = vector.broadcast %lt3A_618 : i32 to vector<16xi32>
          %lt3A_620 = arith.cmpi slt, %rem3A_614, %lt3A_619 : vector<16xi32>
          %lt3A_621 = arith.constant 0 : i32
          %lt3A_622 = arith.cmpi slt, %select_n3A_612, %lt3A_621 : i32
          %ne3A_623 = vector.broadcast %lt3A_622 : i1 to vector<16xi1>
          %ne3A_624 = vector.broadcast %ne3A_623 : vector<16xi1> to vector<16xi1>
          %ne3A_625 = arith.xori %lt3A_620, %ne3A_624 : vector<16xi1>
          %and3A_626 = arith.andi %ne3A_625, %ne3A_617 : vector<16xi1>
          %add3A_627 = vector.broadcast %select_n3A_612 : i32 to vector<16xi32>
          %add3A_628 = arith.addi %rem3A_614, %add3A_627 : vector<16xi32>
          %select_n3A_629 = arith.select %and3A_626, %add3A_628, %rem3A_614 : vector<16xi1>, vector<16xi32>
          %lt3A_630 = arith.constant 0 : i32
          %lt3A_631 = vector.broadcast %lt3A_630 : i32 to vector<16xi32>
          %lt3A_632 = arith.cmpi slt, %select_n3A_629, %lt3A_631 : vector<16xi32>
          %add3A_633 = arith.constant 16 : i32
          %add3A_634 = vector.broadcast %add3A_633 : i32 to vector<16xi32>
          %add3A_635 = arith.addi %select_n3A_629, %add3A_634 : vector<16xi32>
          %select_n3A_636 = arith.select %lt3A_632, %add3A_635, %select_n3A_629 : vector<16xi1>, vector<16xi32>
          %broadcast_in_dim3A_637 = vector.shape_cast %select_n3A_636 : vector<16xi32> to vector<16x1xi32>
          %gather3A_638 = vector.shape_cast %broadcast_in_dim3A_637 : vector<16x1xi32> to vector<16xi32>
          %gather3A_639 = tpu.dynamic_gather %max3A_603[%gather3A_638] in [0] : vector<16xf32>, vector<16xi32> -> vector<16xf32>
          %max3A_640 = arith.maximumf %max3A_603, %gather3A_639 : vector<16xf32>
          %mul3A_641 = arith.mulf %get3A_474, %max3A_640 : vector<16xf32>
          %swap3A_642 = arith.index_cast %add3A_471 : i32 to index
          %swap3A_643 = arith.constant 0 : index
          %swap3A_644 = tpu.vector_load %arg6[%swap3A_642, %swap3A_643] {strides = array<i32>} : memref<640x64xf32, #tpu.memory_space<vmem>>, vector<16xf32>,
          tpu.vector_store %arg6[%swap3A_642, %swap3A_643], %mul3A_641 {strides = array<i32>} : memref<640x64xf32, #tpu.memory_space<vmem>>, vector<16xf32>,
          %mul3A_645 = arith.mulf %get3A_477, %max3A_640 : vector<16xf32>
          %swap3A_646 = arith.index_cast %add3A_471 : i32 to index
          %swap3A_647 = arith.constant 16 : index
          %swap3A_648 = tpu.vector_load %arg6[%swap3A_646, %swap3A_647] {strides = array<i32>} : memref<640x64xf32, #tpu.memory_space<vmem>>, vector<16xf32>,
          tpu.vector_store %arg6[%swap3A_646, %swap3A_647], %mul3A_645 {strides = array<i32>} : memref<640x64xf32, #tpu.memory_space<vmem>>, vector<16xf32>,
          %mul3A_649 = arith.mulf %get3A_480, %max3A_640 : vector<16xf32>
          %swap3A_650 = arith.index_cast %add3A_471 : i32 to index
          %swap3A_651 = arith.constant 32 : index
          %swap3A_652 = tpu.vector_load %arg6[%swap3A_650, %swap3A_651] {strides = array<i32>} : memref<640x64xf32, #tpu.memory_space<vmem>>, vector<16xf32>,
          tpu.vector_store %arg6[%swap3A_650, %swap3A_651], %mul3A_649 {strides = array<i32>} : memref<640x64xf32, #tpu.memory_space<vmem>>, vector<16xf32>,
          %mul3A_653 = arith.mulf %get3A_483, %max3A_640 : vector<16xf32>
          %swap3A_654 = arith.index_cast %add3A_471 : i32 to index
          %swap3A_655 = arith.constant 48 : index
          %swap3A_656 = tpu.vector_load %arg6[%swap3A_654, %swap3A_655] {strides = array<i32>} : memref<640x64xf32, #tpu.memory_space<vmem>>, vector<16xf32>,
          tpu.vector_store %arg6[%swap3A_654, %swap3A_655], %mul3A_653 {strides = array<i32>} : memref<640x64xf32, #tpu.memory_space<vmem>>, vector<16xf32>,
          %mul3A_657 = arith.constant 4 : i32
          %mul3A_658 = arith.muli %scan3A_289, %mul3A_657 : i32
          %add3A_659 = arith.constant 2 : i32
          %add3A_660 = arith.addi %mul3A_658, %add3A_659 : i32
          %get3A_661 = arith.index_cast %add3A_660 : i32 to index
          %get3A_662 = arith.constant 0 : index
          %get3A_663 = tpu.vector_load %arg6[%get3A_661, %get3A_662] {strides = array<i32>} : memref<640x64xf32, #tpu.memory_space<vmem>>, vector<16xf32>,
          %get3A_664 = arith.index_cast %add3A_660 : i32 to index
          %get3A_665 = arith.constant 16 : index
          %get3A_666 = tpu.vector_load %arg6[%get3A_664, %get3A_665] {strides = array<i32>} : memref<640x64xf32, #tpu.memory_space<vmem>>, vector<16xf32>,
          %get3A_667 = arith.index_cast %add3A_660 : i32 to index
          %get3A_668 = arith.constant 32 : index
          %get3A_669 = tpu.vector_load %arg6[%get3A_667, %get3A_668] {strides = array<i32>} : memref<640x64xf32, #tpu.memory_space<vmem>>, vector<16xf32>,
          %get3A_670 = arith.index_cast %add3A_660 : i32 to index
          %get3A_671 = arith.constant 48 : index
          %get3A_672 = tpu.vector_load %arg6[%get3A_670, %get3A_671] {strides = array<i32>} : memref<640x64xf32, #tpu.memory_space<vmem>>, vector<16xf32>,
          %ne3A_673 = arith.cmpf one, %get3A_663, %get3A_5 : vector<16xf32>
          %ne3A_674 = arith.cmpf one, %get3A_666, %get3A_7 : vector<16xf32>
          %or3A_675 = arith.ori %ne3A_673, %ne3A_674 : vector<16xi1>
          %ne3A_676 = arith.cmpf one, %get3A_669, %get3A_9 : vector<16xf32>
          %or3A_677 = arith.ori %or3A_675, %ne3A_676 : vector<16xi1>
          %ne3A_678 = arith.cmpf one, %get3A_672, %get3A_11 : vector<16xf32>
          %or3A_679 = arith.ori %or3A_677, %ne3A_678 : vector<16xi1>
          %convert_element_type3A_680 = arith.extui %or3A_679 : vector<16xi1> to vector<16xi32>
          %convert_element_type3A_681 = arith.sitofp %convert_element_type3A_680 : vector<16xi32> to vector<16xf32>
          %iota3A_682 = tpu.iota {dimensions = array<i32: 0>} : vector<16xi32>
          %add3A_683 = arith.constant 8 : i32
          %add3A_684 = vector.broadcast %add3A_683 : i32 to vector<16xi32>
          %add3A_685 = arith.addi %iota3A_682, %add3A_684 : vector<16xi32>
          %jit3A_686 = arith.constant 16 : i32
          %eq3A_687 = arith.constant 0 : i32
          %eq3A_688 = arith.cmpi eq, %jit3A_686, %eq3A_687 : i32
          %jit3A_689 = arith.constant 1 : i32
          %select_n3A_690 = arith.select %eq3A_688, %jit3A_689, %jit3A_686 : i32
          %rem3A_691 = vector.broadcast %select_n3A_690 : i32 to vector<16xi32>
          %rem3A_692 = arith.remsi %add3A_685, %rem3A_691 : vector<16xi32>
          %ne3A_693 = arith.constant 0 : i32
          %ne3A_694 = vector.broadcast %ne3A_693 : i32 to vector<16xi32>
          %ne3A_695 = arith.cmpi ne, %rem3A_692, %ne3A_694 : vector<16xi32>
          %lt3A_696 = arith.constant 0 : i32
          %lt3A_697 = vector.broadcast %lt3A_696 : i32 to vector<16xi32>
          %lt3A_698 = arith.cmpi slt, %rem3A_692, %lt3A_697 : vector<16xi32>
          %lt3A_699 = arith.constant 0 : i32
          %lt3A_700 = arith.cmpi slt, %select_n3A_690, %lt3A_699 : i32
          %ne3A_701 = vector.broadcast %lt3A_700 : i1 to vector<16xi1>
          %ne3A_702 = vector.broadcast %ne3A_701 : vector<16xi1> to vector<16xi1>
          %ne3A_703 = arith.xori %lt3A_698, %ne3A_702 : vector<16xi1>
          %and3A_704 = arith.andi %ne3A_703, %ne3A_695 : vector<16xi1>
          %add3A_705 = vector.broadcast %select_n3A_690 : i32 to vector<16xi32>
          %add3A_706 = arith.addi %rem3A_692, %add3A_705 : vector<16xi32>
          %select_n3A_707 = arith.select %and3A_704, %add3A_706, %rem3A_692 : vector<16xi1>, vector<16xi32>
          %lt3A_708 = arith.constant 0 : i32
          %lt3A_709 = vector.broadcast %lt3A_708 : i32 to vector<16xi32>
          %lt3A_710 = arith.cmpi slt, %select_n3A_707, %lt3A_709 : vector<16xi32>
          %add3A_711 = arith.constant 16 : i32
          %add3A_712 = vector.broadcast %add3A_711 : i32 to vector<16xi32>
          %add3A_713 = arith.addi %select_n3A_707, %add3A_712 : vector<16xi32>
          %select_n3A_714 = arith.select %lt3A_710, %add3A_713, %select_n3A_707 : vector<16xi1>, vector<16xi32>
          %broadcast_in_dim3A_715 = vector.shape_cast %select_n3A_714 : vector<16xi32> to vector<16x1xi32>
          %gather3A_716 = vector.shape_cast %broadcast_in_dim3A_715 : vector<16x1xi32> to vector<16xi32>
          %gather3A_717 = tpu.dynamic_gather %convert_element_type3A_681[%gather3A_716] in [0] : vector<16xf32>, vector<16xi32> -> vector<16xf32>
          %max3A_718 = arith.maximumf %convert_element_type3A_681, %gather3A_717 : vector<16xf32>
          %iota3A_719 = tpu.iota {dimensions = array<i32: 0>} : vector<16xi32>
          %add3A_720 = arith.constant 4 : i32
          %add3A_721 = vector.broadcast %add3A_720 : i32 to vector<16xi32>
          %add3A_722 = arith.addi %iota3A_719, %add3A_721 : vector<16xi32>
          %jit3A_723 = arith.constant 16 : i32
          %eq3A_724 = arith.constant 0 : i32
          %eq3A_725 = arith.cmpi eq, %jit3A_723, %eq3A_724 : i32
          %jit3A_726 = arith.constant 1 : i32
          %select_n3A_727 = arith.select %eq3A_725, %jit3A_726, %jit3A_723 : i32
          %rem3A_728 = vector.broadcast %select_n3A_727 : i32 to vector<16xi32>
          %rem3A_729 = arith.remsi %add3A_722, %rem3A_728 : vector<16xi32>
          %ne3A_730 = arith.constant 0 : i32
          %ne3A_731 = vector.broadcast %ne3A_730 : i32 to vector<16xi32>
          %ne3A_732 = arith.cmpi ne, %rem3A_729, %ne3A_731 : vector<16xi32>
          %lt3A_733 = arith.constant 0 : i32
          %lt3A_734 = vector.broadcast %lt3A_733 : i32 to vector<16xi32>
          %lt3A_735 = arith.cmpi slt, %rem3A_729, %lt3A_734 : vector<16xi32>
          %lt3A_736 = arith.constant 0 : i32
          %lt3A_737 = arith.cmpi slt, %select_n3A_727, %lt3A_736 : i32
          %ne3A_738 = vector.broadcast %lt3A_737 : i1 to vector<16xi1>
          %ne3A_739 = vector.broadcast %ne3A_738 : vector<16xi1> to vector<16xi1>
          %ne3A_740 = arith.xori %lt3A_735, %ne3A_739 : vector<16xi1>
          %and3A_741 = arith.andi %ne3A_740, %ne3A_732 : vector<16xi1>
          %add3A_742 = vector.broadcast %select_n3A_727 : i32 to vector<16xi32>
          %add3A_743 = arith.addi %rem3A_729, %add3A_742 : vector<16xi32>
          %select_n3A_744 = arith.select %and3A_741, %add3A_743, %rem3A_729 : vector<16xi1>, vector<16xi32>
          %lt3A_745 = arith.constant 0 : i32
          %lt3A_746 = vector.broadcast %lt3A_745 : i32 to vector<16xi32>
          %lt3A_747 = arith.cmpi slt, %select_n3A_744, %lt3A_746 : vector<16xi32>
          %add3A_748 = arith.constant 16 : i32
          %add3A_749 = vector.broadcast %add3A_748 : i32 to vector<16xi32>
          %add3A_750 = arith.addi %select_n3A_744, %add3A_749 : vector<16xi32>
          %select_n3A_751 = arith.select %lt3A_747, %add3A_750, %select_n3A_744 : vector<16xi1>, vector<16xi32>
          %broadcast_in_dim3A_752 = vector.shape_cast %select_n3A_751 : vector<16xi32> to vector<16x1xi32>
          %gather3A_753 = vector.shape_cast %broadcast_in_dim3A_752 : vector<16x1xi32> to vector<16xi32>
          %gather3A_754 = tpu.dynamic_gather %max3A_718[%gather3A_753] in [0] : vector<16xf32>, vector<16xi32> -> vector<16xf32>
          %max3A_755 = arith.maximumf %max3A_718, %gather3A_754 : vector<16xf32>
          %iota3A_756 = tpu.iota {dimensions = array<i32: 0>} : vector<16xi32>
          %add3A_757 = arith.constant 2 : i32
          %add3A_758 = vector.broadcast %add3A_757 : i32 to vector<16xi32>
          %add3A_759 = arith.addi %iota3A_756, %add3A_758 : vector<16xi32>
          %jit3A_760 = arith.constant 16 : i32
          %eq3A_761 = arith.constant 0 : i32
          %eq3A_762 = arith.cmpi eq, %jit3A_760, %eq3A_761 : i32
          %jit3A_763 = arith.constant 1 : i32
          %select_n3A_764 = arith.select %eq3A_762, %jit3A_763, %jit3A_760 : i32
          %rem3A_765 = vector.broadcast %select_n3A_764 : i32 to vector<16xi32>
          %rem3A_766 = arith.remsi %add3A_759, %rem3A_765 : vector<16xi32>
          %ne3A_767 = arith.constant 0 : i32
          %ne3A_768 = vector.broadcast %ne3A_767 : i32 to vector<16xi32>
          %ne3A_769 = arith.cmpi ne, %rem3A_766, %ne3A_768 : vector<16xi32>
          %lt3A_770 = arith.constant 0 : i32
          %lt3A_771 = vector.broadcast %lt3A_770 : i32 to vector<16xi32>
          %lt3A_772 = arith.cmpi slt, %rem3A_766, %lt3A_771 : vector<16xi32>
          %lt3A_773 = arith.constant 0 : i32
          %lt3A_774 = arith.cmpi slt, %select_n3A_764, %lt3A_773 : i32
          %ne3A_775 = vector.broadcast %lt3A_774 : i1 to vector<16xi1>
          %ne3A_776 = vector.broadcast %ne3A_775 : vector<16xi1> to vector<16xi1>
          %ne3A_777 = arith.xori %lt3A_772, %ne3A_776 : vector<16xi1>
          %and3A_778 = arith.andi %ne3A_777, %ne3A_769 : vector<16xi1>
          %add3A_779 = vector.broadcast %select_n3A_764 : i32 to vector<16xi32>
          %add3A_780 = arith.addi %rem3A_766, %add3A_779 : vector<16xi32>
          %select_n3A_781 = arith.select %and3A_778, %add3A_780, %rem3A_766 : vector<16xi1>, vector<16xi32>
          %lt3A_782 = arith.constant 0 : i32
          %lt3A_783 = vector.broadcast %lt3A_782 : i32 to vector<16xi32>
          %lt3A_784 = arith.cmpi slt, %select_n3A_781, %lt3A_783 : vector<16xi32>
          %add3A_785 = arith.constant 16 : i32
          %add3A_786 = vector.broadcast %add3A_785 : i32 to vector<16xi32>
          %add3A_787 = arith.addi %select_n3A_781, %add3A_786 : vector<16xi32>
          %select_n3A_788 = arith.select %lt3A_784, %add3A_787, %select_n3A_781 : vector<16xi1>, vector<16xi32>
          %broadcast_in_dim3A_789 = vector.shape_cast %select_n3A_788 : vector<16xi32> to vector<16x1xi32>
          %gather3A_790 = vector.shape_cast %broadcast_in_dim3A_789 : vector<16x1xi32> to vector<16xi32>
          %gather3A_791 = tpu.dynamic_gather %max3A_755[%gather3A_790] in [0] : vector<16xf32>, vector<16xi32> -> vector<16xf32>
          %max3A_792 = arith.maximumf %max3A_755, %gather3A_791 : vector<16xf32>
          %iota3A_793 = tpu.iota {dimensions = array<i32: 0>} : vector<16xi32>
          %add3A_794 = arith.constant 1 : i32
          %add3A_795 = vector.broadcast %add3A_794 : i32 to vector<16xi32>
          %add3A_796 = arith.addi %iota3A_793, %add3A_795 : vector<16xi32>
          %jit3A_797 = arith.constant 16 : i32
          %eq3A_798 = arith.constant 0 : i32
          %eq3A_799 = arith.cmpi eq, %jit3A_797, %eq3A_798 : i32
          %jit3A_800 = arith.constant 1 : i32
          %select_n3A_801 = arith.select %eq3A_799, %jit3A_800, %jit3A_797 : i32
          %rem3A_802 = vector.broadcast %select_n3A_801 : i32 to vector<16xi32>
          %rem3A_803 = arith.remsi %add3A_796, %rem3A_802 : vector<16xi32>
          %ne3A_804 = arith.constant 0 : i32
          %ne3A_805 = vector.broadcast %ne3A_804 : i32 to vector<16xi32>
          %ne3A_806 = arith.cmpi ne, %rem3A_803, %ne3A_805 : vector<16xi32>
          %lt3A_807 = arith.constant 0 : i32
          %lt3A_808 = vector.broadcast %lt3A_807 : i32 to vector<16xi32>
          %lt3A_809 = arith.cmpi slt, %rem3A_803, %lt3A_808 : vector<16xi32>
          %lt3A_810 = arith.constant 0 : i32
          %lt3A_811 = arith.cmpi slt, %select_n3A_801, %lt3A_810 : i32
          %ne3A_812 = vector.broadcast %lt3A_811 : i1 to vector<16xi1>
          %ne3A_813 = vector.broadcast %ne3A_812 : vector<16xi1> to vector<16xi1>
          %ne3A_814 = arith.xori %lt3A_809, %ne3A_813 : vector<16xi1>
          %and3A_815 = arith.andi %ne3A_814, %ne3A_806 : vector<16xi1>
          %add3A_816 = vector.broadcast %select_n3A_801 : i32 to vector<16xi32>
          %add3A_817 = arith.addi %rem3A_803, %add3A_816 : vector<16xi32>
          %select_n3A_818 = arith.select %and3A_815, %add3A_817, %rem3A_803 : vector<16xi1>, vector<16xi32>
          %lt3A_819 = arith.constant 0 : i32
          %lt3A_820 = vector.broadcast %lt3A_819 : i32 to vector<16xi32>
          %lt3A_821 = arith.cmpi slt, %select_n3A_818, %lt3A_820 : vector<16xi32>
          %add3A_822 = arith.constant 16 : i32
          %add3A_823 = vector.broadcast %add3A_822 : i32 to vector<16xi32>
          %add3A_824 = arith.addi %select_n3A_818, %add3A_823 : vector<16xi32>
          %select_n3A_825 = arith.select %lt3A_821, %add3A_824, %select_n3A_818 : vector<16xi1>, vector<16xi32>
          %broadcast_in_dim3A_826 = vector.shape_cast %select_n3A_825 : vector<16xi32> to vector<16x1xi32>
          %gather3A_827 = vector.shape_cast %broadcast_in_dim3A_826 : vector<16x1xi32> to vector<16xi32>
          %gather3A_828 = tpu.dynamic_gather %max3A_792[%gather3A_827] in [0] : vector<16xf32>, vector<16xi32> -> vector<16xf32>
          %max3A_829 = arith.maximumf %max3A_792, %gather3A_828 : vector<16xf32>
          %mul3A_830 = arith.mulf %get3A_663, %max3A_829 : vector<16xf32>
          %swap3A_831 = arith.index_cast %add3A_660 : i32 to index
          %swap3A_832 = arith.constant 0 : index
          %swap3A_833 = tpu.vector_load %arg6[%swap3A_831, %swap3A_832] {strides = array<i32>} : memref<640x64xf32, #tpu.memory_space<vmem>>, vector<16xf32>,
          tpu.vector_store %arg6[%swap3A_831, %swap3A_832], %mul3A_830 {strides = array<i32>} : memref<640x64xf32, #tpu.memory_space<vmem>>, vector<16xf32>,
          %mul3A_834 = arith.mulf %get3A_666, %max3A_829 : vector<16xf32>
          %swap3A_835 = arith.index_cast %add3A_660 : i32 to index
          %swap3A_836 = arith.constant 16 : index
          %swap3A_837 = tpu.vector_load %arg6[%swap3A_835, %swap3A_836] {strides = array<i32>} : memref<640x64xf32, #tpu.memory_space<vmem>>, vector<16xf32>,
          tpu.vector_store %arg6[%swap3A_835, %swap3A_836], %mul3A_834 {strides = array<i32>} : memref<640x64xf32, #tpu.memory_space<vmem>>, vector<16xf32>,
          %mul3A_838 = arith.mulf %get3A_669, %max3A_829 : vector<16xf32>
          %swap3A_839 = arith.index_cast %add3A_660 : i32 to index
          %swap3A_840 = arith.constant 32 : index
          %swap3A_841 = tpu.vector_load %arg6[%swap3A_839, %swap3A_840] {strides = array<i32>} : memref<640x64xf32, #tpu.memory_space<vmem>>, vector<16xf32>,
          tpu.vector_store %arg6[%swap3A_839, %swap3A_840], %mul3A_838 {strides = array<i32>} : memref<640x64xf32, #tpu.memory_space<vmem>>, vector<16xf32>,
          %mul3A_842 = arith.mulf %get3A_672, %max3A_829 : vector<16xf32>
          %swap3A_843 = arith.index_cast %add3A_660 : i32 to index
          %swap3A_844 = arith.constant 48 : index
          %swap3A_845 = tpu.vector_load %arg6[%swap3A_843, %swap3A_844] {strides = array<i32>} : memref<640x64xf32, #tpu.memory_space<vmem>>, vector<16xf32>,
          tpu.vector_store %arg6[%swap3A_843, %swap3A_844], %mul3A_842 {strides = array<i32>} : memref<640x64xf32, #tpu.memory_space<vmem>>, vector<16xf32>,
          %mul3A_846 = arith.constant 4 : i32
          %mul3A_847 = arith.muli %scan3A_289, %mul3A_846 : i32
          %add3A_848 = arith.constant 3 : i32
          %add3A_849 = arith.addi %mul3A_847, %add3A_848 : i32
          %get3A_850 = arith.index_cast %add3A_849 : i32 to index
          %get3A_851 = arith.constant 0 : index
          %get3A_852 = tpu.vector_load %arg6[%get3A_850, %get3A_851] {strides = array<i32>} : memref<640x64xf32, #tpu.memory_space<vmem>>, vector<16xf32>,
          %get3A_853 = arith.index_cast %add3A_849 : i32 to index
          %get3A_854 = arith.constant 16 : index
          %get3A_855 = tpu.vector_load %arg6[%get3A_853, %get3A_854] {strides = array<i32>} : memref<640x64xf32, #tpu.memory_space<vmem>>, vector<16xf32>,
          %get3A_856 = arith.index_cast %add3A_849 : i32 to index
          %get3A_857 = arith.constant 32 : index
          %get3A_858 = tpu.vector_load %arg6[%get3A_856, %get3A_857] {strides = array<i32>} : memref<640x64xf32, #tpu.memory_space<vmem>>, vector<16xf32>,
          %get3A_859 = arith.index_cast %add3A_849 : i32 to index
          %get3A_860 = arith.constant 48 : index
          %get3A_861 = tpu.vector_load %arg6[%get3A_859, %get3A_860] {strides = array<i32>} : memref<640x64xf32, #tpu.memory_space<vmem>>, vector<16xf32>,
          %ne3A_862 = arith.cmpf one, %get3A_852, %get3A_5 : vector<16xf32>
          %ne3A_863 = arith.cmpf one, %get3A_855, %get3A_7 : vector<16xf32>
          %or3A_864 = arith.ori %ne3A_862, %ne3A_863 : vector<16xi1>
          %ne3A_865 = arith.cmpf one, %get3A_858, %get3A_9 : vector<16xf32>
          %or3A_866 = arith.ori %or3A_864, %ne3A_865 : vector<16xi1>
          %ne3A_867 = arith.cmpf one, %get3A_861, %get3A_11 : vector<16xf32>
          %or3A_868 = arith.ori %or3A_866, %ne3A_867 : vector<16xi1>
          %convert_element_type3A_869 = arith.extui %or3A_868 : vector<16xi1> to vector<16xi32>
          %convert_element_type3A_870 = arith.sitofp %convert_element_type3A_869 : vector<16xi32> to vector<16xf32>
          %iota3A_871 = tpu.iota {dimensions = array<i32: 0>} : vector<16xi32>
          %add3A_872 = arith.constant 8 : i32
          %add3A_873 = vector.broadcast %add3A_872 : i32 to vector<16xi32>
          %add3A_874 = arith.addi %iota3A_871, %add3A_873 : vector<16xi32>
          %jit3A_875 = arith.constant 16 : i32
          %eq3A_876 = arith.constant 0 : i32
          %eq3A_877 = arith.cmpi eq, %jit3A_875, %eq3A_876 : i32
          %jit3A_878 = arith.constant 1 : i32
          %select_n3A_879 = arith.select %eq3A_877, %jit3A_878, %jit3A_875 : i32
          %rem3A_880 = vector.broadcast %select_n3A_879 : i32 to vector<16xi32>
          %rem3A_881 = arith.remsi %add3A_874, %rem3A_880 : vector<16xi32>
          %ne3A_882 = arith.constant 0 : i32
          %ne3A_883 = vector.broadcast %ne3A_882 : i32 to vector<16xi32>
          %ne3A_884 = arith.cmpi ne, %rem3A_881, %ne3A_883 : vector<16xi32>
          %lt3A_885 = arith.constant 0 : i32
          %lt3A_886 = vector.broadcast %lt3A_885 : i32 to vector<16xi32>
          %lt3A_887 = arith.cmpi slt, %rem3A_881, %lt3A_886 : vector<16xi32>
          %lt3A_888 = arith.constant 0 : i32
          %lt3A_889 = arith.cmpi slt, %select_n3A_879, %lt3A_888 : i32
          %ne3A_890 = vector.broadcast %lt3A_889 : i1 to vector<16xi1>
          %ne3A_891 = vector.broadcast %ne3A_890 : vector<16xi1> to vector<16xi1>
          %ne3A_892 = arith.xori %lt3A_887, %ne3A_891 : vector<16xi1>
          %and3A_893 = arith.andi %ne3A_892, %ne3A_884 : vector<16xi1>
          %add3A_894 = vector.broadcast %select_n3A_879 : i32 to vector<16xi32>
          %add3A_895 = arith.addi %rem3A_881, %add3A_894 : vector<16xi32>
          %select_n3A_896 = arith.select %and3A_893, %add3A_895, %rem3A_881 : vector<16xi1>, vector<16xi32>
          %lt3A_897 = arith.constant 0 : i32
          %lt3A_898 = vector.broadcast %lt3A_897 : i32 to vector<16xi32>
          %lt3A_899 = arith.cmpi slt, %select_n3A_896, %lt3A_898 : vector<16xi32>
          %add3A_900 = arith.constant 16 : i32
          %add3A_901 = vector.broadcast %add3A_900 : i32 to vector<16xi32>
          %add3A_902 = arith.addi %select_n3A_896, %add3A_901 : vector<16xi32>
          %select_n3A_903 = arith.select %lt3A_899, %add3A_902, %select_n3A_896 : vector<16xi1>, vector<16xi32>
          %broadcast_in_dim3A_904 = vector.shape_cast %select_n3A_903 : vector<16xi32> to vector<16x1xi32>
          %gather3A_905 = vector.shape_cast %broadcast_in_dim3A_904 : vector<16x1xi32> to vector<16xi32>
          %gather3A_906 = tpu.dynamic_gather %convert_element_type3A_870[%gather3A_905] in [0] : vector<16xf32>, vector<16xi32> -> vector<16xf32>
          %max3A_907 = arith.maximumf %convert_element_type3A_870, %gather3A_906 : vector<16xf32>
          %iota3A_908 = tpu.iota {dimensions = array<i32: 0>} : vector<16xi32>
          %add3A_909 = arith.constant 4 : i32
          %add3A_910 = vector.broadcast %add3A_909 : i32 to vector<16xi32>
          %add3A_911 = arith.addi %iota3A_908, %add3A_910 : vector<16xi32>
          %jit3A_912 = arith.constant 16 : i32
          %eq3A_913 = arith.constant 0 : i32
          %eq3A_914 = arith.cmpi eq, %jit3A_912, %eq3A_913 : i32
          %jit3A_915 = arith.constant 1 : i32
          %select_n3A_916 = arith.select %eq3A_914, %jit3A_915, %jit3A_912 : i32
          %rem3A_917 = vector.broadcast %select_n3A_916 : i32 to vector<16xi32>
          %rem3A_918 = arith.remsi %add3A_911, %rem3A_917 : vector<16xi32>
          %ne3A_919 = arith.constant 0 : i32
          %ne3A_920 = vector.broadcast %ne3A_919 : i32 to vector<16xi32>
          %ne3A_921 = arith.cmpi ne, %rem3A_918, %ne3A_920 : vector<16xi32>
          %lt3A_922 = arith.constant 0 : i32
          %lt3A_923 = vector.broadcast %lt3A_922 : i32 to vector<16xi32>
          %lt3A_924 = arith.cmpi slt, %rem3A_918, %lt3A_923 : vector<16xi32>
          %lt3A_925 = arith.constant 0 : i32
          %lt3A_926 = arith.cmpi slt, %select_n3A_916, %lt3A_925 : i32
          %ne3A_927 = vector.broadcast %lt3A_926 : i1 to vector<16xi1>
          %ne3A_928 = vector.broadcast %ne3A_927 : vector<16xi1> to vector<16xi1>
          %ne3A_929 = arith.xori %lt3A_924, %ne3A_928 : vector<16xi1>
          %and3A_930 = arith.andi %ne3A_929, %ne3A_921 : vector<16xi1>
          %add3A_931 = vector.broadcast %select_n3A_916 : i32 to vector<16xi32>
          %add3A_932 = arith.addi %rem3A_918, %add3A_931 : vector<16xi32>
          %select_n3A_933 = arith.select %and3A_930, %add3A_932, %rem3A_918 : vector<16xi1>, vector<16xi32>
          %lt3A_934 = arith.constant 0 : i32
          %lt3A_935 = vector.broadcast %lt3A_934 : i32 to vector<16xi32>
          %lt3A_936 = arith.cmpi slt, %select_n3A_933, %lt3A_935 : vector<16xi32>
          %add3A_937 = arith.constant 16 : i32
          %add3A_938 = vector.broadcast %add3A_937 : i32 to vector<16xi32>
          %add3A_939 = arith.addi %select_n3A_933, %add3A_938 : vector<16xi32>
          %select_n3A_940 = arith.select %lt3A_936, %add3A_939, %select_n3A_933 : vector<16xi1>, vector<16xi32>
          %broadcast_in_dim3A_941 = vector.shape_cast %select_n3A_940 : vector<16xi32> to vector<16x1xi32>
          %gather3A_942 = vector.shape_cast %broadcast_in_dim3A_941 : vector<16x1xi32> to vector<16xi32>
          %gather3A_943 = tpu.dynamic_gather %max3A_907[%gather3A_942] in [0] : vector<16xf32>, vector<16xi32> -> vector<16xf32>
          %max3A_944 = arith.maximumf %max3A_907, %gather3A_943 : vector<16xf32>
          %iota3A_945 = tpu.iota {dimensions = array<i32: 0>} : vector<16xi32>
          %add3A_946 = arith.constant 2 : i32
          %add3A_947 = vector.broadcast %add3A_946 : i32 to vector<16xi32>
          %add3A_948 = arith.addi %iota3A_945, %add3A_947 : vector<16xi32>
          %jit3A_949 = arith.constant 16 : i32
          %eq3A_950 = arith.constant 0 : i32
          %eq3A_951 = arith.cmpi eq, %jit3A_949, %eq3A_950 : i32
          %jit3A_952 = arith.constant 1 : i32
          %select_n3A_953 = arith.select %eq3A_951, %jit3A_952, %jit3A_949 : i32
          %rem3A_954 = vector.broadcast %select_n3A_953 : i32 to vector<16xi32>
          %rem3A_955 = arith.remsi %add3A_948, %rem3A_954 : vector<16xi32>
          %ne3A_956 = arith.constant 0 : i32
          %ne3A_957 = vector.broadcast %ne3A_956 : i32 to vector<16xi32>
          %ne3A_958 = arith.cmpi ne, %rem3A_955, %ne3A_957 : vector<16xi32>
          %lt3A_959 = arith.constant 0 : i32
          %lt3A_960 = vector.broadcast %lt3A_959 : i32 to vector<16xi32>
          %lt3A_961 = arith.cmpi slt, %rem3A_955, %lt3A_960 : vector<16xi32>
          %lt3A_962 = arith.constant 0 : i32
          %lt3A_963 = arith.cmpi slt, %select_n3A_953, %lt3A_962 : i32
          %ne3A_964 = vector.broadcast %lt3A_963 : i1 to vector<16xi1>
          %ne3A_965 = vector.broadcast %ne3A_964 : vector<16xi1> to vector<16xi1>
          %ne3A_966 = arith.xori %lt3A_961, %ne3A_965 : vector<16xi1>
          %and3A_967 = arith.andi %ne3A_966, %ne3A_958 : vector<16xi1>
          %add3A_968 = vector.broadcast %select_n3A_953 : i32 to vector<16xi32>
          %add3A_969 = arith.addi %rem3A_955, %add3A_968 : vector<16xi32>
          %select_n3A_970 = arith.select %and3A_967, %add3A_969, %rem3A_955 : vector<16xi1>, vector<16xi32>
          %lt3A_971 = arith.constant 0 : i32
          %lt3A_972 = vector.broadcast %lt3A_971 : i32 to vector<16xi32>
          %lt3A_973 = arith.cmpi slt, %select_n3A_970, %lt3A_972 : vector<16xi32>
          %add3A_974 = arith.constant 16 : i32
          %add3A_975 = vector.broadcast %add3A_974 : i32 to vector<16xi32>
          %add3A_976 = arith.addi %select_n3A_970, %add3A_975 : vector<16xi32>
          %select_n3A_977 = arith.select %lt3A_973, %add3A_976, %select_n3A_970 : vector<16xi1>, vector<16xi32>
          %broadcast_in_dim3A_978 = vector.shape_cast %select_n3A_977 : vector<16xi32> to vector<16x1xi32>
          %gather3A_979 = vector.shape_cast %broadcast_in_dim3A_978 : vector<16x1xi32> to vector<16xi32>
          %gather3A_980 = tpu.dynamic_gather %max3A_944[%gather3A_979] in [0] : vector<16xf32>, vector<16xi32> -> vector<16xf32>
          %max3A_981 = arith.maximumf %max3A_944, %gather3A_980 : vector<16xf32>
          %iota3A_982 = tpu.iota {dimensions = array<i32: 0>} : vector<16xi32>
          %add3A_983 = arith.constant 1 : i32
          %add3A_984 = vector.broadcast %add3A_983 : i32 to vector<16xi32>
          %add3A_985 = arith.addi %iota3A_982, %add3A_984 : vector<16xi32>
          %jit3A_986 = arith.constant 16 : i32
          %eq3A_987 = arith.constant 0 : i32
          %eq3A_988 = arith.cmpi eq, %jit3A_986, %eq3A_987 : i32
          %jit3A_989 = arith.constant 1 : i32
          %select_n3A_990 = arith.select %eq3A_988, %jit3A_989, %jit3A_986 : i32
          %rem3A_991 = vector.broadcast %select_n3A_990 : i32 to vector<16xi32>
          %rem3A_992 = arith.remsi %add3A_985, %rem3A_991 : vector<16xi32>
          %ne3A_993 = arith.constant 0 : i32
          %ne3A_994 = vector.broadcast %ne3A_993 : i32 to vector<16xi32>
          %ne3A_995 = arith.cmpi ne, %rem3A_992, %ne3A_994 : vector<16xi32>
          %lt3A_996 = arith.constant 0 : i32
          %lt3A_997 = vector.broadcast %lt3A_996 : i32 to vector<16xi32>
          %lt3A_998 = arith.cmpi slt, %rem3A_992, %lt3A_997 : vector<16xi32>
          %lt3A_999 = arith.constant 0 : i32
          %lt3A_1000 = arith.cmpi slt, %select_n3A_990, %lt3A_999 : i32
          %ne3A_1001 = vector.broadcast %lt3A_1000 : i1 to vector<16xi1>
          %ne3A_1002 = vector.broadcast %ne3A_1001 : vector<16xi1> to vector<16xi1>
          %ne3A_1003 = arith.xori %lt3A_998, %ne3A_1002 : vector<16xi1>
          %and3A_1004 = arith.andi %ne3A_1003, %ne3A_995 : vector<16xi1>
          %add3A_1005 = vector.broadcast %select_n3A_990 : i32 to vector<16xi32>
          %add3A_1006 = arith.addi %rem3A_992, %add3A_1005 : vector<16xi32>
          %select_n3A_1007 = arith.select %and3A_1004, %add3A_1006, %rem3A_992 : vector<16xi1>, vector<16xi32>
          %lt3A_1008 = arith.constant 0 : i32
          %lt3A_1009 = vector.broadcast %lt3A_1008 : i32 to vector<16xi32>
          %lt3A_1010 = arith.cmpi slt, %select_n3A_1007, %lt3A_1009 : vector<16xi32>
          %add3A_1011 = arith.constant 16 : i32
          %add3A_1012 = vector.broadcast %add3A_1011 : i32 to vector<16xi32>
          %add3A_1013 = arith.addi %select_n3A_1007, %add3A_1012 : vector<16xi32>
          %select_n3A_1014 = arith.select %lt3A_1010, %add3A_1013, %select_n3A_1007 : vector<16xi1>, vector<16xi32>
          %broadcast_in_dim3A_1015 = vector.shape_cast %select_n3A_1014 : vector<16xi32> to vector<16x1xi32>
          %gather3A_1016 = vector.shape_cast %broadcast_in_dim3A_1015 : vector<16x1xi32> to vector<16xi32>
          %gather3A_1017 = tpu.dynamic_gather %max3A_981[%gather3A_1016] in [0] : vector<16xf32>, vector<16xi32> -> vector<16xf32>
          %max3A_1018 = arith.maximumf %max3A_981, %gather3A_1017 : vector<16xf32>
          %mul3A_1019 = arith.mulf %get3A_852, %max3A_1018 : vector<16xf32>
          %swap3A_1020 = arith.index_cast %add3A_849 : i32 to index
          %swap3A_1021 = arith.constant 0 : index
          %swap3A_1022 = tpu.vector_load %arg6[%swap3A_1020, %swap3A_1021] {strides = array<i32>} : memref<640x64xf32, #tpu.memory_space<vmem>>, vector<16xf32>,
          tpu.vector_store %arg6[%swap3A_1020, %swap3A_1021], %mul3A_1019 {strides = array<i32>} : memref<640x64xf32, #tpu.memory_space<vmem>>, vector<16xf32>,
          %mul3A_1023 = arith.mulf %get3A_855, %max3A_1018 : vector<16xf32>
          %swap3A_1024 = arith.index_cast %add3A_849 : i32 to index
          %swap3A_1025 = arith.constant 16 : index
          %swap3A_1026 = tpu.vector_load %arg6[%swap3A_1024, %swap3A_1025] {strides = array<i32>} : memref<640x64xf32, #tpu.memory_space<vmem>>, vector<16xf32>,
          tpu.vector_store %arg6[%swap3A_1024, %swap3A_1025], %mul3A_1023 {strides = array<i32>} : memref<640x64xf32, #tpu.memory_space<vmem>>, vector<16xf32>,
          %mul3A_1027 = arith.mulf %get3A_858, %max3A_1018 : vector<16xf32>
          %swap3A_1028 = arith.index_cast %add3A_849 : i32 to index
          %swap3A_1029 = arith.constant 32 : index
          %swap3A_1030 = tpu.vector_load %arg6[%swap3A_1028, %swap3A_1029] {strides = array<i32>} : memref<640x64xf32, #tpu.memory_space<vmem>>, vector<16xf32>,
          tpu.vector_store %arg6[%swap3A_1028, %swap3A_1029], %mul3A_1027 {strides = array<i32>} : memref<640x64xf32, #tpu.memory_space<vmem>>, vector<16xf32>,
          %mul3A_1031 = arith.mulf %get3A_861, %max3A_1018 : vector<16xf32>
          %swap3A_1032 = arith.index_cast %add3A_849 : i32 to index
          %swap3A_1033 = arith.constant 48 : index
          %swap3A_1034 = tpu.vector_load %arg6[%swap3A_1032, %swap3A_1033] {strides = array<i32>} : memref<640x64xf32, #tpu.memory_space<vmem>>, vector<16xf32>,
          tpu.vector_store %arg6[%swap3A_1032, %swap3A_1033], %mul3A_1031 {strides = array<i32>} : memref<640x64xf32, #tpu.memory_space<vmem>>, vector<16xf32>,
        }
        %scan3A_288 = arith.constant 160 : i32
      } else {
      }
      %mul3A_171 = arith.constant 640 : i32
      %mul3A_172 = arith.muli %add3A_81, %mul3A_171 : i32
      %add3A_173 = arith.addi %mul3A_2, %mul3A_172 : i32
      %dma_start3A_174 = arith.constant 0 : i32
      %dma_start3A_175 = tpu.memref_slice %arg4[%add3A_173, %dma_start3A_174] : memref<819200x128xf32, #tpu.memory_space<hbm>> -> memref<640x64xf32, #tpu.memory_space<hbm>>
      %dma_start3A_176 = arith.constant 0 : i32
      %dma_start3A_177 = tpu.memref_slice %arg4[%add3A_173, %dma_start3A_176] : memref<819200x128xf32, #tpu.memory_space<hbm>> -> memref<640x64xf32, #tpu.memory_space<hbm>>
      tpu.enqueue_dma source(%arg6 : memref<640x64xf32, #tpu.memory_space<vmem>>) target(%dma_start3A_177 : memref<640x64xf32, #tpu.memory_space<hbm>>) target_semaphore(%arg11 : memref<!tpu.dma_semaphore, #tpu.memory_space<semaphore_mem>>)
      %mul3A_178 = arith.constant 2 : i32
      %mul3A_179 = arith.muli %scan3A_77, %mul3A_178 : i32
      %add3A_180 = arith.constant 1 : i32
      %add3A_181 = arith.addi %mul3A_179, %add3A_180 : i32
      %mul3A_182 = arith.constant 5 : i32
      %mul3A_183 = arith.muli %add3A_181, %mul3A_182 : i32
      %add3A_184 = arith.constant 0 : i32
      %add3A_185 = arith.addi %mul3A_183, %add3A_184 : i32
      %dma_wait3A_186 = arith.constant 0 : i32
      %dma_wait3A_187 = arith.constant 0 : i32
      %dma_wait3A_188 = tpu.memref_slice %arg7[%dma_wait3A_186, %dma_wait3A_187] : memref<640x64xf32, #tpu.memory_space<vmem>> -> memref<128x64xf32, #tpu.memory_space<vmem>>
      %dma_wait3A_189 = arith.constant 0 : i32
      %dma_wait3A_190 = tpu.memref_slice %arg5[%add3A_185, %dma_wait3A_189] : memref<200x128xi32, #tpu.memory_space<vmem>> -> memref<1x128xi32, #tpu.memory_space<vmem>>
      %dma_wait3A_191 = tpu.memref_squeeze %dma_wait3A_190 : memref<1x128xi32, #tpu.memory_space<vmem>> -> memref<128xi32, #tpu.memory_space<vmem>>
      %dma_wait3A_192 = arith.constant 0 : i32
      %dma_wait3A_193 = arith.constant 0 : i32
      %dma_wait3A_194 = tpu.memref_slice %arg3[%dma_wait3A_192, %dma_wait3A_193] : memref<1000000x64xf32, #tpu.memory_space<hbm>> -> memref<1000000x64xf32, #tpu.memory_space<hbm>>
      tpu.wait_indirect_dma semaphore(%arg10 : memref<!tpu.dma_semaphore, #tpu.memory_space<semaphore_mem>>) src(%dma_wait3A_194 : memref<1000000x64xf32, #tpu.memory_space<hbm>>) dst(%dma_wait3A_188 : memref<128x64xf32, #tpu.memory_space<vmem>>)
      %mul3A_195 = arith.constant 5 : i32
      %mul3A_196 = arith.muli %add3A_181, %mul3A_195 : i32
      %add3A_197 = arith.constant 1 : i32
      %add3A_198 = arith.addi %mul3A_196, %add3A_197 : i32
      %dma_wait3A_199 = arith.constant 128 : i32
      %dma_wait3A_200 = arith.constant 0 : i32
      %dma_wait3A_201 = tpu.memref_slice %arg7[%dma_wait3A_199, %dma_wait3A_200] : memref<640x64xf32, #tpu.memory_space<vmem>> -> memref<128x64xf32, #tpu.memory_space<vmem>>
      %dma_wait3A_202 = arith.constant 0 : i32
      %dma_wait3A_203 = tpu.memref_slice %arg5[%add3A_198, %dma_wait3A_202] : memref<200x128xi32, #tpu.memory_space<vmem>> -> memref<1x128xi32, #tpu.memory_space<vmem>>
      %dma_wait3A_204 = tpu.memref_squeeze %dma_wait3A_203 : memref<1x128xi32, #tpu.memory_space<vmem>> -> memref<128xi32, #tpu.memory_space<vmem>>
      %dma_wait3A_205 = arith.constant 0 : i32
      %dma_wait3A_206 = arith.constant 0 : i32
      %dma_wait3A_207 = tpu.memref_slice %arg3[%dma_wait3A_205, %dma_wait3A_206] : memref<1000000x64xf32, #tpu.memory_space<hbm>> -> memref<1000000x64xf32, #tpu.memory_space<hbm>>
      tpu.wait_indirect_dma semaphore(%arg10 : memref<!tpu.dma_semaphore, #tpu.memory_space<semaphore_mem>>) src(%dma_wait3A_207 : memref<1000000x64xf32, #tpu.memory_space<hbm>>) dst(%dma_wait3A_201 : memref<128x64xf32, #tpu.memory_space<vmem>>)
      %mul3A_208 = arith.constant 5 : i32
      %mul3A_209 = arith.muli %add3A_181, %mul3A_208 : i32
      %add3A_210 = arith.constant 2 : i32
      %add3A_211 = arith.addi %mul3A_209, %add3A_210 : i32
      %dma_wait3A_212 = arith.constant 256 : i32
      %dma_wait3A_213 = arith.constant 0 : i32
      %dma_wait3A_214 = tpu.memref_slice %arg7[%dma_wait3A_212, %dma_wait3A_213] : memref<640x64xf32, #tpu.memory_space<vmem>> -> memref<128x64xf32, #tpu.memory_space<vmem>>
      %dma_wait3A_215 = arith.constant 0 : i32
      %dma_wait3A_216 = tpu.memref_slice %arg5[%add3A_211, %dma_wait3A_215] : memref<200x128xi32, #tpu.memory_space<vmem>> -> memref<1x128xi32, #tpu.memory_space<vmem>>
      %dma_wait3A_217 = tpu.memref_squeeze %dma_wait3A_216 : memref<1x128xi32, #tpu.memory_space<vmem>> -> memref<128xi32, #tpu.memory_space<vmem>>
      %dma_wait3A_218 = arith.constant 0 : i32
      %dma_wait3A_219 = arith.constant 0 : i32
      %dma_wait3A_220 = tpu.memref_slice %arg3[%dma_wait3A_218, %dma_wait3A_219] : memref<1000000x64xf32, #tpu.memory_space<hbm>> -> memref<1000000x64xf32, #tpu.memory_space<hbm>>
      tpu.wait_indirect_dma semaphore(%arg10 : memref<!tpu.dma_semaphore, #tpu.memory_space<semaphore_mem>>) src(%dma_wait3A_220 : memref<1000000x64xf32, #tpu.memory_space<hbm>>) dst(%dma_wait3A_214 : memref<128x64xf32, #tpu.memory_space<vmem>>)
      %mul3A_221 = arith.constant 5 : i32
      %mul3A_222 = arith.muli %add3A_181, %mul3A_221 : i32
      %add3A_223 = arith.constant 3 : i32
      %add3A_224 = arith.addi %mul3A_222, %add3A_223 : i32
      %dma_wait3A_225 = arith.constant 384 : i32
      %dma_wait3A_226 = arith.constant 0 : i32
      %dma_wait3A_227 = tpu.memref_slice %arg7[%dma_wait3A_225, %dma_wait3A_226] : memref<640x64xf32, #tpu.memory_space<vmem>> -> memref<128x64xf32, #tpu.memory_space<vmem>>
      %dma_wait3A_228 = arith.constant 0 : i32
      %dma_wait3A_229 = tpu.memref_slice %arg5[%add3A_224, %dma_wait3A_228] : memref<200x128xi32, #tpu.memory_space<vmem>> -> memref<1x128xi32, #tpu.memory_space<vmem>>
      %dma_wait3A_230 = tpu.memref_squeeze %dma_wait3A_229 : memref<1x128xi32, #tpu.memory_space<vmem>> -> memref<128xi32, #tpu.memory_space<vmem>>
      %dma_wait3A_231 = arith.constant 0 : i32
      %dma_wait3A_232 = arith.constant 0 : i32
      %dma_wait3A_233 = tpu.memref_slice %arg3[%dma_wait3A_231, %dma_wait3A_232] : memref<1000000x64xf32, #tpu.memory_space<hbm>> -> memref<1000000x64xf32, #tpu.memory_space<hbm>>
      tpu.wait_indirect_dma semaphore(%arg10 : memref<!tpu.dma_semaphore, #tpu.memory_space<semaphore_mem>>) src(%dma_wait3A_233 : memref<1000000x64xf32, #tpu.memory_space<hbm>>) dst(%dma_wait3A_227 : memref<128x64xf32, #tpu.memory_space<vmem>>)
      %mul3A_234 = arith.constant 5 : i32
      %mul3A_235 = arith.muli %add3A_181, %mul3A_234 : i32
      %add3A_236 = arith.constant 4 : i32
      %add3A_237 = arith.addi %mul3A_235, %add3A_236 : i32
      %dma_wait3A_238 = arith.constant 512 : i32
      %dma_wait3A_239 = arith.constant 0 : i32
      %dma_wait3A_240 = tpu.memref_slice %arg7[%dma_wait3A_238, %dma_wait3A_239] : memref<640x64xf32, #tpu.memory_space<vmem>> -> memref<128x64xf32, #tpu.memory_space<vmem>>
      %dma_wait3A_241 = arith.constant 0 : i32
      %dma_wait3A_242 = tpu.memref_slice %arg5[%add3A_237, %dma_wait3A_241] : memref<200x128xi32, #tpu.memory_space<vmem>> -> memref<1x128xi32, #tpu.memory_space<vmem>>
      %dma_wait3A_243 = tpu.memref_squeeze %dma_wait3A_242 : memref<1x128xi32, #tpu.memory_space<vmem>> -> memref<128xi32, #tpu.memory_space<vmem>>
      %dma_wait3A_244 = arith.constant 0 : i32
      %dma_wait3A_245 = arith.constant 0 : i32
      %dma_wait3A_246 = tpu.memref_slice %arg3[%dma_wait3A_244, %dma_wait3A_245] : memref<1000000x64xf32, #tpu.memory_space<hbm>> -> memref<1000000x64xf32, #tpu.memory_space<hbm>>
      tpu.wait_indirect_dma semaphore(%arg10 : memref<!tpu.dma_semaphore, #tpu.memory_space<semaphore_mem>>) src(%dma_wait3A_246 : memref<1000000x64xf32, #tpu.memory_space<hbm>>) dst(%dma_wait3A_240 : memref<128x64xf32, #tpu.memory_space<vmem>>)
      %add3A_247 = arith.constant 1 : i32
      %add3A_248 = arith.addi %add3A_181, %add3A_247 : i32
      %lt3A_249 = arith.constant 40 : i32
      %lt3A_250 = arith.cmpi slt, %add3A_248, %lt3A_249 : i32
      %convert_element_type3A_251 = arith.extui %lt3A_250 : i1 to i32
      %cond3A_252 = arith.constant 0 : i32
      %cond3A_253 = arith.cmpi ne, %convert_element_type3A_251, %cond3A_252 : i32
      scf.if %cond3A_253 {
        %ge3A = arith.constant 1 : i32
        %ge3A_283 = arith.cmpi sge, %add3A_181, %ge3A : i32
        %convert_element_type3A_284 = arith.extui %ge3A_283 : i1 to i32
        %cond3A_285 = arith.constant 0 : i32
        %cond3A_286 = arith.cmpi ne, %convert_element_type3A_284, %cond3A_285 : i32
        scf.if %cond3A_286 {
          %sub3A = arith.constant 1 : i32
          %sub3A_354 = arith.subi %add3A_181, %sub3A : i32
          %mul3A_355 = arith.constant 640 : i32
          %mul3A_356 = arith.muli %sub3A_354, %mul3A_355 : i32
          %add3A_357 = arith.addi %mul3A_2, %mul3A_356 : i32
          %dma_wait3A_358 = arith.constant 0 : i32
          %dma_wait3A_359 = tpu.memref_slice %arg4[%add3A_357, %dma_wait3A_358] : memref<819200x128xf32, #tpu.memory_space<hbm>> -> memref<640x64xf32, #tpu.memory_space<hbm>>
          %dma_wait3A_360 = arith.constant 0 : i32
          %dma_wait3A_361 = tpu.memref_slice %arg4[%add3A_357, %dma_wait3A_360] : memref<819200x128xf32, #tpu.memory_space<hbm>> -> memref<640x64xf32, #tpu.memory_space<hbm>>
          tpu.wait_dma2 semaphore(%arg11 : memref<!tpu.dma_semaphore, #tpu.memory_space<semaphore_mem>>) src(%arg6 : memref<640x64xf32, #tpu.memory_space<vmem>>) dst(%dma_wait3A_361 : memref<640x64xf32, #tpu.memory_space<hbm>>)
        } else {
        }
        %add3A_287 = arith.constant 1 : i32
        %add3A_288 = arith.addi %add3A_181, %add3A_287 : i32
        %mul3A_289 = arith.constant 5 : i32
        %mul3A_290 = arith.muli %add3A_288, %mul3A_289 : i32
        %add3A_291 = arith.constant 0 : i32
        %add3A_292 = arith.addi %mul3A_290, %add3A_291 : i32
        %dma_start3A_293 = arith.constant 0 : i32
        %dma_start3A_294 = arith.constant 0 : i32
        %dma_start3A_295 = tpu.memref_slice %arg6[%dma_start3A_293, %dma_start3A_294] : memref<640x64xf32, #tpu.memory_space<vmem>> -> memref<128x64xf32, #tpu.memory_space<vmem>>
        %dma_start3A_296 = arith.constant 0 : i32
        %dma_start3A_297 = tpu.memref_slice %arg5[%add3A_292, %dma_start3A_296] : memref<200x128xi32, #tpu.memory_space<vmem>> -> memref<1x128xi32, #tpu.memory_space<vmem>>
        %dma_start3A_298 = tpu.memref_squeeze %dma_start3A_297 : memref<1x128xi32, #tpu.memory_space<vmem>> -> memref<128xi32, #tpu.memory_space<vmem>>
        %dma_start3A_299 = arith.constant 0 : i32
        %dma_start3A_300 = arith.constant 0 : i32
        %dma_start3A_301 = tpu.memref_slice %arg3[%dma_start3A_299, %dma_start3A_300] : memref<1000000x64xf32, #tpu.memory_space<hbm>> -> memref<1000000x64xf32, #tpu.memory_space<hbm>>
        tpu.enqueue_indirect_dma source(%dma_start3A_301 : memref<1000000x64xf32, #tpu.memory_space<hbm>>) target(%dma_start3A_295 : memref<128x64xf32, #tpu.memory_space<vmem>>) offsets(%dma_start3A_298 : memref<128xi32, #tpu.memory_space<vmem>>) semaphore(%arg9 : memref<!tpu.dma_semaphore, #tpu.memory_space<semaphore_mem>>)
        %mul3A_302 = arith.constant 5 : i32
        %mul3A_303 = arith.muli %add3A_288, %mul3A_302 : i32
        %add3A_304 = arith.constant 1 : i32
        %add3A_305 = arith.addi %mul3A_303, %add3A_304 : i32
        %dma_start3A_306 = arith.constant 128 : i32
        %dma_start3A_307 = arith.constant 0 : i32
        %dma_start3A_308 = tpu.memref_slice %arg6[%dma_start3A_306, %dma_start3A_307] : memref<640x64xf32, #tpu.memory_space<vmem>> -> memref<128x64xf32, #tpu.memory_space<vmem>>
        %dma_start3A_309 = arith.constant 0 : i32
        %dma_start3A_310 = tpu.memref_slice %arg5[%add3A_305, %dma_start3A_309] : memref<200x128xi32, #tpu.memory_space<vmem>> -> memref<1x128xi32, #tpu.memory_space<vmem>>
        %dma_start3A_311 = tpu.memref_squeeze %dma_start3A_310 : memref<1x128xi32, #tpu.memory_space<vmem>> -> memref<128xi32, #tpu.memory_space<vmem>>
        %dma_start3A_312 = arith.constant 0 : i32
        %dma_start3A_313 = arith.constant 0 : i32
        %dma_start3A_314 = tpu.memref_slice %arg3[%dma_start3A_312, %dma_start3A_313] : memref<1000000x64xf32, #tpu.memory_space<hbm>> -> memref<1000000x64xf32, #tpu.memory_space<hbm>>
        tpu.enqueue_indirect_dma source(%dma_start3A_314 : memref<1000000x64xf32, #tpu.memory_space<hbm>>) target(%dma_start3A_308 : memref<128x64xf32, #tpu.memory_space<vmem>>) offsets(%dma_start3A_311 : memref<128xi32, #tpu.memory_space<vmem>>) semaphore(%arg9 : memref<!tpu.dma_semaphore, #tpu.memory_space<semaphore_mem>>)
        %mul3A_315 = arith.constant 5 : i32
        %mul3A_316 = arith.muli %add3A_288, %mul3A_315 : i32
        %add3A_317 = arith.constant 2 : i32
        %add3A_318 = arith.addi %mul3A_316, %add3A_317 : i32
        %dma_start3A_319 = arith.constant 256 : i32
        %dma_start3A_320 = arith.constant 0 : i32
        %dma_start3A_321 = tpu.memref_slice %arg6[%dma_start3A_319, %dma_start3A_320] : memref<640x64xf32, #tpu.memory_space<vmem>> -> memref<128x64xf32, #tpu.memory_space<vmem>>
        %dma_start3A_322 = arith.constant 0 : i32
        %dma_start3A_323 = tpu.memref_slice %arg5[%add3A_318, %dma_start3A_322] : memref<200x128xi32, #tpu.memory_space<vmem>> -> memref<1x128xi32, #tpu.memory_space<vmem>>
        %dma_start3A_324 = tpu.memref_squeeze %dma_start3A_323 : memref<1x128xi32, #tpu.memory_space<vmem>> -> memref<128xi32, #tpu.memory_space<vmem>>
        %dma_start3A_325 = arith.constant 0 : i32
        %dma_start3A_326 = arith.constant 0 : i32
        %dma_start3A_327 = tpu.memref_slice %arg3[%dma_start3A_325, %dma_start3A_326] : memref<1000000x64xf32, #tpu.memory_space<hbm>> -> memref<1000000x64xf32, #tpu.memory_space<hbm>>
        tpu.enqueue_indirect_dma source(%dma_start3A_327 : memref<1000000x64xf32, #tpu.memory_space<hbm>>) target(%dma_start3A_321 : memref<128x64xf32, #tpu.memory_space<vmem>>) offsets(%dma_start3A_324 : memref<128xi32, #tpu.memory_space<vmem>>) semaphore(%arg9 : memref<!tpu.dma_semaphore, #tpu.memory_space<semaphore_mem>>)
        %mul3A_328 = arith.constant 5 : i32
        %mul3A_329 = arith.muli %add3A_288, %mul3A_328 : i32
        %add3A_330 = arith.constant 3 : i32
        %add3A_331 = arith.addi %mul3A_329, %add3A_330 : i32
        %dma_start3A_332 = arith.constant 384 : i32
        %dma_start3A_333 = arith.constant 0 : i32
        %dma_start3A_334 = tpu.memref_slice %arg6[%dma_start3A_332, %dma_start3A_333] : memref<640x64xf32, #tpu.memory_space<vmem>> -> memref<128x64xf32, #tpu.memory_space<vmem>>
        %dma_start3A_335 = arith.constant 0 : i32
        %dma_start3A_336 = tpu.memref_slice %arg5[%add3A_331, %dma_start3A_335] : memref<200x128xi32, #tpu.memory_space<vmem>> -> memref<1x128xi32, #tpu.memory_space<vmem>>
        %dma_start3A_337 = tpu.memref_squeeze %dma_start3A_336 : memref<1x128xi32, #tpu.memory_space<vmem>> -> memref<128xi32, #tpu.memory_space<vmem>>
        %dma_start3A_338 = arith.constant 0 : i32
        %dma_start3A_339 = arith.constant 0 : i32
        %dma_start3A_340 = tpu.memref_slice %arg3[%dma_start3A_338, %dma_start3A_339] : memref<1000000x64xf32, #tpu.memory_space<hbm>> -> memref<1000000x64xf32, #tpu.memory_space<hbm>>
        tpu.enqueue_indirect_dma source(%dma_start3A_340 : memref<1000000x64xf32, #tpu.memory_space<hbm>>) target(%dma_start3A_334 : memref<128x64xf32, #tpu.memory_space<vmem>>) offsets(%dma_start3A_337 : memref<128xi32, #tpu.memory_space<vmem>>) semaphore(%arg9 : memref<!tpu.dma_semaphore, #tpu.memory_space<semaphore_mem>>)
        %mul3A_341 = arith.constant 5 : i32
        %mul3A_342 = arith.muli %add3A_288, %mul3A_341 : i32
        %add3A_343 = arith.constant 4 : i32
        %add3A_344 = arith.addi %mul3A_342, %add3A_343 : i32
        %dma_start3A_345 = arith.constant 512 : i32
        %dma_start3A_346 = arith.constant 0 : i32
        %dma_start3A_347 = tpu.memref_slice %arg6[%dma_start3A_345, %dma_start3A_346] : memref<640x64xf32, #tpu.memory_space<vmem>> -> memref<128x64xf32, #tpu.memory_space<vmem>>
        %dma_start3A_348 = arith.constant 0 : i32
        %dma_start3A_349 = tpu.memref_slice %arg5[%add3A_344, %dma_start3A_348] : memref<200x128xi32, #tpu.memory_space<vmem>> -> memref<1x128xi32, #tpu.memory_space<vmem>>
        %dma_start3A_350 = tpu.memref_squeeze %dma_start3A_349 : memref<1x128xi32, #tpu.memory_space<vmem>> -> memref<128xi32, #tpu.memory_space<vmem>>
        %dma_start3A_351 = arith.constant 0 : i32
        %dma_start3A_352 = arith.constant 0 : i32
        %dma_start3A_353 = tpu.memref_slice %arg3[%dma_start3A_351, %dma_start3A_352] : memref<1000000x64xf32, #tpu.memory_space<hbm>> -> memref<1000000x64xf32, #tpu.memory_space<hbm>>
        tpu.enqueue_indirect_dma source(%dma_start3A_353 : memref<1000000x64xf32, #tpu.memory_space<hbm>>) target(%dma_start3A_347 : memref<128x64xf32, #tpu.memory_space<vmem>>) offsets(%dma_start3A_350 : memref<128xi32, #tpu.memory_space<vmem>>) semaphore(%arg9 : memref<!tpu.dma_semaphore, #tpu.memory_space<semaphore_mem>>)
      } else {
      }
      %broadcast_in_dim3A_254 = arith.constant false
      %broadcast_in_dim3A_255 = vector.broadcast %broadcast_in_dim3A_254 : i1 to vector<16xi1>
      %scan3A_256 = arith.constant 0 : i32
      %scan3A_257 = arith.constant 80 : i32
      %scan3A_258 = arith.addi %scan3A_256, %scan3A_257 : i32
      %scan3A_259 = arith.constant 1 : i32
      %scan3A_260 = scf.for %scan3A_283 = %scan3A_256 to %scan3A_258 step %scan3A_259 iter_args(%scan3A_284 = %broadcast_in_dim3A_255) -> (vector<16xi1>)  : i32 {
        %mul3A_285 = arith.constant 8 : i32
        %mul3A_286 = arith.muli %scan3A_283, %mul3A_285 : i32
        %add3A_287 = arith.constant 0 : i32
        %add3A_288 = arith.addi %mul3A_286, %add3A_287 : i32
        %get3A_289 = arith.index_cast %add3A_288 : i32 to index
        %get3A_290 = arith.constant 0 : index
        %get3A_291 = tpu.vector_load %arg7[%get3A_289, %get3A_290] {strides = array<i32>} : memref<640x64xf32, #tpu.memory_space<vmem>>, vector<16xf32>,
        %eq3A = arith.cmpf oeq, %get3A_291, %get3A_5 : vector<16xf32>
        %or3A = arith.ori %scan3A_284, %eq3A : vector<16xi1>
        %mul3A_292 = arith.constant 8 : i32
        %mul3A_293 = arith.muli %scan3A_283, %mul3A_292 : i32
        %add3A_294 = arith.constant 1 : i32
        %add3A_295 = arith.addi %mul3A_293, %add3A_294 : i32
        %get3A_296 = arith.index_cast %add3A_295 : i32 to index
        %get3A_297 = arith.constant 0 : index
        %get3A_298 = tpu.vector_load %arg7[%get3A_296, %get3A_297] {strides = array<i32>} : memref<640x64xf32, #tpu.memory_space<vmem>>, vector<16xf32>,
        %eq3A_299 = arith.cmpf oeq, %get3A_298, %get3A_5 : vector<16xf32>
        %or3A_300 = arith.ori %or3A, %eq3A_299 : vector<16xi1>
        %mul3A_301 = arith.constant 8 : i32
        %mul3A_302 = arith.muli %scan3A_283, %mul3A_301 : i32
        %add3A_303 = arith.constant 2 : i32
        %add3A_304 = arith.addi %mul3A_302, %add3A_303 : i32
        %get3A_305 = arith.index_cast %add3A_304 : i32 to index
        %get3A_306 = arith.constant 0 : index
        %get3A_307 = tpu.vector_load %arg7[%get3A_305, %get3A_306] {strides = array<i32>} : memref<640x64xf32, #tpu.memory_space<vmem>>, vector<16xf32>,
        %eq3A_308 = arith.cmpf oeq, %get3A_307, %get3A_5 : vector<16xf32>
        %or3A_309 = arith.ori %or3A_300, %eq3A_308 : vector<16xi1>
        %mul3A_310 = arith.constant 8 : i32
        %mul3A_311 = arith.muli %scan3A_283, %mul3A_310 : i32
        %add3A_312 = arith.constant 3 : i32
        %add3A_313 = arith.addi %mul3A_311, %add3A_312 : i32
        %get3A_314 = arith.index_cast %add3A_313 : i32 to index
        %get3A_315 = arith.constant 0 : index
        %get3A_316 = tpu.vector_load %arg7[%get3A_314, %get3A_315] {strides = array<i32>} : memref<640x64xf32, #tpu.memory_space<vmem>>, vector<16xf32>,
        %eq3A_317 = arith.cmpf oeq, %get3A_316, %get3A_5 : vector<16xf32>
        %or3A_318 = arith.ori %or3A_309, %eq3A_317 : vector<16xi1>
        %mul3A_319 = arith.constant 8 : i32
        %mul3A_320 = arith.muli %scan3A_283, %mul3A_319 : i32
        %add3A_321 = arith.constant 4 : i32
        %add3A_322 = arith.addi %mul3A_320, %add3A_321 : i32
        %get3A_323 = arith.index_cast %add3A_322 : i32 to index
        %get3A_324 = arith.constant 0 : index
        %get3A_325 = tpu.vector_load %arg7[%get3A_323, %get3A_324] {strides = array<i32>} : memref<640x64xf32, #tpu.memory_space<vmem>>, vector<16xf32>,
        %eq3A_326 = arith.cmpf oeq, %get3A_325, %get3A_5 : vector<16xf32>
        %or3A_327 = arith.ori %or3A_318, %eq3A_326 : vector<16xi1>
        %mul3A_328 = arith.constant 8 : i32
        %mul3A_329 = arith.muli %scan3A_283, %mul3A_328 : i32
        %add3A_330 = arith.constant 5 : i32
        %add3A_331 = arith.addi %mul3A_329, %add3A_330 : i32
        %get3A_332 = arith.index_cast %add3A_331 : i32 to index
        %get3A_333 = arith.constant 0 : index
        %get3A_334 = tpu.vector_load %arg7[%get3A_332, %get3A_333] {strides = array<i32>} : memref<640x64xf32, #tpu.memory_space<vmem>>, vector<16xf32>,
        %eq3A_335 = arith.cmpf oeq, %get3A_334, %get3A_5 : vector<16xf32>
        %or3A_336 = arith.ori %or3A_327, %eq3A_335 : vector<16xi1>
        %mul3A_337 = arith.constant 8 : i32
        %mul3A_338 = arith.muli %scan3A_283, %mul3A_337 : i32
        %add3A_339 = arith.constant 6 : i32
        %add3A_340 = arith.addi %mul3A_338, %add3A_339 : i32
        %get3A_341 = arith.index_cast %add3A_340 : i32 to index
        %get3A_342 = arith.constant 0 : index
        %get3A_343 = tpu.vector_load %arg7[%get3A_341, %get3A_342] {strides = array<i32>} : memref<640x64xf32, #tpu.memory_space<vmem>>, vector<16xf32>,
        %eq3A_344 = arith.cmpf oeq, %get3A_343, %get3A_5 : vector<16xf32>
        %or3A_345 = arith.ori %or3A_336, %eq3A_344 : vector<16xi1>
        %mul3A_346 = arith.constant 8 : i32
        %mul3A_347 = arith.muli %scan3A_283, %mul3A_346 : i32
        %add3A_348 = arith.constant 7 : i32
        %add3A_349 = arith.addi %mul3A_347, %add3A_348 : i32
        %get3A_350 = arith.index_cast %add3A_349 : i32 to index
        %get3A_351 = arith.constant 0 : index
        %get3A_352 = tpu.vector_load %arg7[%get3A_350, %get3A_351] {strides = array<i32>} : memref<640x64xf32, #tpu.memory_space<vmem>>, vector<16xf32>,
        %eq3A_353 = arith.cmpf oeq, %get3A_352, %get3A_5 : vector<16xf32>
        %or3A_354 = arith.ori %or3A_345, %eq3A_353 : vector<16xi1>
        scf.yield %or3A_354 : vector<16xi1>
      }
      %scan3A_261 = arith.constant 80 : i32
      %reduce_or3A_262 = arith.constant 1.000000e+00 : f32
      %reduce_or3A_263 = arith.constant 0.000000e+00 : f32
      %reduce_or3A_264 = vector.broadcast %reduce_or3A_262 : f32 to vector<16xf32>
      %reduce_or3A_265 = vector.broadcast %reduce_or3A_263 : f32 to vector<16xf32>
      %reduce_or3A_266 = arith.select %scan3A_260, %reduce_or3A_264, %reduce_or3A_265 : vector<16xi1>, vector<16xf32>
      %reduce_or3A_267 = arith.constant true
      %reduce_or3A_268 = vector.broadcast %reduce_or3A_267 : i1 to vector<16xi1>
      %reduce_or3A_269 = tpu.scan <max>, %reduce_or3A_266 masked %reduce_or3A_268 : vector<16xf32>, vector<16xi1> -> vector<16xf32>
      %reduce_or3A_270 = vector.extract %reduce_or3A_269[15] : f32 from vector<16xf32>
      %reduce_or3A_271 = arith.constant 0.000000e+00 : f32
      %reduce_or3A_272 = arith.cmpf ogt, %reduce_or3A_270, %reduce_or3A_271 : f32
      %convert_element_type3A_273 = arith.extui %reduce_or3A_272 : i1 to i32
      %cond3A_274 = arith.constant 0 : i32
      %cond3A_275 = arith.cmpi ne, %convert_element_type3A_273, %cond3A_274 : i32
      scf.if %cond3A_275 {
        %scan3A_283 = arith.constant 0 : i32
        %scan3A_284 = arith.constant 0 : i32
        %scan3A_285 = arith.constant 160 : i32
        %scan3A_286 = arith.addi %scan3A_284, %scan3A_285 : i32
        %scan3A_287 = arith.constant 1 : i32
        scf.for %scan3A_289 = %scan3A_284 to %scan3A_286 step %scan3A_287  : i32 {
          %mul3A_290 = arith.constant 4 : i32
          %mul3A_291 = arith.muli %scan3A_289, %mul3A_290 : i32
          %add3A_292 = arith.constant 0 : i32
          %add3A_293 = arith.addi %mul3A_291, %add3A_292 : i32
          %get3A_294 = arith.index_cast %add3A_293 : i32 to index
          %get3A_295 = arith.constant 0 : index
          %get3A_296 = tpu.vector_load %arg7[%get3A_294, %get3A_295] {strides = array<i32>} : memref<640x64xf32, #tpu.memory_space<vmem>>, vector<16xf32>,
          %get3A_297 = arith.index_cast %add3A_293 : i32 to index
          %get3A_298 = arith.constant 16 : index
          %get3A_299 = tpu.vector_load %arg7[%get3A_297, %get3A_298] {strides = array<i32>} : memref<640x64xf32, #tpu.memory_space<vmem>>, vector<16xf32>,
          %get3A_300 = arith.index_cast %add3A_293 : i32 to index
          %get3A_301 = arith.constant 32 : index
          %get3A_302 = tpu.vector_load %arg7[%get3A_300, %get3A_301] {strides = array<i32>} : memref<640x64xf32, #tpu.memory_space<vmem>>, vector<16xf32>,
          %get3A_303 = arith.index_cast %add3A_293 : i32 to index
          %get3A_304 = arith.constant 48 : index
          %get3A_305 = tpu.vector_load %arg7[%get3A_303, %get3A_304] {strides = array<i32>} : memref<640x64xf32, #tpu.memory_space<vmem>>, vector<16xf32>,
          %ne3A = arith.cmpf one, %get3A_296, %get3A_5 : vector<16xf32>
          %ne3A_306 = arith.cmpf one, %get3A_299, %get3A_7 : vector<16xf32>
          %or3A = arith.ori %ne3A, %ne3A_306 : vector<16xi1>
          %ne3A_307 = arith.cmpf one, %get3A_302, %get3A_9 : vector<16xf32>
          %or3A_308 = arith.ori %or3A, %ne3A_307 : vector<16xi1>
          %ne3A_309 = arith.cmpf one, %get3A_305, %get3A_11 : vector<16xf32>
          %or3A_310 = arith.ori %or3A_308, %ne3A_309 : vector<16xi1>
          %convert_element_type3A_311 = arith.extui %or3A_310 : vector<16xi1> to vector<16xi32>
          %convert_element_type3A_312 = arith.sitofp %convert_element_type3A_311 : vector<16xi32> to vector<16xf32>
          %iota3A = tpu.iota {dimensions = array<i32: 0>} : vector<16xi32>
          %add3A_313 = arith.constant 8 : i32
          %add3A_314 = vector.broadcast %add3A_313 : i32 to vector<16xi32>
          %add3A_315 = arith.addi %iota3A, %add3A_314 : vector<16xi32>
          %jit3A = arith.constant 16 : i32
          %eq3A = arith.constant 0 : i32
          %eq3A_316 = arith.cmpi eq, %jit3A, %eq3A : i32
          %jit3A_317 = arith.constant 1 : i32
          %select_n3A = arith.select %eq3A_316, %jit3A_317, %jit3A : i32
          %rem3A = vector.broadcast %select_n3A : i32 to vector<16xi32>
          %rem3A_318 = arith.remsi %add3A_315, %rem3A : vector<16xi32>
          %ne3A_319 = arith.constant 0 : i32
          %ne3A_320 = vector.broadcast %ne3A_319 : i32 to vector<16xi32>
          %ne3A_321 = arith.cmpi ne, %rem3A_318, %ne3A_320 : vector<16xi32>
          %lt3A_322 = arith.constant 0 : i32
          %lt3A_323 = vector.broadcast %lt3A_322 : i32 to vector<16xi32>
          %lt3A_324 = arith.cmpi slt, %rem3A_318, %lt3A_323 : vector<16xi32>
          %lt3A_325 = arith.constant 0 : i32
          %lt3A_326 = arith.cmpi slt, %select_n3A, %lt3A_325 : i32
          %ne3A_327 = vector.broadcast %lt3A_326 : i1 to vector<16xi1>
          %ne3A_328 = vector.broadcast %ne3A_327 : vector<16xi1> to vector<16xi1>
          %ne3A_329 = arith.xori %lt3A_324, %ne3A_328 : vector<16xi1>
          %and3A = arith.andi %ne3A_329, %ne3A_321 : vector<16xi1>
          %add3A_330 = vector.broadcast %select_n3A : i32 to vector<16xi32>
          %add3A_331 = arith.addi %rem3A_318, %add3A_330 : vector<16xi32>
          %select_n3A_332 = arith.select %and3A, %add3A_331, %rem3A_318 : vector<16xi1>, vector<16xi32>
          %lt3A_333 = arith.constant 0 : i32
          %lt3A_334 = vector.broadcast %lt3A_333 : i32 to vector<16xi32>
          %lt3A_335 = arith.cmpi slt, %select_n3A_332, %lt3A_334 : vector<16xi32>
          %add3A_336 = arith.constant 16 : i32
          %add3A_337 = vector.broadcast %add3A_336 : i32 to vector<16xi32>
          %add3A_338 = arith.addi %select_n3A_332, %add3A_337 : vector<16xi32>
          %select_n3A_339 = arith.select %lt3A_335, %add3A_338, %select_n3A_332 : vector<16xi1>, vector<16xi32>
          %broadcast_in_dim3A_340 = vector.shape_cast %select_n3A_339 : vector<16xi32> to vector<16x1xi32>
          %gather3A = vector.shape_cast %broadcast_in_dim3A_340 : vector<16x1xi32> to vector<16xi32>
          %gather3A_341 = tpu.dynamic_gather %convert_element_type3A_312[%gather3A] in [0] : vector<16xf32>, vector<16xi32> -> vector<16xf32>
          %max3A = arith.maximumf %convert_element_type3A_312, %gather3A_341 : vector<16xf32>
          %iota3A_342 = tpu.iota {dimensions = array<i32: 0>} : vector<16xi32>
          %add3A_343 = arith.constant 4 : i32
          %add3A_344 = vector.broadcast %add3A_343 : i32 to vector<16xi32>
          %add3A_345 = arith.addi %iota3A_342, %add3A_344 : vector<16xi32>
          %jit3A_346 = arith.constant 16 : i32
          %eq3A_347 = arith.constant 0 : i32
          %eq3A_348 = arith.cmpi eq, %jit3A_346, %eq3A_347 : i32
          %jit3A_349 = arith.constant 1 : i32
          %select_n3A_350 = arith.select %eq3A_348, %jit3A_349, %jit3A_346 : i32
          %rem3A_351 = vector.broadcast %select_n3A_350 : i32 to vector<16xi32>
          %rem3A_352 = arith.remsi %add3A_345, %rem3A_351 : vector<16xi32>
          %ne3A_353 = arith.constant 0 : i32
          %ne3A_354 = vector.broadcast %ne3A_353 : i32 to vector<16xi32>
          %ne3A_355 = arith.cmpi ne, %rem3A_352, %ne3A_354 : vector<16xi32>
          %lt3A_356 = arith.constant 0 : i32
          %lt3A_357 = vector.broadcast %lt3A_356 : i32 to vector<16xi32>
          %lt3A_358 = arith.cmpi slt, %rem3A_352, %lt3A_357 : vector<16xi32>
          %lt3A_359 = arith.constant 0 : i32
          %lt3A_360 = arith.cmpi slt, %select_n3A_350, %lt3A_359 : i32
          %ne3A_361 = vector.broadcast %lt3A_360 : i1 to vector<16xi1>
          %ne3A_362 = vector.broadcast %ne3A_361 : vector<16xi1> to vector<16xi1>
          %ne3A_363 = arith.xori %lt3A_358, %ne3A_362 : vector<16xi1>
          %and3A_364 = arith.andi %ne3A_363, %ne3A_355 : vector<16xi1>
          %add3A_365 = vector.broadcast %select_n3A_350 : i32 to vector<16xi32>
          %add3A_366 = arith.addi %rem3A_352, %add3A_365 : vector<16xi32>
          %select_n3A_367 = arith.select %and3A_364, %add3A_366, %rem3A_352 : vector<16xi1>, vector<16xi32>
          %lt3A_368 = arith.constant 0 : i32
          %lt3A_369 = vector.broadcast %lt3A_368 : i32 to vector<16xi32>
          %lt3A_370 = arith.cmpi slt, %select_n3A_367, %lt3A_369 : vector<16xi32>
          %add3A_371 = arith.constant 16 : i32
          %add3A_372 = vector.broadcast %add3A_371 : i32 to vector<16xi32>
          %add3A_373 = arith.addi %select_n3A_367, %add3A_372 : vector<16xi32>
          %select_n3A_374 = arith.select %lt3A_370, %add3A_373, %select_n3A_367 : vector<16xi1>, vector<16xi32>
          %broadcast_in_dim3A_375 = vector.shape_cast %select_n3A_374 : vector<16xi32> to vector<16x1xi32>
          %gather3A_376 = vector.shape_cast %broadcast_in_dim3A_375 : vector<16x1xi32> to vector<16xi32>
          %gather3A_377 = tpu.dynamic_gather %max3A[%gather3A_376] in [0] : vector<16xf32>, vector<16xi32> -> vector<16xf32>
          %max3A_378 = arith.maximumf %max3A, %gather3A_377 : vector<16xf32>
          %iota3A_379 = tpu.iota {dimensions = array<i32: 0>} : vector<16xi32>
          %add3A_380 = arith.constant 2 : i32
          %add3A_381 = vector.broadcast %add3A_380 : i32 to vector<16xi32>
          %add3A_382 = arith.addi %iota3A_379, %add3A_381 : vector<16xi32>
          %jit3A_383 = arith.constant 16 : i32
          %eq3A_384 = arith.constant 0 : i32
          %eq3A_385 = arith.cmpi eq, %jit3A_383, %eq3A_384 : i32
          %jit3A_386 = arith.constant 1 : i32
          %select_n3A_387 = arith.select %eq3A_385, %jit3A_386, %jit3A_383 : i32
          %rem3A_388 = vector.broadcast %select_n3A_387 : i32 to vector<16xi32>
          %rem3A_389 = arith.remsi %add3A_382, %rem3A_388 : vector<16xi32>
          %ne3A_390 = arith.constant 0 : i32
          %ne3A_391 = vector.broadcast %ne3A_390 : i32 to vector<16xi32>
          %ne3A_392 = arith.cmpi ne, %rem3A_389, %ne3A_391 : vector<16xi32>
          %lt3A_393 = arith.constant 0 : i32
          %lt3A_394 = vector.broadcast %lt3A_393 : i32 to vector<16xi32>
          %lt3A_395 = arith.cmpi slt, %rem3A_389, %lt3A_394 : vector<16xi32>
          %lt3A_396 = arith.constant 0 : i32
          %lt3A_397 = arith.cmpi slt, %select_n3A_387, %lt3A_396 : i32
          %ne3A_398 = vector.broadcast %lt3A_397 : i1 to vector<16xi1>
          %ne3A_399 = vector.broadcast %ne3A_398 : vector<16xi1> to vector<16xi1>
          %ne3A_400 = arith.xori %lt3A_395, %ne3A_399 : vector<16xi1>
          %and3A_401 = arith.andi %ne3A_400, %ne3A_392 : vector<16xi1>
          %add3A_402 = vector.broadcast %select_n3A_387 : i32 to vector<16xi32>
          %add3A_403 = arith.addi %rem3A_389, %add3A_402 : vector<16xi32>
          %select_n3A_404 = arith.select %and3A_401, %add3A_403, %rem3A_389 : vector<16xi1>, vector<16xi32>
          %lt3A_405 = arith.constant 0 : i32
          %lt3A_406 = vector.broadcast %lt3A_405 : i32 to vector<16xi32>
          %lt3A_407 = arith.cmpi slt, %select_n3A_404, %lt3A_406 : vector<16xi32>
          %add3A_408 = arith.constant 16 : i32
          %add3A_409 = vector.broadcast %add3A_408 : i32 to vector<16xi32>
          %add3A_410 = arith.addi %select_n3A_404, %add3A_409 : vector<16xi32>
          %select_n3A_411 = arith.select %lt3A_407, %add3A_410, %select_n3A_404 : vector<16xi1>, vector<16xi32>
          %broadcast_in_dim3A_412 = vector.shape_cast %select_n3A_411 : vector<16xi32> to vector<16x1xi32>
          %gather3A_413 = vector.shape_cast %broadcast_in_dim3A_412 : vector<16x1xi32> to vector<16xi32>
          %gather3A_414 = tpu.dynamic_gather %max3A_378[%gather3A_413] in [0] : vector<16xf32>, vector<16xi32> -> vector<16xf32>
          %max3A_415 = arith.maximumf %max3A_378, %gather3A_414 : vector<16xf32>
          %iota3A_416 = tpu.iota {dimensions = array<i32: 0>} : vector<16xi32>
          %add3A_417 = arith.constant 1 : i32
          %add3A_418 = vector.broadcast %add3A_417 : i32 to vector<16xi32>
          %add3A_419 = arith.addi %iota3A_416, %add3A_418 : vector<16xi32>
          %jit3A_420 = arith.constant 16 : i32
          %eq3A_421 = arith.constant 0 : i32
          %eq3A_422 = arith.cmpi eq, %jit3A_420, %eq3A_421 : i32
          %jit3A_423 = arith.constant 1 : i32
          %select_n3A_424 = arith.select %eq3A_422, %jit3A_423, %jit3A_420 : i32
          %rem3A_425 = vector.broadcast %select_n3A_424 : i32 to vector<16xi32>
          %rem3A_426 = arith.remsi %add3A_419, %rem3A_425 : vector<16xi32>
          %ne3A_427 = arith.constant 0 : i32
          %ne3A_428 = vector.broadcast %ne3A_427 : i32 to vector<16xi32>
          %ne3A_429 = arith.cmpi ne, %rem3A_426, %ne3A_428 : vector<16xi32>
          %lt3A_430 = arith.constant 0 : i32
          %lt3A_431 = vector.broadcast %lt3A_430 : i32 to vector<16xi32>
          %lt3A_432 = arith.cmpi slt, %rem3A_426, %lt3A_431 : vector<16xi32>
          %lt3A_433 = arith.constant 0 : i32
          %lt3A_434 = arith.cmpi slt, %select_n3A_424, %lt3A_433 : i32
          %ne3A_435 = vector.broadcast %lt3A_434 : i1 to vector<16xi1>
          %ne3A_436 = vector.broadcast %ne3A_435 : vector<16xi1> to vector<16xi1>
          %ne3A_437 = arith.xori %lt3A_432, %ne3A_436 : vector<16xi1>
          %and3A_438 = arith.andi %ne3A_437, %ne3A_429 : vector<16xi1>
          %add3A_439 = vector.broadcast %select_n3A_424 : i32 to vector<16xi32>
          %add3A_440 = arith.addi %rem3A_426, %add3A_439 : vector<16xi32>
          %select_n3A_441 = arith.select %and3A_438, %add3A_440, %rem3A_426 : vector<16xi1>, vector<16xi32>
          %lt3A_442 = arith.constant 0 : i32
          %lt3A_443 = vector.broadcast %lt3A_442 : i32 to vector<16xi32>
          %lt3A_444 = arith.cmpi slt, %select_n3A_441, %lt3A_443 : vector<16xi32>
          %add3A_445 = arith.constant 16 : i32
          %add3A_446 = vector.broadcast %add3A_445 : i32 to vector<16xi32>
          %add3A_447 = arith.addi %select_n3A_441, %add3A_446 : vector<16xi32>
          %select_n3A_448 = arith.select %lt3A_444, %add3A_447, %select_n3A_441 : vector<16xi1>, vector<16xi32>
          %broadcast_in_dim3A_449 = vector.shape_cast %select_n3A_448 : vector<16xi32> to vector<16x1xi32>
          %gather3A_450 = vector.shape_cast %broadcast_in_dim3A_449 : vector<16x1xi32> to vector<16xi32>
          %gather3A_451 = tpu.dynamic_gather %max3A_415[%gather3A_450] in [0] : vector<16xf32>, vector<16xi32> -> vector<16xf32>
          %max3A_452 = arith.maximumf %max3A_415, %gather3A_451 : vector<16xf32>
          %mul3A_453 = arith.mulf %get3A_296, %max3A_452 : vector<16xf32>
          %swap3A = arith.index_cast %add3A_293 : i32 to index
          %swap3A_454 = arith.constant 0 : index
          %swap3A_455 = tpu.vector_load %arg7[%swap3A, %swap3A_454] {strides = array<i32>} : memref<640x64xf32, #tpu.memory_space<vmem>>, vector<16xf32>,
          tpu.vector_store %arg7[%swap3A, %swap3A_454], %mul3A_453 {strides = array<i32>} : memref<640x64xf32, #tpu.memory_space<vmem>>, vector<16xf32>,
          %mul3A_456 = arith.mulf %get3A_299, %max3A_452 : vector<16xf32>
          %swap3A_457 = arith.index_cast %add3A_293 : i32 to index
          %swap3A_458 = arith.constant 16 : index
          %swap3A_459 = tpu.vector_load %arg7[%swap3A_457, %swap3A_458] {strides = array<i32>} : memref<640x64xf32, #tpu.memory_space<vmem>>, vector<16xf32>,
          tpu.vector_store %arg7[%swap3A_457, %swap3A_458], %mul3A_456 {strides = array<i32>} : memref<640x64xf32, #tpu.memory_space<vmem>>, vector<16xf32>,
          %mul3A_460 = arith.mulf %get3A_302, %max3A_452 : vector<16xf32>
          %swap3A_461 = arith.index_cast %add3A_293 : i32 to index
          %swap3A_462 = arith.constant 32 : index
          %swap3A_463 = tpu.vector_load %arg7[%swap3A_461, %swap3A_462] {strides = array<i32>} : memref<640x64xf32, #tpu.memory_space<vmem>>, vector<16xf32>,
          tpu.vector_store %arg7[%swap3A_461, %swap3A_462], %mul3A_460 {strides = array<i32>} : memref<640x64xf32, #tpu.memory_space<vmem>>, vector<16xf32>,
          %mul3A_464 = arith.mulf %get3A_305, %max3A_452 : vector<16xf32>
          %swap3A_465 = arith.index_cast %add3A_293 : i32 to index
          %swap3A_466 = arith.constant 48 : index
          %swap3A_467 = tpu.vector_load %arg7[%swap3A_465, %swap3A_466] {strides = array<i32>} : memref<640x64xf32, #tpu.memory_space<vmem>>, vector<16xf32>,
          tpu.vector_store %arg7[%swap3A_465, %swap3A_466], %mul3A_464 {strides = array<i32>} : memref<640x64xf32, #tpu.memory_space<vmem>>, vector<16xf32>,
          %mul3A_468 = arith.constant 4 : i32
          %mul3A_469 = arith.muli %scan3A_289, %mul3A_468 : i32
          %add3A_470 = arith.constant 1 : i32
          %add3A_471 = arith.addi %mul3A_469, %add3A_470 : i32
          %get3A_472 = arith.index_cast %add3A_471 : i32 to index
          %get3A_473 = arith.constant 0 : index
          %get3A_474 = tpu.vector_load %arg7[%get3A_472, %get3A_473] {strides = array<i32>} : memref<640x64xf32, #tpu.memory_space<vmem>>, vector<16xf32>,
          %get3A_475 = arith.index_cast %add3A_471 : i32 to index
          %get3A_476 = arith.constant 16 : index
          %get3A_477 = tpu.vector_load %arg7[%get3A_475, %get3A_476] {strides = array<i32>} : memref<640x64xf32, #tpu.memory_space<vmem>>, vector<16xf32>,
          %get3A_478 = arith.index_cast %add3A_471 : i32 to index
          %get3A_479 = arith.constant 32 : index
          %get3A_480 = tpu.vector_load %arg7[%get3A_478, %get3A_479] {strides = array<i32>} : memref<640x64xf32, #tpu.memory_space<vmem>>, vector<16xf32>,
          %get3A_481 = arith.index_cast %add3A_471 : i32 to index
          %get3A_482 = arith.constant 48 : index
          %get3A_483 = tpu.vector_load %arg7[%get3A_481, %get3A_482] {strides = array<i32>} : memref<640x64xf32, #tpu.memory_space<vmem>>, vector<16xf32>,
          %ne3A_484 = arith.cmpf one, %get3A_474, %get3A_5 : vector<16xf32>
          %ne3A_485 = arith.cmpf one, %get3A_477, %get3A_7 : vector<16xf32>
          %or3A_486 = arith.ori %ne3A_484, %ne3A_485 : vector<16xi1>
          %ne3A_487 = arith.cmpf one, %get3A_480, %get3A_9 : vector<16xf32>
          %or3A_488 = arith.ori %or3A_486, %ne3A_487 : vector<16xi1>
          %ne3A_489 = arith.cmpf one, %get3A_483, %get3A_11 : vector<16xf32>
          %or3A_490 = arith.ori %or3A_488, %ne3A_489 : vector<16xi1>
          %convert_element_type3A_491 = arith.extui %or3A_490 : vector<16xi1> to vector<16xi32>
          %convert_element_type3A_492 = arith.sitofp %convert_element_type3A_491 : vector<16xi32> to vector<16xf32>
          %iota3A_493 = tpu.iota {dimensions = array<i32: 0>} : vector<16xi32>
          %add3A_494 = arith.constant 8 : i32
          %add3A_495 = vector.broadcast %add3A_494 : i32 to vector<16xi32>
          %add3A_496 = arith.addi %iota3A_493, %add3A_495 : vector<16xi32>
          %jit3A_497 = arith.constant 16 : i32
          %eq3A_498 = arith.constant 0 : i32
          %eq3A_499 = arith.cmpi eq, %jit3A_497, %eq3A_498 : i32
          %jit3A_500 = arith.constant 1 : i32
          %select_n3A_501 = arith.select %eq3A_499, %jit3A_500, %jit3A_497 : i32
          %rem3A_502 = vector.broadcast %select_n3A_501 : i32 to vector<16xi32>
          %rem3A_503 = arith.remsi %add3A_496, %rem3A_502 : vector<16xi32>
          %ne3A_504 = arith.constant 0 : i32
          %ne3A_505 = vector.broadcast %ne3A_504 : i32 to vector<16xi32>
          %ne3A_506 = arith.cmpi ne, %rem3A_503, %ne3A_505 : vector<16xi32>
          %lt3A_507 = arith.constant 0 : i32
          %lt3A_508 = vector.broadcast %lt3A_507 : i32 to vector<16xi32>
          %lt3A_509 = arith.cmpi slt, %rem3A_503, %lt3A_508 : vector<16xi32>
          %lt3A_510 = arith.constant 0 : i32
          %lt3A_511 = arith.cmpi slt, %select_n3A_501, %lt3A_510 : i32
          %ne3A_512 = vector.broadcast %lt3A_511 : i1 to vector<16xi1>
          %ne3A_513 = vector.broadcast %ne3A_512 : vector<16xi1> to vector<16xi1>
          %ne3A_514 = arith.xori %lt3A_509, %ne3A_513 : vector<16xi1>
          %and3A_515 = arith.andi %ne3A_514, %ne3A_506 : vector<16xi1>
          %add3A_516 = vector.broadcast %select_n3A_501 : i32 to vector<16xi32>
          %add3A_517 = arith.addi %rem3A_503, %add3A_516 : vector<16xi32>
          %select_n3A_518 = arith.select %and3A_515, %add3A_517, %rem3A_503 : vector<16xi1>, vector<16xi32>
          %lt3A_519 = arith.constant 0 : i32
          %lt3A_520 = vector.broadcast %lt3A_519 : i32 to vector<16xi32>
          %lt3A_521 = arith.cmpi slt, %select_n3A_518, %lt3A_520 : vector<16xi32>
          %add3A_522 = arith.constant 16 : i32
          %add3A_523 = vector.broadcast %add3A_522 : i32 to vector<16xi32>
          %add3A_524 = arith.addi %select_n3A_518, %add3A_523 : vector<16xi32>
          %select_n3A_525 = arith.select %lt3A_521, %add3A_524, %select_n3A_518 : vector<16xi1>, vector<16xi32>
          %broadcast_in_dim3A_526 = vector.shape_cast %select_n3A_525 : vector<16xi32> to vector<16x1xi32>
          %gather3A_527 = vector.shape_cast %broadcast_in_dim3A_526 : vector<16x1xi32> to vector<16xi32>
          %gather3A_528 = tpu.dynamic_gather %convert_element_type3A_492[%gather3A_527] in [0] : vector<16xf32>, vector<16xi32> -> vector<16xf32>
          %max3A_529 = arith.maximumf %convert_element_type3A_492, %gather3A_528 : vector<16xf32>
          %iota3A_530 = tpu.iota {dimensions = array<i32: 0>} : vector<16xi32>
          %add3A_531 = arith.constant 4 : i32
          %add3A_532 = vector.broadcast %add3A_531 : i32 to vector<16xi32>
          %add3A_533 = arith.addi %iota3A_530, %add3A_532 : vector<16xi32>
          %jit3A_534 = arith.constant 16 : i32
          %eq3A_535 = arith.constant 0 : i32
          %eq3A_536 = arith.cmpi eq, %jit3A_534, %eq3A_535 : i32
          %jit3A_537 = arith.constant 1 : i32
          %select_n3A_538 = arith.select %eq3A_536, %jit3A_537, %jit3A_534 : i32
          %rem3A_539 = vector.broadcast %select_n3A_538 : i32 to vector<16xi32>
          %rem3A_540 = arith.remsi %add3A_533, %rem3A_539 : vector<16xi32>
          %ne3A_541 = arith.constant 0 : i32
          %ne3A_542 = vector.broadcast %ne3A_541 : i32 to vector<16xi32>
          %ne3A_543 = arith.cmpi ne, %rem3A_540, %ne3A_542 : vector<16xi32>
          %lt3A_544 = arith.constant 0 : i32
          %lt3A_545 = vector.broadcast %lt3A_544 : i32 to vector<16xi32>
          %lt3A_546 = arith.cmpi slt, %rem3A_540, %lt3A_545 : vector<16xi32>
          %lt3A_547 = arith.constant 0 : i32
          %lt3A_548 = arith.cmpi slt, %select_n3A_538, %lt3A_547 : i32
          %ne3A_549 = vector.broadcast %lt3A_548 : i1 to vector<16xi1>
          %ne3A_550 = vector.broadcast %ne3A_549 : vector<16xi1> to vector<16xi1>
          %ne3A_551 = arith.xori %lt3A_546, %ne3A_550 : vector<16xi1>
          %and3A_552 = arith.andi %ne3A_551, %ne3A_543 : vector<16xi1>
          %add3A_553 = vector.broadcast %select_n3A_538 : i32 to vector<16xi32>
          %add3A_554 = arith.addi %rem3A_540, %add3A_553 : vector<16xi32>
          %select_n3A_555 = arith.select %and3A_552, %add3A_554, %rem3A_540 : vector<16xi1>, vector<16xi32>
          %lt3A_556 = arith.constant 0 : i32
          %lt3A_557 = vector.broadcast %lt3A_556 : i32 to vector<16xi32>
          %lt3A_558 = arith.cmpi slt, %select_n3A_555, %lt3A_557 : vector<16xi32>
          %add3A_559 = arith.constant 16 : i32
          %add3A_560 = vector.broadcast %add3A_559 : i32 to vector<16xi32>
          %add3A_561 = arith.addi %select_n3A_555, %add3A_560 : vector<16xi32>
          %select_n3A_562 = arith.select %lt3A_558, %add3A_561, %select_n3A_555 : vector<16xi1>, vector<16xi32>
          %broadcast_in_dim3A_563 = vector.shape_cast %select_n3A_562 : vector<16xi32> to vector<16x1xi32>
          %gather3A_564 = vector.shape_cast %broadcast_in_dim3A_563 : vector<16x1xi32> to vector<16xi32>
          %gather3A_565 = tpu.dynamic_gather %max3A_529[%gather3A_564] in [0] : vector<16xf32>, vector<16xi32> -> vector<16xf32>
          %max3A_566 = arith.maximumf %max3A_529, %gather3A_565 : vector<16xf32>
          %iota3A_567 = tpu.iota {dimensions = array<i32: 0>} : vector<16xi32>
          %add3A_568 = arith.constant 2 : i32
          %add3A_569 = vector.broadcast %add3A_568 : i32 to vector<16xi32>
          %add3A_570 = arith.addi %iota3A_567, %add3A_569 : vector<16xi32>
          %jit3A_571 = arith.constant 16 : i32
          %eq3A_572 = arith.constant 0 : i32
          %eq3A_573 = arith.cmpi eq, %jit3A_571, %eq3A_572 : i32
          %jit3A_574 = arith.constant 1 : i32
          %select_n3A_575 = arith.select %eq3A_573, %jit3A_574, %jit3A_571 : i32
          %rem3A_576 = vector.broadcast %select_n3A_575 : i32 to vector<16xi32>
          %rem3A_577 = arith.remsi %add3A_570, %rem3A_576 : vector<16xi32>
          %ne3A_578 = arith.constant 0 : i32
          %ne3A_579 = vector.broadcast %ne3A_578 : i32 to vector<16xi32>
          %ne3A_580 = arith.cmpi ne, %rem3A_577, %ne3A_579 : vector<16xi32>
          %lt3A_581 = arith.constant 0 : i32
          %lt3A_582 = vector.broadcast %lt3A_581 : i32 to vector<16xi32>
          %lt3A_583 = arith.cmpi slt, %rem3A_577, %lt3A_582 : vector<16xi32>
          %lt3A_584 = arith.constant 0 : i32
          %lt3A_585 = arith.cmpi slt, %select_n3A_575, %lt3A_584 : i32
          %ne3A_586 = vector.broadcast %lt3A_585 : i1 to vector<16xi1>
          %ne3A_587 = vector.broadcast %ne3A_586 : vector<16xi1> to vector<16xi1>
          %ne3A_588 = arith.xori %lt3A_583, %ne3A_587 : vector<16xi1>
          %and3A_589 = arith.andi %ne3A_588, %ne3A_580 : vector<16xi1>
          %add3A_590 = vector.broadcast %select_n3A_575 : i32 to vector<16xi32>
          %add3A_591 = arith.addi %rem3A_577, %add3A_590 : vector<16xi32>
          %select_n3A_592 = arith.select %and3A_589, %add3A_591, %rem3A_577 : vector<16xi1>, vector<16xi32>
          %lt3A_593 = arith.constant 0 : i32
          %lt3A_594 = vector.broadcast %lt3A_593 : i32 to vector<16xi32>
          %lt3A_595 = arith.cmpi slt, %select_n3A_592, %lt3A_594 : vector<16xi32>
          %add3A_596 = arith.constant 16 : i32
          %add3A_597 = vector.broadcast %add3A_596 : i32 to vector<16xi32>
          %add3A_598 = arith.addi %select_n3A_592, %add3A_597 : vector<16xi32>
          %select_n3A_599 = arith.select %lt3A_595, %add3A_598, %select_n3A_592 : vector<16xi1>, vector<16xi32>
          %broadcast_in_dim3A_600 = vector.shape_cast %select_n3A_599 : vector<16xi32> to vector<16x1xi32>
          %gather3A_601 = vector.shape_cast %broadcast_in_dim3A_600 : vector<16x1xi32> to vector<16xi32>
          %gather3A_602 = tpu.dynamic_gather %max3A_566[%gather3A_601] in [0] : vector<16xf32>, vector<16xi32> -> vector<16xf32>
          %max3A_603 = arith.maximumf %max3A_566, %gather3A_602 : vector<16xf32>
          %iota3A_604 = tpu.iota {dimensions = array<i32: 0>} : vector<16xi32>
          %add3A_605 = arith.constant 1 : i32
          %add3A_606 = vector.broadcast %add3A_605 : i32 to vector<16xi32>
          %add3A_607 = arith.addi %iota3A_604, %add3A_606 : vector<16xi32>
          %jit3A_608 = arith.constant 16 : i32
          %eq3A_609 = arith.constant 0 : i32
          %eq3A_610 = arith.cmpi eq, %jit3A_608, %eq3A_609 : i32
          %jit3A_611 = arith.constant 1 : i32
          %select_n3A_612 = arith.select %eq3A_610, %jit3A_611, %jit3A_608 : i32
          %rem3A_613 = vector.broadcast %select_n3A_612 : i32 to vector<16xi32>
          %rem3A_614 = arith.remsi %add3A_607, %rem3A_613 : vector<16xi32>
          %ne3A_615 = arith.constant 0 : i32
          %ne3A_616 = vector.broadcast %ne3A_615 : i32 to vector<16xi32>
          %ne3A_617 = arith.cmpi ne, %rem3A_614, %ne3A_616 : vector<16xi32>
          %lt3A_618 = arith.constant 0 : i32
          %lt3A_619 = vector.broadcast %lt3A_618 : i32 to vector<16xi32>
          %lt3A_620 = arith.cmpi slt, %rem3A_614, %lt3A_619 : vector<16xi32>
          %lt3A_621 = arith.constant 0 : i32
          %lt3A_622 = arith.cmpi slt, %select_n3A_612, %lt3A_621 : i32
          %ne3A_623 = vector.broadcast %lt3A_622 : i1 to vector<16xi1>
          %ne3A_624 = vector.broadcast %ne3A_623 : vector<16xi1> to vector<16xi1>
          %ne3A_625 = arith.xori %lt3A_620, %ne3A_624 : vector<16xi1>
          %and3A_626 = arith.andi %ne3A_625, %ne3A_617 : vector<16xi1>
          %add3A_627 = vector.broadcast %select_n3A_612 : i32 to vector<16xi32>
          %add3A_628 = arith.addi %rem3A_614, %add3A_627 : vector<16xi32>
          %select_n3A_629 = arith.select %and3A_626, %add3A_628, %rem3A_614 : vector<16xi1>, vector<16xi32>
          %lt3A_630 = arith.constant 0 : i32
          %lt3A_631 = vector.broadcast %lt3A_630 : i32 to vector<16xi32>
          %lt3A_632 = arith.cmpi slt, %select_n3A_629, %lt3A_631 : vector<16xi32>
          %add3A_633 = arith.constant 16 : i32
          %add3A_634 = vector.broadcast %add3A_633 : i32 to vector<16xi32>
          %add3A_635 = arith.addi %select_n3A_629, %add3A_634 : vector<16xi32>
          %select_n3A_636 = arith.select %lt3A_632, %add3A_635, %select_n3A_629 : vector<16xi1>, vector<16xi32>
          %broadcast_in_dim3A_637 = vector.shape_cast %select_n3A_636 : vector<16xi32> to vector<16x1xi32>
          %gather3A_638 = vector.shape_cast %broadcast_in_dim3A_637 : vector<16x1xi32> to vector<16xi32>
          %gather3A_639 = tpu.dynamic_gather %max3A_603[%gather3A_638] in [0] : vector<16xf32>, vector<16xi32> -> vector<16xf32>
          %max3A_640 = arith.maximumf %max3A_603, %gather3A_639 : vector<16xf32>
          %mul3A_641 = arith.mulf %get3A_474, %max3A_640 : vector<16xf32>
          %swap3A_642 = arith.index_cast %add3A_471 : i32 to index
          %swap3A_643 = arith.constant 0 : index
          %swap3A_644 = tpu.vector_load %arg7[%swap3A_642, %swap3A_643] {strides = array<i32>} : memref<640x64xf32, #tpu.memory_space<vmem>>, vector<16xf32>,
          tpu.vector_store %arg7[%swap3A_642, %swap3A_643], %mul3A_641 {strides = array<i32>} : memref<640x64xf32, #tpu.memory_space<vmem>>, vector<16xf32>,
          %mul3A_645 = arith.mulf %get3A_477, %max3A_640 : vector<16xf32>
          %swap3A_646 = arith.index_cast %add3A_471 : i32 to index
          %swap3A_647 = arith.constant 16 : index
          %swap3A_648 = tpu.vector_load %arg7[%swap3A_646, %swap3A_647] {strides = array<i32>} : memref<640x64xf32, #tpu.memory_space<vmem>>, vector<16xf32>,
          tpu.vector_store %arg7[%swap3A_646, %swap3A_647], %mul3A_645 {strides = array<i32>} : memref<640x64xf32, #tpu.memory_space<vmem>>, vector<16xf32>,
          %mul3A_649 = arith.mulf %get3A_480, %max3A_640 : vector<16xf32>
          %swap3A_650 = arith.index_cast %add3A_471 : i32 to index
          %swap3A_651 = arith.constant 32 : index
          %swap3A_652 = tpu.vector_load %arg7[%swap3A_650, %swap3A_651] {strides = array<i32>} : memref<640x64xf32, #tpu.memory_space<vmem>>, vector<16xf32>,
          tpu.vector_store %arg7[%swap3A_650, %swap3A_651], %mul3A_649 {strides = array<i32>} : memref<640x64xf32, #tpu.memory_space<vmem>>, vector<16xf32>,
          %mul3A_653 = arith.mulf %get3A_483, %max3A_640 : vector<16xf32>
          %swap3A_654 = arith.index_cast %add3A_471 : i32 to index
          %swap3A_655 = arith.constant 48 : index
          %swap3A_656 = tpu.vector_load %arg7[%swap3A_654, %swap3A_655] {strides = array<i32>} : memref<640x64xf32, #tpu.memory_space<vmem>>, vector<16xf32>,
          tpu.vector_store %arg7[%swap3A_654, %swap3A_655], %mul3A_653 {strides = array<i32>} : memref<640x64xf32, #tpu.memory_space<vmem>>, vector<16xf32>,
          %mul3A_657 = arith.constant 4 : i32
          %mul3A_658 = arith.muli %scan3A_289, %mul3A_657 : i32
          %add3A_659 = arith.constant 2 : i32
          %add3A_660 = arith.addi %mul3A_658, %add3A_659 : i32
          %get3A_661 = arith.index_cast %add3A_660 : i32 to index
          %get3A_662 = arith.constant 0 : index
          %get3A_663 = tpu.vector_load %arg7[%get3A_661, %get3A_662] {strides = array<i32>} : memref<640x64xf32, #tpu.memory_space<vmem>>, vector<16xf32>,
          %get3A_664 = arith.index_cast %add3A_660 : i32 to index
          %get3A_665 = arith.constant 16 : index
          %get3A_666 = tpu.vector_load %arg7[%get3A_664, %get3A_665] {strides = array<i32>} : memref<640x64xf32, #tpu.memory_space<vmem>>, vector<16xf32>,
          %get3A_667 = arith.index_cast %add3A_660 : i32 to index
          %get3A_668 = arith.constant 32 : index
          %get3A_669 = tpu.vector_load %arg7[%get3A_667, %get3A_668] {strides = array<i32>} : memref<640x64xf32, #tpu.memory_space<vmem>>, vector<16xf32>,
          %get3A_670 = arith.index_cast %add3A_660 : i32 to index
          %get3A_671 = arith.constant 48 : index
          %get3A_672 = tpu.vector_load %arg7[%get3A_670, %get3A_671] {strides = array<i32>} : memref<640x64xf32, #tpu.memory_space<vmem>>, vector<16xf32>,
          %ne3A_673 = arith.cmpf one, %get3A_663, %get3A_5 : vector<16xf32>
          %ne3A_674 = arith.cmpf one, %get3A_666, %get3A_7 : vector<16xf32>
          %or3A_675 = arith.ori %ne3A_673, %ne3A_674 : vector<16xi1>
          %ne3A_676 = arith.cmpf one, %get3A_669, %get3A_9 : vector<16xf32>
          %or3A_677 = arith.ori %or3A_675, %ne3A_676 : vector<16xi1>
          %ne3A_678 = arith.cmpf one, %get3A_672, %get3A_11 : vector<16xf32>
          %or3A_679 = arith.ori %or3A_677, %ne3A_678 : vector<16xi1>
          %convert_element_type3A_680 = arith.extui %or3A_679 : vector<16xi1> to vector<16xi32>
          %convert_element_type3A_681 = arith.sitofp %convert_element_type3A_680 : vector<16xi32> to vector<16xf32>
          %iota3A_682 = tpu.iota {dimensions = array<i32: 0>} : vector<16xi32>
          %add3A_683 = arith.constant 8 : i32
          %add3A_684 = vector.broadcast %add3A_683 : i32 to vector<16xi32>
          %add3A_685 = arith.addi %iota3A_682, %add3A_684 : vector<16xi32>
          %jit3A_686 = arith.constant 16 : i32
          %eq3A_687 = arith.constant 0 : i32
          %eq3A_688 = arith.cmpi eq, %jit3A_686, %eq3A_687 : i32
          %jit3A_689 = arith.constant 1 : i32
          %select_n3A_690 = arith.select %eq3A_688, %jit3A_689, %jit3A_686 : i32
          %rem3A_691 = vector.broadcast %select_n3A_690 : i32 to vector<16xi32>
          %rem3A_692 = arith.remsi %add3A_685, %rem3A_691 : vector<16xi32>
          %ne3A_693 = arith.constant 0 : i32
          %ne3A_694 = vector.broadcast %ne3A_693 : i32 to vector<16xi32>
          %ne3A_695 = arith.cmpi ne, %rem3A_692, %ne3A_694 : vector<16xi32>
          %lt3A_696 = arith.constant 0 : i32
          %lt3A_697 = vector.broadcast %lt3A_696 : i32 to vector<16xi32>
          %lt3A_698 = arith.cmpi slt, %rem3A_692, %lt3A_697 : vector<16xi32>
          %lt3A_699 = arith.constant 0 : i32
          %lt3A_700 = arith.cmpi slt, %select_n3A_690, %lt3A_699 : i32
          %ne3A_701 = vector.broadcast %lt3A_700 : i1 to vector<16xi1>
          %ne3A_702 = vector.broadcast %ne3A_701 : vector<16xi1> to vector<16xi1>
          %ne3A_703 = arith.xori %lt3A_698, %ne3A_702 : vector<16xi1>
          %and3A_704 = arith.andi %ne3A_703, %ne3A_695 : vector<16xi1>
          %add3A_705 = vector.broadcast %select_n3A_690 : i32 to vector<16xi32>
          %add3A_706 = arith.addi %rem3A_692, %add3A_705 : vector<16xi32>
          %select_n3A_707 = arith.select %and3A_704, %add3A_706, %rem3A_692 : vector<16xi1>, vector<16xi32>
          %lt3A_708 = arith.constant 0 : i32
          %lt3A_709 = vector.broadcast %lt3A_708 : i32 to vector<16xi32>
          %lt3A_710 = arith.cmpi slt, %select_n3A_707, %lt3A_709 : vector<16xi32>
          %add3A_711 = arith.constant 16 : i32
          %add3A_712 = vector.broadcast %add3A_711 : i32 to vector<16xi32>
          %add3A_713 = arith.addi %select_n3A_707, %add3A_712 : vector<16xi32>
          %select_n3A_714 = arith.select %lt3A_710, %add3A_713, %select_n3A_707 : vector<16xi1>, vector<16xi32>
          %broadcast_in_dim3A_715 = vector.shape_cast %select_n3A_714 : vector<16xi32> to vector<16x1xi32>
          %gather3A_716 = vector.shape_cast %broadcast_in_dim3A_715 : vector<16x1xi32> to vector<16xi32>
          %gather3A_717 = tpu.dynamic_gather %convert_element_type3A_681[%gather3A_716] in [0] : vector<16xf32>, vector<16xi32> -> vector<16xf32>
          %max3A_718 = arith.maximumf %convert_element_type3A_681, %gather3A_717 : vector<16xf32>
          %iota3A_719 = tpu.iota {dimensions = array<i32: 0>} : vector<16xi32>
          %add3A_720 = arith.constant 4 : i32
          %add3A_721 = vector.broadcast %add3A_720 : i32 to vector<16xi32>
          %add3A_722 = arith.addi %iota3A_719, %add3A_721 : vector<16xi32>
          %jit3A_723 = arith.constant 16 : i32
          %eq3A_724 = arith.constant 0 : i32
          %eq3A_725 = arith.cmpi eq, %jit3A_723, %eq3A_724 : i32
          %jit3A_726 = arith.constant 1 : i32
          %select_n3A_727 = arith.select %eq3A_725, %jit3A_726, %jit3A_723 : i32
          %rem3A_728 = vector.broadcast %select_n3A_727 : i32 to vector<16xi32>
          %rem3A_729 = arith.remsi %add3A_722, %rem3A_728 : vector<16xi32>
          %ne3A_730 = arith.constant 0 : i32
          %ne3A_731 = vector.broadcast %ne3A_730 : i32 to vector<16xi32>
          %ne3A_732 = arith.cmpi ne, %rem3A_729, %ne3A_731 : vector<16xi32>
          %lt3A_733 = arith.constant 0 : i32
          %lt3A_734 = vector.broadcast %lt3A_733 : i32 to vector<16xi32>
          %lt3A_735 = arith.cmpi slt, %rem3A_729, %lt3A_734 : vector<16xi32>
          %lt3A_736 = arith.constant 0 : i32
          %lt3A_737 = arith.cmpi slt, %select_n3A_727, %lt3A_736 : i32
          %ne3A_738 = vector.broadcast %lt3A_737 : i1 to vector<16xi1>
          %ne3A_739 = vector.broadcast %ne3A_738 : vector<16xi1> to vector<16xi1>
          %ne3A_740 = arith.xori %lt3A_735, %ne3A_739 : vector<16xi1>
          %and3A_741 = arith.andi %ne3A_740, %ne3A_732 : vector<16xi1>
          %add3A_742 = vector.broadcast %select_n3A_727 : i32 to vector<16xi32>
          %add3A_743 = arith.addi %rem3A_729, %add3A_742 : vector<16xi32>
          %select_n3A_744 = arith.select %and3A_741, %add3A_743, %rem3A_729 : vector<16xi1>, vector<16xi32>
          %lt3A_745 = arith.constant 0 : i32
          %lt3A_746 = vector.broadcast %lt3A_745 : i32 to vector<16xi32>
          %lt3A_747 = arith.cmpi slt, %select_n3A_744, %lt3A_746 : vector<16xi32>
          %add3A_748 = arith.constant 16 : i32
          %add3A_749 = vector.broadcast %add3A_748 : i32 to vector<16xi32>
          %add3A_750 = arith.addi %select_n3A_744, %add3A_749 : vector<16xi32>
          %select_n3A_751 = arith.select %lt3A_747, %add3A_750, %select_n3A_744 : vector<16xi1>, vector<16xi32>
          %broadcast_in_dim3A_752 = vector.shape_cast %select_n3A_751 : vector<16xi32> to vector<16x1xi32>
          %gather3A_753 = vector.shape_cast %broadcast_in_dim3A_752 : vector<16x1xi32> to vector<16xi32>
          %gather3A_754 = tpu.dynamic_gather %max3A_718[%gather3A_753] in [0] : vector<16xf32>, vector<16xi32> -> vector<16xf32>
          %max3A_755 = arith.maximumf %max3A_718, %gather3A_754 : vector<16xf32>
          %iota3A_756 = tpu.iota {dimensions = array<i32: 0>} : vector<16xi32>
          %add3A_757 = arith.constant 2 : i32
          %add3A_758 = vector.broadcast %add3A_757 : i32 to vector<16xi32>
          %add3A_759 = arith.addi %iota3A_756, %add3A_758 : vector<16xi32>
          %jit3A_760 = arith.constant 16 : i32
          %eq3A_761 = arith.constant 0 : i32
          %eq3A_762 = arith.cmpi eq, %jit3A_760, %eq3A_761 : i32
          %jit3A_763 = arith.constant 1 : i32
          %select_n3A_764 = arith.select %eq3A_762, %jit3A_763, %jit3A_760 : i32
          %rem3A_765 = vector.broadcast %select_n3A_764 : i32 to vector<16xi32>
          %rem3A_766 = arith.remsi %add3A_759, %rem3A_765 : vector<16xi32>
          %ne3A_767 = arith.constant 0 : i32
          %ne3A_768 = vector.broadcast %ne3A_767 : i32 to vector<16xi32>
          %ne3A_769 = arith.cmpi ne, %rem3A_766, %ne3A_768 : vector<16xi32>
          %lt3A_770 = arith.constant 0 : i32
          %lt3A_771 = vector.broadcast %lt3A_770 : i32 to vector<16xi32>
          %lt3A_772 = arith.cmpi slt, %rem3A_766, %lt3A_771 : vector<16xi32>
          %lt3A_773 = arith.constant 0 : i32
          %lt3A_774 = arith.cmpi slt, %select_n3A_764, %lt3A_773 : i32
          %ne3A_775 = vector.broadcast %lt3A_774 : i1 to vector<16xi1>
          %ne3A_776 = vector.broadcast %ne3A_775 : vector<16xi1> to vector<16xi1>
          %ne3A_777 = arith.xori %lt3A_772, %ne3A_776 : vector<16xi1>
          %and3A_778 = arith.andi %ne3A_777, %ne3A_769 : vector<16xi1>
          %add3A_779 = vector.broadcast %select_n3A_764 : i32 to vector<16xi32>
          %add3A_780 = arith.addi %rem3A_766, %add3A_779 : vector<16xi32>
          %select_n3A_781 = arith.select %and3A_778, %add3A_780, %rem3A_766 : vector<16xi1>, vector<16xi32>
          %lt3A_782 = arith.constant 0 : i32
          %lt3A_783 = vector.broadcast %lt3A_782 : i32 to vector<16xi32>
          %lt3A_784 = arith.cmpi slt, %select_n3A_781, %lt3A_783 : vector<16xi32>
          %add3A_785 = arith.constant 16 : i32
          %add3A_786 = vector.broadcast %add3A_785 : i32 to vector<16xi32>
          %add3A_787 = arith.addi %select_n3A_781, %add3A_786 : vector<16xi32>
          %select_n3A_788 = arith.select %lt3A_784, %add3A_787, %select_n3A_781 : vector<16xi1>, vector<16xi32>
          %broadcast_in_dim3A_789 = vector.shape_cast %select_n3A_788 : vector<16xi32> to vector<16x1xi32>
          %gather3A_790 = vector.shape_cast %broadcast_in_dim3A_789 : vector<16x1xi32> to vector<16xi32>
          %gather3A_791 = tpu.dynamic_gather %max3A_755[%gather3A_790] in [0] : vector<16xf32>, vector<16xi32> -> vector<16xf32>
          %max3A_792 = arith.maximumf %max3A_755, %gather3A_791 : vector<16xf32>
          %iota3A_793 = tpu.iota {dimensions = array<i32: 0>} : vector<16xi32>
          %add3A_794 = arith.constant 1 : i32
          %add3A_795 = vector.broadcast %add3A_794 : i32 to vector<16xi32>
          %add3A_796 = arith.addi %iota3A_793, %add3A_795 : vector<16xi32>
          %jit3A_797 = arith.constant 16 : i32
          %eq3A_798 = arith.constant 0 : i32
          %eq3A_799 = arith.cmpi eq, %jit3A_797, %eq3A_798 : i32
          %jit3A_800 = arith.constant 1 : i32
          %select_n3A_801 = arith.select %eq3A_799, %jit3A_800, %jit3A_797 : i32
          %rem3A_802 = vector.broadcast %select_n3A_801 : i32 to vector<16xi32>
          %rem3A_803 = arith.remsi %add3A_796, %rem3A_802 : vector<16xi32>
          %ne3A_804 = arith.constant 0 : i32
          %ne3A_805 = vector.broadcast %ne3A_804 : i32 to vector<16xi32>
          %ne3A_806 = arith.cmpi ne, %rem3A_803, %ne3A_805 : vector<16xi32>
          %lt3A_807 = arith.constant 0 : i32
          %lt3A_808 = vector.broadcast %lt3A_807 : i32 to vector<16xi32>
          %lt3A_809 = arith.cmpi slt, %rem3A_803, %lt3A_808 : vector<16xi32>
          %lt3A_810 = arith.constant 0 : i32
          %lt3A_811 = arith.cmpi slt, %select_n3A_801, %lt3A_810 : i32
          %ne3A_812 = vector.broadcast %lt3A_811 : i1 to vector<16xi1>
          %ne3A_813 = vector.broadcast %ne3A_812 : vector<16xi1> to vector<16xi1>
          %ne3A_814 = arith.xori %lt3A_809, %ne3A_813 : vector<16xi1>
          %and3A_815 = arith.andi %ne3A_814, %ne3A_806 : vector<16xi1>
          %add3A_816 = vector.broadcast %select_n3A_801 : i32 to vector<16xi32>
          %add3A_817 = arith.addi %rem3A_803, %add3A_816 : vector<16xi32>
          %select_n3A_818 = arith.select %and3A_815, %add3A_817, %rem3A_803 : vector<16xi1>, vector<16xi32>
          %lt3A_819 = arith.constant 0 : i32
          %lt3A_820 = vector.broadcast %lt3A_819 : i32 to vector<16xi32>
          %lt3A_821 = arith.cmpi slt, %select_n3A_818, %lt3A_820 : vector<16xi32>
          %add3A_822 = arith.constant 16 : i32
          %add3A_823 = vector.broadcast %add3A_822 : i32 to vector<16xi32>
          %add3A_824 = arith.addi %select_n3A_818, %add3A_823 : vector<16xi32>
          %select_n3A_825 = arith.select %lt3A_821, %add3A_824, %select_n3A_818 : vector<16xi1>, vector<16xi32>
          %broadcast_in_dim3A_826 = vector.shape_cast %select_n3A_825 : vector<16xi32> to vector<16x1xi32>
          %gather3A_827 = vector.shape_cast %broadcast_in_dim3A_826 : vector<16x1xi32> to vector<16xi32>
          %gather3A_828 = tpu.dynamic_gather %max3A_792[%gather3A_827] in [0] : vector<16xf32>, vector<16xi32> -> vector<16xf32>
          %max3A_829 = arith.maximumf %max3A_792, %gather3A_828 : vector<16xf32>
          %mul3A_830 = arith.mulf %get3A_663, %max3A_829 : vector<16xf32>
          %swap3A_831 = arith.index_cast %add3A_660 : i32 to index
          %swap3A_832 = arith.constant 0 : index
          %swap3A_833 = tpu.vector_load %arg7[%swap3A_831, %swap3A_832] {strides = array<i32>} : memref<640x64xf32, #tpu.memory_space<vmem>>, vector<16xf32>,
          tpu.vector_store %arg7[%swap3A_831, %swap3A_832], %mul3A_830 {strides = array<i32>} : memref<640x64xf32, #tpu.memory_space<vmem>>, vector<16xf32>,
          %mul3A_834 = arith.mulf %get3A_666, %max3A_829 : vector<16xf32>
          %swap3A_835 = arith.index_cast %add3A_660 : i32 to index
          %swap3A_836 = arith.constant 16 : index
          %swap3A_837 = tpu.vector_load %arg7[%swap3A_835, %swap3A_836] {strides = array<i32>} : memref<640x64xf32, #tpu.memory_space<vmem>>, vector<16xf32>,
          tpu.vector_store %arg7[%swap3A_835, %swap3A_836], %mul3A_834 {strides = array<i32>} : memref<640x64xf32, #tpu.memory_space<vmem>>, vector<16xf32>,
          %mul3A_838 = arith.mulf %get3A_669, %max3A_829 : vector<16xf32>
          %swap3A_839 = arith.index_cast %add3A_660 : i32 to index
          %swap3A_840 = arith.constant 32 : index
          %swap3A_841 = tpu.vector_load %arg7[%swap3A_839, %swap3A_840] {strides = array<i32>} : memref<640x64xf32, #tpu.memory_space<vmem>>, vector<16xf32>,
          tpu.vector_store %arg7[%swap3A_839, %swap3A_840], %mul3A_838 {strides = array<i32>} : memref<640x64xf32, #tpu.memory_space<vmem>>, vector<16xf32>,
          %mul3A_842 = arith.mulf %get3A_672, %max3A_829 : vector<16xf32>
          %swap3A_843 = arith.index_cast %add3A_660 : i32 to index
          %swap3A_844 = arith.constant 48 : index
          %swap3A_845 = tpu.vector_load %arg7[%swap3A_843, %swap3A_844] {strides = array<i32>} : memref<640x64xf32, #tpu.memory_space<vmem>>, vector<16xf32>,
          tpu.vector_store %arg7[%swap3A_843, %swap3A_844], %mul3A_842 {strides = array<i32>} : memref<640x64xf32, #tpu.memory_space<vmem>>, vector<16xf32>,
          %mul3A_846 = arith.constant 4 : i32
          %mul3A_847 = arith.muli %scan3A_289, %mul3A_846 : i32
          %add3A_848 = arith.constant 3 : i32
          %add3A_849 = arith.addi %mul3A_847, %add3A_848 : i32
          %get3A_850 = arith.index_cast %add3A_849 : i32 to index
          %get3A_851 = arith.constant 0 : index
          %get3A_852 = tpu.vector_load %arg7[%get3A_850, %get3A_851] {strides = array<i32>} : memref<640x64xf32, #tpu.memory_space<vmem>>, vector<16xf32>,
          %get3A_853 = arith.index_cast %add3A_849 : i32 to index
          %get3A_854 = arith.constant 16 : index
          %get3A_855 = tpu.vector_load %arg7[%get3A_853, %get3A_854] {strides = array<i32>} : memref<640x64xf32, #tpu.memory_space<vmem>>, vector<16xf32>,
          %get3A_856 = arith.index_cast %add3A_849 : i32 to index
          %get3A_857 = arith.constant 32 : index
          %get3A_858 = tpu.vector_load %arg7[%get3A_856, %get3A_857] {strides = array<i32>} : memref<640x64xf32, #tpu.memory_space<vmem>>, vector<16xf32>,
          %get3A_859 = arith.index_cast %add3A_849 : i32 to index
          %get3A_860 = arith.constant 48 : index
          %get3A_861 = tpu.vector_load %arg7[%get3A_859, %get3A_860] {strides = array<i32>} : memref<640x64xf32, #tpu.memory_space<vmem>>, vector<16xf32>,
          %ne3A_862 = arith.cmpf one, %get3A_852, %get3A_5 : vector<16xf32>
          %ne3A_863 = arith.cmpf one, %get3A_855, %get3A_7 : vector<16xf32>
          %or3A_864 = arith.ori %ne3A_862, %ne3A_863 : vector<16xi1>
          %ne3A_865 = arith.cmpf one, %get3A_858, %get3A_9 : vector<16xf32>
          %or3A_866 = arith.ori %or3A_864, %ne3A_865 : vector<16xi1>
          %ne3A_867 = arith.cmpf one, %get3A_861, %get3A_11 : vector<16xf32>
          %or3A_868 = arith.ori %or3A_866, %ne3A_867 : vector<16xi1>
          %convert_element_type3A_869 = arith.extui %or3A_868 : vector<16xi1> to vector<16xi32>
          %convert_element_type3A_870 = arith.sitofp %convert_element_type3A_869 : vector<16xi32> to vector<16xf32>
          %iota3A_871 = tpu.iota {dimensions = array<i32: 0>} : vector<16xi32>
          %add3A_872 = arith.constant 8 : i32
          %add3A_873 = vector.broadcast %add3A_872 : i32 to vector<16xi32>
          %add3A_874 = arith.addi %iota3A_871, %add3A_873 : vector<16xi32>
          %jit3A_875 = arith.constant 16 : i32
          %eq3A_876 = arith.constant 0 : i32
          %eq3A_877 = arith.cmpi eq, %jit3A_875, %eq3A_876 : i32
          %jit3A_878 = arith.constant 1 : i32
          %select_n3A_879 = arith.select %eq3A_877, %jit3A_878, %jit3A_875 : i32
          %rem3A_880 = vector.broadcast %select_n3A_879 : i32 to vector<16xi32>
          %rem3A_881 = arith.remsi %add3A_874, %rem3A_880 : vector<16xi32>
          %ne3A_882 = arith.constant 0 : i32
          %ne3A_883 = vector.broadcast %ne3A_882 : i32 to vector<16xi32>
          %ne3A_884 = arith.cmpi ne, %rem3A_881, %ne3A_883 : vector<16xi32>
          %lt3A_885 = arith.constant 0 : i32
          %lt3A_886 = vector.broadcast %lt3A_885 : i32 to vector<16xi32>
          %lt3A_887 = arith.cmpi slt, %rem3A_881, %lt3A_886 : vector<16xi32>
          %lt3A_888 = arith.constant 0 : i32
          %lt3A_889 = arith.cmpi slt, %select_n3A_879, %lt3A_888 : i32
          %ne3A_890 = vector.broadcast %lt3A_889 : i1 to vector<16xi1>
          %ne3A_891 = vector.broadcast %ne3A_890 : vector<16xi1> to vector<16xi1>
          %ne3A_892 = arith.xori %lt3A_887, %ne3A_891 : vector<16xi1>
          %and3A_893 = arith.andi %ne3A_892, %ne3A_884 : vector<16xi1>
          %add3A_894 = vector.broadcast %select_n3A_879 : i32 to vector<16xi32>
          %add3A_895 = arith.addi %rem3A_881, %add3A_894 : vector<16xi32>
          %select_n3A_896 = arith.select %and3A_893, %add3A_895, %rem3A_881 : vector<16xi1>, vector<16xi32>
          %lt3A_897 = arith.constant 0 : i32
          %lt3A_898 = vector.broadcast %lt3A_897 : i32 to vector<16xi32>
          %lt3A_899 = arith.cmpi slt, %select_n3A_896, %lt3A_898 : vector<16xi32>
          %add3A_900 = arith.constant 16 : i32
          %add3A_901 = vector.broadcast %add3A_900 : i32 to vector<16xi32>
          %add3A_902 = arith.addi %select_n3A_896, %add3A_901 : vector<16xi32>
          %select_n3A_903 = arith.select %lt3A_899, %add3A_902, %select_n3A_896 : vector<16xi1>, vector<16xi32>
          %broadcast_in_dim3A_904 = vector.shape_cast %select_n3A_903 : vector<16xi32> to vector<16x1xi32>
          %gather3A_905 = vector.shape_cast %broadcast_in_dim3A_904 : vector<16x1xi32> to vector<16xi32>
          %gather3A_906 = tpu.dynamic_gather %convert_element_type3A_870[%gather3A_905] in [0] : vector<16xf32>, vector<16xi32> -> vector<16xf32>
          %max3A_907 = arith.maximumf %convert_element_type3A_870, %gather3A_906 : vector<16xf32>
          %iota3A_908 = tpu.iota {dimensions = array<i32: 0>} : vector<16xi32>
          %add3A_909 = arith.constant 4 : i32
          %add3A_910 = vector.broadcast %add3A_909 : i32 to vector<16xi32>
          %add3A_911 = arith.addi %iota3A_908, %add3A_910 : vector<16xi32>
          %jit3A_912 = arith.constant 16 : i32
          %eq3A_913 = arith.constant 0 : i32
          %eq3A_914 = arith.cmpi eq, %jit3A_912, %eq3A_913 : i32
          %jit3A_915 = arith.constant 1 : i32
          %select_n3A_916 = arith.select %eq3A_914, %jit3A_915, %jit3A_912 : i32
          %rem3A_917 = vector.broadcast %select_n3A_916 : i32 to vector<16xi32>
          %rem3A_918 = arith.remsi %add3A_911, %rem3A_917 : vector<16xi32>
          %ne3A_919 = arith.constant 0 : i32
          %ne3A_920 = vector.broadcast %ne3A_919 : i32 to vector<16xi32>
          %ne3A_921 = arith.cmpi ne, %rem3A_918, %ne3A_920 : vector<16xi32>
          %lt3A_922 = arith.constant 0 : i32
          %lt3A_923 = vector.broadcast %lt3A_922 : i32 to vector<16xi32>
          %lt3A_924 = arith.cmpi slt, %rem3A_918, %lt3A_923 : vector<16xi32>
          %lt3A_925 = arith.constant 0 : i32
          %lt3A_926 = arith.cmpi slt, %select_n3A_916, %lt3A_925 : i32
          %ne3A_927 = vector.broadcast %lt3A_926 : i1 to vector<16xi1>
          %ne3A_928 = vector.broadcast %ne3A_927 : vector<16xi1> to vector<16xi1>
          %ne3A_929 = arith.xori %lt3A_924, %ne3A_928 : vector<16xi1>
          %and3A_930 = arith.andi %ne3A_929, %ne3A_921 : vector<16xi1>
          %add3A_931 = vector.broadcast %select_n3A_916 : i32 to vector<16xi32>
          %add3A_932 = arith.addi %rem3A_918, %add3A_931 : vector<16xi32>
          %select_n3A_933 = arith.select %and3A_930, %add3A_932, %rem3A_918 : vector<16xi1>, vector<16xi32>
          %lt3A_934 = arith.constant 0 : i32
          %lt3A_935 = vector.broadcast %lt3A_934 : i32 to vector<16xi32>
          %lt3A_936 = arith.cmpi slt, %select_n3A_933, %lt3A_935 : vector<16xi32>
          %add3A_937 = arith.constant 16 : i32
          %add3A_938 = vector.broadcast %add3A_937 : i32 to vector<16xi32>
          %add3A_939 = arith.addi %select_n3A_933, %add3A_938 : vector<16xi32>
          %select_n3A_940 = arith.select %lt3A_936, %add3A_939, %select_n3A_933 : vector<16xi1>, vector<16xi32>
          %broadcast_in_dim3A_941 = vector.shape_cast %select_n3A_940 : vector<16xi32> to vector<16x1xi32>
          %gather3A_942 = vector.shape_cast %broadcast_in_dim3A_941 : vector<16x1xi32> to vector<16xi32>
          %gather3A_943 = tpu.dynamic_gather %max3A_907[%gather3A_942] in [0] : vector<16xf32>, vector<16xi32> -> vector<16xf32>
          %max3A_944 = arith.maximumf %max3A_907, %gather3A_943 : vector<16xf32>
          %iota3A_945 = tpu.iota {dimensions = array<i32: 0>} : vector<16xi32>
          %add3A_946 = arith.constant 2 : i32
          %add3A_947 = vector.broadcast %add3A_946 : i32 to vector<16xi32>
          %add3A_948 = arith.addi %iota3A_945, %add3A_947 : vector<16xi32>
          %jit3A_949 = arith.constant 16 : i32
          %eq3A_950 = arith.constant 0 : i32
          %eq3A_951 = arith.cmpi eq, %jit3A_949, %eq3A_950 : i32
          %jit3A_952 = arith.constant 1 : i32
          %select_n3A_953 = arith.select %eq3A_951, %jit3A_952, %jit3A_949 : i32
          %rem3A_954 = vector.broadcast %select_n3A_953 : i32 to vector<16xi32>
          %rem3A_955 = arith.remsi %add3A_948, %rem3A_954 : vector<16xi32>
          %ne3A_956 = arith.constant 0 : i32
          %ne3A_957 = vector.broadcast %ne3A_956 : i32 to vector<16xi32>
          %ne3A_958 = arith.cmpi ne, %rem3A_955, %ne3A_957 : vector<16xi32>
          %lt3A_959 = arith.constant 0 : i32
          %lt3A_960 = vector.broadcast %lt3A_959 : i32 to vector<16xi32>
          %lt3A_961 = arith.cmpi slt, %rem3A_955, %lt3A_960 : vector<16xi32>
          %lt3A_962 = arith.constant 0 : i32
          %lt3A_963 = arith.cmpi slt, %select_n3A_953, %lt3A_962 : i32
          %ne3A_964 = vector.broadcast %lt3A_963 : i1 to vector<16xi1>
          %ne3A_965 = vector.broadcast %ne3A_964 : vector<16xi1> to vector<16xi1>
          %ne3A_966 = arith.xori %lt3A_961, %ne3A_965 : vector<16xi1>
          %and3A_967 = arith.andi %ne3A_966, %ne3A_958 : vector<16xi1>
          %add3A_968 = vector.broadcast %select_n3A_953 : i32 to vector<16xi32>
          %add3A_969 = arith.addi %rem3A_955, %add3A_968 : vector<16xi32>
          %select_n3A_970 = arith.select %and3A_967, %add3A_969, %rem3A_955 : vector<16xi1>, vector<16xi32>
          %lt3A_971 = arith.constant 0 : i32
          %lt3A_972 = vector.broadcast %lt3A_971 : i32 to vector<16xi32>
          %lt3A_973 = arith.cmpi slt, %select_n3A_970, %lt3A_972 : vector<16xi32>
          %add3A_974 = arith.constant 16 : i32
          %add3A_975 = vector.broadcast %add3A_974 : i32 to vector<16xi32>
          %add3A_976 = arith.addi %select_n3A_970, %add3A_975 : vector<16xi32>
          %select_n3A_977 = arith.select %lt3A_973, %add3A_976, %select_n3A_970 : vector<16xi1>, vector<16xi32>
          %broadcast_in_dim3A_978 = vector.shape_cast %select_n3A_977 : vector<16xi32> to vector<16x1xi32>
          %gather3A_979 = vector.shape_cast %broadcast_in_dim3A_978 : vector<16x1xi32> to vector<16xi32>
          %gather3A_980 = tpu.dynamic_gather %max3A_944[%gather3A_979] in [0] : vector<16xf32>, vector<16xi32> -> vector<16xf32>
          %max3A_981 = arith.maximumf %max3A_944, %gather3A_980 : vector<16xf32>
          %iota3A_982 = tpu.iota {dimensions = array<i32: 0>} : vector<16xi32>
          %add3A_983 = arith.constant 1 : i32
          %add3A_984 = vector.broadcast %add3A_983 : i32 to vector<16xi32>
          %add3A_985 = arith.addi %iota3A_982, %add3A_984 : vector<16xi32>
          %jit3A_986 = arith.constant 16 : i32
          %eq3A_987 = arith.constant 0 : i32
          %eq3A_988 = arith.cmpi eq, %jit3A_986, %eq3A_987 : i32
          %jit3A_989 = arith.constant 1 : i32
          %select_n3A_990 = arith.select %eq3A_988, %jit3A_989, %jit3A_986 : i32
          %rem3A_991 = vector.broadcast %select_n3A_990 : i32 to vector<16xi32>
          %rem3A_992 = arith.remsi %add3A_985, %rem3A_991 : vector<16xi32>
          %ne3A_993 = arith.constant 0 : i32
          %ne3A_994 = vector.broadcast %ne3A_993 : i32 to vector<16xi32>
          %ne3A_995 = arith.cmpi ne, %rem3A_992, %ne3A_994 : vector<16xi32>
          %lt3A_996 = arith.constant 0 : i32
          %lt3A_997 = vector.broadcast %lt3A_996 : i32 to vector<16xi32>
          %lt3A_998 = arith.cmpi slt, %rem3A_992, %lt3A_997 : vector<16xi32>
          %lt3A_999 = arith.constant 0 : i32
          %lt3A_1000 = arith.cmpi slt, %select_n3A_990, %lt3A_999 : i32
          %ne3A_1001 = vector.broadcast %lt3A_1000 : i1 to vector<16xi1>
          %ne3A_1002 = vector.broadcast %ne3A_1001 : vector<16xi1> to vector<16xi1>
          %ne3A_1003 = arith.xori %lt3A_998, %ne3A_1002 : vector<16xi1>
          %and3A_1004 = arith.andi %ne3A_1003, %ne3A_995 : vector<16xi1>
          %add3A_1005 = vector.broadcast %select_n3A_990 : i32 to vector<16xi32>
          %add3A_1006 = arith.addi %rem3A_992, %add3A_1005 : vector<16xi32>
          %select_n3A_1007 = arith.select %and3A_1004, %add3A_1006, %rem3A_992 : vector<16xi1>, vector<16xi32>
          %lt3A_1008 = arith.constant 0 : i32
          %lt3A_1009 = vector.broadcast %lt3A_1008 : i32 to vector<16xi32>
          %lt3A_1010 = arith.cmpi slt, %select_n3A_1007, %lt3A_1009 : vector<16xi32>
          %add3A_1011 = arith.constant 16 : i32
          %add3A_1012 = vector.broadcast %add3A_1011 : i32 to vector<16xi32>
          %add3A_1013 = arith.addi %select_n3A_1007, %add3A_1012 : vector<16xi32>
          %select_n3A_1014 = arith.select %lt3A_1010, %add3A_1013, %select_n3A_1007 : vector<16xi1>, vector<16xi32>
          %broadcast_in_dim3A_1015 = vector.shape_cast %select_n3A_1014 : vector<16xi32> to vector<16x1xi32>
          %gather3A_1016 = vector.shape_cast %broadcast_in_dim3A_1015 : vector<16x1xi32> to vector<16xi32>
          %gather3A_1017 = tpu.dynamic_gather %max3A_981[%gather3A_1016] in [0] : vector<16xf32>, vector<16xi32> -> vector<16xf32>
          %max3A_1018 = arith.maximumf %max3A_981, %gather3A_1017 : vector<16xf32>
          %mul3A_1019 = arith.mulf %get3A_852, %max3A_1018 : vector<16xf32>
          %swap3A_1020 = arith.index_cast %add3A_849 : i32 to index
          %swap3A_1021 = arith.constant 0 : index
          %swap3A_1022 = tpu.vector_load %arg7[%swap3A_1020, %swap3A_1021] {strides = array<i32>} : memref<640x64xf32, #tpu.memory_space<vmem>>, vector<16xf32>,
          tpu.vector_store %arg7[%swap3A_1020, %swap3A_1021], %mul3A_1019 {strides = array<i32>} : memref<640x64xf32, #tpu.memory_space<vmem>>, vector<16xf32>,
          %mul3A_1023 = arith.mulf %get3A_855, %max3A_1018 : vector<16xf32>
          %swap3A_1024 = arith.index_cast %add3A_849 : i32 to index
          %swap3A_1025 = arith.constant 16 : index
          %swap3A_1026 = tpu.vector_load %arg7[%swap3A_1024, %swap3A_1025] {strides = array<i32>} : memref<640x64xf32, #tpu.memory_space<vmem>>, vector<16xf32>,
          tpu.vector_store %arg7[%swap3A_1024, %swap3A_1025], %mul3A_1023 {strides = array<i32>} : memref<640x64xf32, #tpu.memory_space<vmem>>, vector<16xf32>,
          %mul3A_1027 = arith.mulf %get3A_858, %max3A_1018 : vector<16xf32>
          %swap3A_1028 = arith.index_cast %add3A_849 : i32 to index
          %swap3A_1029 = arith.constant 32 : index
          %swap3A_1030 = tpu.vector_load %arg7[%swap3A_1028, %swap3A_1029] {strides = array<i32>} : memref<640x64xf32, #tpu.memory_space<vmem>>, vector<16xf32>,
          tpu.vector_store %arg7[%swap3A_1028, %swap3A_1029], %mul3A_1027 {strides = array<i32>} : memref<640x64xf32, #tpu.memory_space<vmem>>, vector<16xf32>,
          %mul3A_1031 = arith.mulf %get3A_861, %max3A_1018 : vector<16xf32>
          %swap3A_1032 = arith.index_cast %add3A_849 : i32 to index
          %swap3A_1033 = arith.constant 48 : index
          %swap3A_1034 = tpu.vector_load %arg7[%swap3A_1032, %swap3A_1033] {strides = array<i32>} : memref<640x64xf32, #tpu.memory_space<vmem>>, vector<16xf32>,
          tpu.vector_store %arg7[%swap3A_1032, %swap3A_1033], %mul3A_1031 {strides = array<i32>} : memref<640x64xf32, #tpu.memory_space<vmem>>, vector<16xf32>,
        }
        %scan3A_288 = arith.constant 160 : i32
      } else {
      }
      %mul3A_276 = arith.constant 640 : i32
      %mul3A_277 = arith.muli %add3A_181, %mul3A_276 : i32
      %add3A_278 = arith.addi %mul3A_2, %mul3A_277 : i32
      %dma_start3A_279 = arith.constant 0 : i32
      %dma_start3A_280 = tpu.memref_slice %arg4[%add3A_278, %dma_start3A_279] : memref<819200x128xf32, #tpu.memory_space<hbm>> -> memref<640x64xf32, #tpu.memory_space<hbm>>
      %dma_start3A_281 = arith.constant 0 : i32
      %dma_start3A_282 = tpu.memref_slice %arg4[%add3A_278, %dma_start3A_281] : memref<819200x128xf32, #tpu.memory_space<hbm>> -> memref<640x64xf32, #tpu.memory_space<hbm>>
      tpu.enqueue_dma source(%arg7 : memref<640x64xf32, #tpu.memory_space<vmem>>) target(%dma_start3A_282 : memref<640x64xf32, #tpu.memory_space<hbm>>) target_semaphore(%arg12 : memref<!tpu.dma_semaphore, #tpu.memory_space<semaphore_mem>>)
    }
    %scan3A_65 = arith.constant 20 : i32
    %add3A_66 = arith.constant 24320 : i32
    %add3A_67 = arith.addi %mul3A_2, %add3A_66 : i32
    %dma_wait3A = arith.constant 0 : i32
    %dma_wait3A_68 = tpu.memref_slice %arg4[%add3A_67, %dma_wait3A] : memref<819200x128xf32, #tpu.memory_space<hbm>> -> memref<640x64xf32, #tpu.memory_space<hbm>>
    %dma_wait3A_69 = arith.constant 0 : i32
    %dma_wait3A_70 = tpu.memref_slice %arg4[%add3A_67, %dma_wait3A_69] : memref<819200x128xf32, #tpu.memory_space<hbm>> -> memref<640x64xf32, #tpu.memory_space<hbm>>
    tpu.wait_dma2 semaphore(%arg11 : memref<!tpu.dma_semaphore, #tpu.memory_space<semaphore_mem>>) src(%arg6 : memref<640x64xf32, #tpu.memory_space<vmem>>) dst(%dma_wait3A_70 : memref<640x64xf32, #tpu.memory_space<hbm>>)
    %add3A_71 = arith.constant 24960 : i32
    %add3A_72 = arith.addi %mul3A_2, %add3A_71 : i32
    %dma_wait3A_73 = arith.constant 0 : i32
    %dma_wait3A_74 = tpu.memref_slice %arg4[%add3A_72, %dma_wait3A_73] : memref<819200x128xf32, #tpu.memory_space<hbm>> -> memref<640x64xf32, #tpu.memory_space<hbm>>
    %dma_wait3A_75 = arith.constant 0 : i32
    %dma_wait3A_76 = tpu.memref_slice %arg4[%add3A_72, %dma_wait3A_75] : memref<819200x128xf32, #tpu.memory_space<hbm>> -> memref<640x64xf32, #tpu.memory_space<hbm>>
    tpu.wait_dma2 semaphore(%arg12 : memref<!tpu.dma_semaphore, #tpu.memory_space<semaphore_mem>>) src(%arg7 : memref<640x64xf32, #tpu.memory_space<vmem>>) dst(%dma_wait3A_76 : memref<640x64xf32, #tpu.memory_space<hbm>>)
    return
  }
}

</mosaic_0001>

<sc_bundles>
// kernel: sc_gather_mask.3.cloned.1.call-start
scs
__scs_entry_jumppad:
0x0: {  	(pc) =	sbr.rel $0x88, $3  }
0x1: {  	(tag) =	ssettag $0x0;
	lr =	simm.s32 $0x1  }
0x2: {  	[smem:$0x3F9F] =	sst lr;
	_ =	strace $0xD0000000  }
0x3: {  	_ = 	snop  }
0x4: {  	_ = 	snop  }
0x5: {  	_ = 	snop  }
0x6: {  	_ = 	snop  }
0x7: {  	_ = 	snop  }
__scs_overlays_trampoline_lowered:
0x8: {  	[smem:$0x3FAE] =	sst s0  }
0x9: {  	[smem:$0x3FAF] =	sst s1  }
0xa: {  	[smem:$0x3FB0] =	sst s2  }
0xb: {  	[smem:$0x3FB1] =	sst s3  }
0xc: {  	[smem:$0x3FB2] =	sst s4  }
0xd: {  	[smem:$0x3FB3] =	sst s5  }
0xe: {  	[smem:$0x3FB4] =	sst s6  }
0xf: {  	[smem:$0x3FB5] =	sst s7  }
0x10: {  	[smem:$0x3FB6] =	sst s8  }
0x11: {  	[smem:$0x3FB7] =	sst s9;
	s0 =	simm.s32 @!p0 $0x0  }
0x12: {  	s1 =	sld [smem:$0x3F9D];
	s0 =	simm.s32 @p0 $0x1  }
0x13: {  	[smem:$0x3FB8] =	sst s0;
	s0 =	simm.s32 @!p1 $0x0  }
0x14: {  	s2 =	sld [smem:$0x3F9C];
	s0 =	simm.s32 @p1 $0x1  }
0x15: {  	[smem:$0x3FB9] =	sst s0;
	s0 =	simm.s32 @!p2 $0x0  }
0x16: {  	s3 =	sld [smem:$0x3FDB];
	s0 =	simm.s32 @p2 $0x1  }
0x17: {  	s4 =	simm.s32 $0x1BF5;
	[smem:$0x3FBB] =	sst s0  }
0x18: {  	s0 =	sld [smem:$0x3F9E];
	_ =	swait.ge [sflag:s4], $0x0  }
0x19: {  	s7 =	sld [smem:$0x3F9F]  }
0x1a: {  	s8 =	sadd.s32 $0xFFFFE003, lr  }
0x1b: {  	s9 =	sadd.s32 $0xFFFFFEF7, lr;
	s5 =	simm.s32 $0xFFFFFFFF;
	p2 =	slt.u32 s8, $0xFFFFF086  }
0x1c: {  	p1 =	slt.u32 s9, $0xF7A;
	s5 =	simm.s32 @!p2 $0x0  }
0x1d: {  	s5 =	simm.s32 @p1 $0x1;
	p0 =	seq.s32 s7, s2  }
0x1e: {  	s7 =	smul.u32 @!p0 $0xF7A, s2;
	p2 =	seq.s32 @!p0 s5, $0x0  }
0x1f: {  	s9 =	smul.u32 $0xF7A, s1;
	s8 =	simm.s32 @!p0 $0x1BF5;
	p2 =	por !p2, p0  }
0x20: {  	[sflag:s8] =	ssyncset.s32 @!p0 $0xFFFFF086;
	s6 =	sadd.s32 @!p0 s3, s7;
	s7 =	simm.s32 @!p0 $0x108  }
0x21: {  	s3 =	sadd.s32 s3, s9;
	s6 =	sadd.s32 @!p0 $0x88, s6;
	s7 =	simm.s32 @p2 $0x1082  }
0x22: {  	[simem:s7], [sflag:s8] =	dma.local @!p0 [hbm:s6], $0xF7A  }
0x23: {  	s9 =	sor.u32 $0xD0000000, s2;
	s6 =	simm.s32 $0x108;
	_ =	swait.ge @!p0 [sflag:s8], $0x0  }
0x24: {  	s3 =	sadd.s32 $0x88, s3;
	s6 =	simm.s32 @!p1 $0x1082;
	[sflag:s4] =	ssyncset.s32 $0xFFFFF086  }
0x25: {  	[simem:s6], [sflag:s4] =	dma.local [hbm:s3], $0xF7A  }
0x26: {  	[smem:$0x3F9F] =	sst s1;
	(tag) =	ssettag s2;
	_ =	strace s9  }
0x27: {  	s1 =	sld [smem:$0x3FAF]  }
0x28: {  	s2 =	sld [smem:$0x3FB0]  }
0x29: {  	s4 =	sld [smem:$0x3FB2]  }
0x2a: {  	p0 =	seq.s32 s5, $0x0;
	s5 =	sld [smem:$0x3FB3]  }
0x2b: {  	s6 =	sld [smem:$0x3FB4]  }
0x2c: {  	s7 =	sld [smem:$0x3FB5]  }
0x2d: {  	s3 =	simm.s32 $0x108;
	s8 =	sld [smem:$0x3FB6]  }
0x2e: {  	s3 =	simm.s32 @!p0 $0x1082;
	s9 =	sld [smem:$0x3FB7]  }
0x2f: {  	lr =	sadd.s32 s0, s3;
	s0 =	sld [smem:$0x3FAE]  }
0x30: {  	s3 =	sld [smem:$0x3FB1]  }
0x31: {  	[smem:$0x3FBA] =	sst s10  }
0x32: {  	s10 =	sld [smem:$0x3FB8];
	_ =	sdelay $0x3  }
0x33: {  	p0 =	seq.s32 s10, $0x1;
	s10 =	sld [smem:$0x3FBA];
	_ =	sdelay $0x3  }
0x34: {  	[smem:$0x3FBA] =	sst s10  }
0x35: {  	s10 =	sld [smem:$0x3FB9];
	_ =	sdelay $0x3  }
0x36: {  	p1 =	seq.s32 s10, $0x1;
	s10 =	sld [smem:$0x3FBA];
	_ =	sdelay $0x3  }
0x37: {  	[smem:$0x3FBA] =	sst s10  }
0x38: {  	s10 =	sld [smem:$0x3FBB]  }
0x39: {  	_ = 	snop;
	(pc) =	sbr.ind lr, $3  }
0x3a: {  	_ = 	snop  }
0x3b: {  	_ = 	snop  }
0x3c: {  	p2 =	seq.s32 s10, $0x1;
	s10 =	sld [smem:$0x3FBA]  }
0x3d: {  	_ =	shalt  }
0x3e: {  	_ =	shalt  }
0x3f: {  	_ =	shalt  }
0x40: {  	_ =	shalt  }
0x41: {  	_ =	shalt  }
0x42: {  	_ =	shalt  }
0x43: {  	_ =	shalt  }
0x44: {  	_ =	shalt  }
0x45: {  	_ =	shalt  }
0x46: {  	_ =	shalt  }
0x47: {  	_ =	shalt  }
0x48: {  	_ =	shalt  }
0x49: {  	_ =	shalt  }
0x4a: {  	_ =	shalt  }
0x4b: {  	_ =	shalt  }
0x4c: {  	_ =	shalt  }
0x4d: {  	_ =	shalt  }
0x4e: {  	_ =	shalt  }
0x4f: {  	_ =	shalt  }
0x50: {  	_ =	shalt  }
0x51: {  	_ =	shalt  }
0x52: {  	_ =	shalt  }
0x53: {  	_ =	shalt  }
0x54: {  	_ =	shalt  }
0x55: {  	_ =	shalt  }
0x56: {  	_ =	shalt  }
0x57: {  	_ =	shalt  }
0x58: {  	_ =	shalt  }
0x59: {  	_ =	shalt  }
0x5a: {  	_ =	shalt  }
0x5b: {  	_ =	shalt  }
0x5c: {  	_ =	shalt  }
0x5d: {  	_ =	shalt  }
0x5e: {  	_ =	shalt  }
0x5f: {  	_ =	shalt  }
0x60: {  	_ =	shalt  }
0x61: {  	_ =	shalt  }
0x62: {  	_ =	shalt  }
0x63: {  	_ =	shalt  }
0x64: {  	_ =	shalt  }
0x65: {  	_ =	shalt  }
0x66: {  	_ =	shalt  }
0x67: {  	_ =	shalt  }
0x68: {  	_ =	shalt  }
0x69: {  	_ =	shalt  }
0x6a: {  	_ =	shalt  }
0x6b: {  	_ =	shalt  }
0x6c: {  	_ =	shalt  }
0x6d: {  	_ =	shalt  }
0x6e: {  	_ =	shalt  }
0x6f: {  	_ =	shalt  }
0x70: {  	_ =	shalt  }
0x71: {  	_ =	shalt  }
0x72: {  	_ =	shalt  }
0x73: {  	_ =	shalt  }
0x74: {  	_ =	shalt  }
0x75: {  	_ =	shalt  }
0x76: {  	_ =	shalt  }
0x77: {  	_ =	shalt  }
0x78: {  	_ =	shalt  }
0x79: {  	_ =	shalt  }
0x7a: {  	_ =	shalt  }
0x7b: {  	_ =	shalt  }
0x7c: {  	_ =	shalt  }
0x7d: {  	_ =	shalt  }
0x7e: {  	_ =	shalt  }
0x7f: {  	_ =	shalt  }
0x80: {  	_ =	shalt  }
0x81: {  	_ =	shalt  }
0x82: {  	_ =	shalt  }
0x83: {  	_ =	shalt  }
0x84: {  	_ =	shalt  }
0x85: {  	_ =	shalt  }
0x86: {  	_ =	shalt  }
0x87: {  	_ =	shalt  }
.Lfunc_end0:
.L_simem_size_0:
called_computation.1_lowered:
.L_overlay_start_0:
0x88: {  	s2 =	sld [smem:$0x3FD9]  }
0x89: {  	s3 =	sld [smem:$0x3FFE];
	_ =	sdelay $0x1  }
0x8a: {  	s1 =	srdreg.scid  }
0x8b: {  	s0 =	sand.u32 $0x1, s1  }
0x8c: {  	s17 =	sshll.u32 s0, $0xA;
	s2 =	sadd.s32 s3, s2  }
0x8d: {  	s2 =	sadd.s32 s2, s17  }
0x8e: {  	[smem:$0x3FC6] =	sst s2  }
0x8f: {  	_ = 	snop  }
0x90: {  	s2 =	sld [smem:$0x3FD0];
	(tm) =	ssettm $0x1  }
0x91: {  	s18 =	sld [smem:$0x3FFB];
	_ =	sdelay $0x3  }
0x92: {  	_ =	strace s18  }
0x93: {  	s3 =	sld [smem:$0x3FFC];
	_ =	sdelay $0x3  }
0x94: {  	_ =	strace s3  }
0x95: {  	s3 =	sld [smem:$0x3FFD];
	_ =	sdelay $0x3  }
0x96: {  	_ =	strace s3  }
0x97: {  	_ =	strace $0x8FFFFFFF  }
0x98: {  	s19 =	sld [smem:$0x3FDB];
	_ =	sdelay $0x1  }
0x99: {  	s4 =	simm.s32 $_scs_section_size  }
0x9a: {  	s5 =	simm.s32 $_size__tile_overlayer_lowered;
	s6 =	simm.s32 $_tile_overlayer_lowered  }
0x9b: {  	s22 =	simm.s32 $0x1BFF;
	s21 =	sshll.u32 s6, $0x1;
	s3 =	sadd.s32 s4, s19  }
0x9c: {  	s7 =	simm.s32 $0x0;
	s20 =	sshll.u32 s5, $0x1;
	s5 =	sadd.s32 s21, s3  }
0x9d: {  	[timem:s7], [sflag:s22] =	dma.local [hbm:s5], s20  }
0x9e: {  	_ =	swait.ge [sflag:s22], s20  }
0x9f: {  	s4 =	ssub.s32 $0x0, s20;
	[sflag:s22] =	ssyncset.done $0x0  }
0xa0: {  	[sflag:s22] =	ssyncadd.s32 s4;
	_ =	sdelay $0x1  }
0xa1: {  	s23 =	simm.s32 $0x1B8B  }
0xa2: {  	_ =	swait.ge [sflag:s23], $0x1  }
0xa3: {  	[sflag:s23] =	ssyncset.done $0x0  }
0xa4: {  	s25 =	simm.s32 $0x1B8E;
	s24 =	sld [smem:$0x3FFE];
	[sflag:s23] =	ssyncadd.s32 $0xFFFFFFFF  }
0xa5: {  	s26 =	simm.s32 $execute0_lowered;
	[smem:$0x3FD2] =	sst s25  }
0xa6: {  	s5 =	sshll.u32 s26, $0x1;
	_ =	strace $0x80000046;
	[dreg:$0x1] =	wrdreg $0xFFFFFFFF  }
0xa7: {  	s28 =	simm.s32 $_size_execute0_lowered;
	s3 =	sadd.s32 s3, s5;
	[dreg:$0x0] =	wrdreg $0x0  }
0xa8: {  	s5 =	sshll.u32 s28, $0x1;
	[dreg:$0x2] =	wrdreg s3  }
0xa9: {  	[dreg:$0x3] =	wrdreg s5  }
0xaa: {  	[dreg:$0x4] =	wrdreg $0xC0  }
0xab: {  	_ =	task [dreg:s7], $0x5FFFF  }
0xac: {  	[dreg:$0x1] =	wrdreg $0xFFFFFFFF  }
0xad: {  	[dreg:$0x0] =	wrdreg $0x60  }
0xae: {  	[dreg:$0x2] =	wrdreg s2  }
0xaf: {  	[dreg:$0x3] =	wrdreg s24  }
0xb0: {  	[dreg:$0x4] =	wrdreg $0x9  }
0xb1: {  	_ =	task.clear_ibuf [dreg:s7], $0x5FFFF;
	_ =	strace $0x90000046  }
0xb2: {  	s29 =	simm.s32 $0x9;
	_ =	strace $0x80000048  }
0xb3: {  	_ =	swait.ge [sflag:s29], $0x1  }
0xb4: {  	[sflag:s29] =	ssyncadd.s32 $0xFFFFFFFF  }
0xb5: {  	_ =	strace $0x90000048  }
0xb6: {  	_ =	sfence  }
0xb7: {  	s30 =	sld [smem:$0x0];
	_ =	sdelay $0x2  }
0xb8: {  	s31 =	sshll.u32 s1, $0xD;
	s1 =	sshrl.u32 s1, $0x2  }
0xb9: {  	s3 =	sand.u32 $0x4000, s31;
	s1 =	sadd.s32 s1, s30  }
0xba: {  	s0 =	sor.u32 s3, s0;
	s1 =	sshll.u32 s1, $0x11  }
0xbb: {  	s0 =	sor.u32 s1, s0  }
0xbc: {  	s0 =	sadd.s32 $0x8F2B, s0  }
0xbd: {  	[sflag:s0] =	ssyncadd.remote.s32 $0x1  }
0xbe: {  	_ =	sfence.sel $0xFFFF  }
0xbf: {  	[dreg:$0x0] =	wrdreg $0xFFFFFFFF;
	(pc) =	sbr.abs _section_cstart, $3  }
0xc0: {  	[dreg:$0x1] =	wrdreg $0xFFFFFFFF  }
0xc1: {  	_ =	task.clear_ibuf [dreg:s7], $0x2FFFF;
	_ =	strace $0x9FFFFFFF  }
0xc2: {  	(tm) =	ssettm $0x7FFFFFFF  }
0xc3: {  	_ =	shalt  }
tec
execute0_lowered:
.L_overlay_start_1:
0x0: {  	(tag) =	ssettag $0x1  }
0x1: {  	s0 =	rddreg [dreg:$0x0]  }
0x2: {  	s1 =	rddreg [dreg:$0x1];
	s2 =	simm.s32 $0x0;
	v0 =	vimm.s32 $0xFEDCBA98;
	v1 =	vimm.s32 $0x76543210  }
0x3: {  	s3 =	srdreg.scid;
	s4 =	stileid.u32;
	v2 =	vimm.s32 $0x3210FEDC;
	v3 =	vimm.s32 $0xBA987654;
	v4 =	vimm.s32 $0x10FEDCBA;
	s9 =	simm.s32 $0x5  }
0x4: {  	v5 =	vimm.s32 $0x98765432;
	v6 =	vimm.s32 $0xFEDCBA9;
	s10 =	simm.s32 $0x80;
	s11 =	simm.s32 $0x6400;
	s14 =	simm.s32 $0xA400  }
0x5: {  	v7 =	vimm.s32 $0x87654321;
	s15 =	simm.s32 $0x180;
	s16 =	simm.s32 $0xC400;
	s17 =	simm.s32 $0x200  }
0x6: {  	s18 =	simm.s32 $0xE400;
	s19 =	simm.s32 $0x1;
	s20 =	simm.s32 $0x10400;
	v0 =	vunpack.c.l.s4.s8 v0;
	v1 =	vunpack.c.l.s4.s8 v1;
	v2 =	vunpack.c.l.s4.s8 v2  }
0x7: {  	s21 =	simm.s32 $0x12400;
	s22 =	simm.s32 $0x14400;
	s23 =	simm.s32 $0x16400;
	v3 =	vunpack.c.l.s4.s8 v3;
	v4 =	vunpack.c.l.s4.s8 v4;
	v5 =	vunpack.c.l.s4.s8 v5  }
0x8: {  	s24 =	simm.s32 $0x18400;
	s25 =	simm.s32 $0x40;
	s26 =	simm.s32 $0x2;
	v6 =	vunpack.c.l.s4.s8 v6;
	v7 =	vunpack.c.l.s4.s8 v7;
	v0 =	vunpack.c.0.s8.s32 v0  }
0x9: {  	s28 =	simm.s32 $0x3;
	s29 =	simm.s32 $0x4;
	s30 =	simm.s32 $0x0;
	v2 =	vunpack.c.0.s8.s32 v2;
	v3 =	vunpack.c.0.s8.s32 v3;
	v4 =	vunpack.c.0.s8.s32 v4  }
.Ltmp0:
0xa: {  	s5 =	sand.u32 $0x1, s3;
	s4 =	sshll.u32 s4, $0x1;
	v5 =	vunpack.c.0.s8.s32 v5;
	v6 =	vunpack.c.0.s8.s32 v6;
	v7 =	vunpack.c.0.s8.s32 v7;
	(pc) =	sbr.rel .LBB2_1-.Ltmp0, $4  }
0xb: {  	vm0 =	vmxor vm0, vm0;
	[smem:$0x7FF] =	sst s2;
	s6 =	sor.u32 s5, s4;
	s31 =	ssub.s32 $0x2, s5;
	v3 =	vcombine.low v3, v2;
	v2 =	vunpack.c.0.s8.s32 v1  }
0xc: {  	s3 =	sadd.s32 $0xF42E00, s1;
	s7 =	smul.u32 $0xC80, s6;
	s5 =	sshrl.u32 s31, $0x1;
	v8 =	vand.u32 $0xF, v0;
	v4 =	vcombine.low v5, v4;
	v5 =	vcombine.low v7, v6  }
0xd: {  	_ =	strace $0x80000047;
	s4 =	sadd.s32 $0xA00, s1;
	s1 =	ssub.s32 s31, s5;
	v0 =	vimm.f32 $0.0e+00;
	v1 =	vimm.s32 $0x0;
	v2 =	vcombine.low v8, v2  }
0xe: {  	s5 =	smul.u32 $0x6400, s6;
	s7 =	sadd.s32 s0, s7;
	s8 =	smax.u32 s1, $0x1;
	v3 =	vand.u32 $0xF, v3;
	v4 =	vand.u32 $0xF, v4;
	v5 =	vand.u32 $0xF, v5  }
.LBB2_15:
0xf: {  	s30 =	sadd.s32 $0x1, s30  }
0x10: {  	_ =	swait.ge [sflag:s28], $0xA000;
	p0 =	sne.s32 s30, s8  }
.Ltmp1:
0x11: {  	[sflag:s28] =	ssyncset.done $0x0;
	(pc) =	sbr.rel @!p0 .LBB2_16-.Ltmp1, $4  }
0x12: {  	[sflag:s28] =	ssyncadd.s32 $0xFFFF6000  }
0x13: {  	_ =	swait.ge [sflag:s29], $0xA000  }
0x14: {  	[sflag:s29] =	ssyncset.done $0x0  }
0x15: {  	[sflag:s29] =	ssyncadd.s32 $0xFFFF6000  }
.LBB2_1:
0x16: {  	s0 =	simm.s32 $0x1A400  }
0x17: {  	[tilespmem:s0], [sflag:$0x5] =	stream.linear.gather [hbm4b:s3+s2], $0x40, $0x38;
	[tilespmem:$0x1A440] =	vst v63  }
0x18: {  	_ =	swait.ge [sflag:s9], $0x40  }
0x19: {  	[sflag:s9] =	ssyncset.done $0x0  }
0x1a: {  	[sflag:s9] =	ssyncadd.s32 $0xFFFFFFC0  }
0x1b: {  	[tilespmem:s2], [sflag:$0x5] =	stream.linear.gather [hbm4b:s7+s2], $0x6400, $0x38;
	[tilespmem:$0x1A440] =	vst v63  }
0x1c: {  	_ =	swait.ge [sflag:s9], $0x6400  }
0x1d: {  	[sflag:s9] =	ssyncset.done $0x0  }
0x1e: {  	[sflag:s9] =	ssyncadd.s32 $0xFFFF9C00  }
0x1f: {  	v6 =	vld [tilespmem:$0x1A400]  }
0x20: {  	v7 =	vld [tilespmem:$0x1A410]  }
0x21: {  	v8 =	vld [tilespmem:$0x1A420]  }
0x22: {  	v9 =	vld [tilespmem:$0x1A430];
	[tilespmem:s11], [sflag:$0x1] =	stream.indirect.gather [hbm4b:s3+s10], $0x40, s2, s10, $0xb8  }
0x23: {  	s12 =	simm.s32 $0x8400  }
0x24: {  	[tilespmem:s12], [sflag:$0x1] =	stream.indirect.gather [hbm4b:s3+s10], $0x40, s10, s10, $0xb8;
	[tilespmem:$0x1A440] =	vst v63  }
0x25: {  	s13 =	simm.s32 $0x100  }
0x26: {  	[tilespmem:s14], [sflag:$0x1] =	stream.indirect.gather [hbm4b:s3+s10], $0x40, s13, s10, $0xb8;
	[tilespmem:$0x1A440] =	vst v63  }
.Ltmp2:
0x27: {  	_ = 	snop;
	(pc) =	sbr.rel .LBB2_2-.Ltmp2, $4  }
0x28: {  	_ = 	snop  }
0x29: {  	[tilespmem:s16], [sflag:$0x1] =	stream.indirect.gather [hbm4b:s3+s10], $0x40, s15, s10, $0xb8;
	[tilespmem:$0x1A440] =	vst v63  }
0x2a: {  	s31 =	simm.s32 $0x0  }
0x2b: {  	[tilespmem:s18], [sflag:$0x1] =	stream.indirect.gather [hbm4b:s3+s10], $0x40, s17, s10, $0xb8;
	[tilespmem:$0x1A440] =	vst v63  }
.LBB2_14:
0x2c: {  	s0 =	smul.u32 $0x280, s0;
	s31 =	sadd.s32 $0x1, s31  }
0x2d: {  	p0 =	sne.s32 s31, $0x14  }
.Ltmp3:
0x2e: {  	s0 =	sadd.s32 s5, s0;
	(pc) =	sbr.rel @!p0 .LBB2_15-.Ltmp3, $4  }
0x2f: {  	s0 =	sshll.u32 s0, $0x4  }
0x30: {  	s0 =	sand.u32 $0x1FFFF800, s0  }
0x31: {  	s0 =	sadd.s32 s4, s0  }
0x32: {  	[hbm4b:s0+s25] =	stream.strided.scatter [tilespmem:s20], [sflag:$0x4], $0xA000, s10, s25, $0x38;
	[tilespmem:$0x1A440] =	vst v63  }
.LBB2_2:
0x33: {  	_ =	swait.ge [sflag:s19], $0x2000  }
0x34: {  	[sflag:s19] =	ssyncset.done $0x0  }
0x35: {  	[sflag:s19] =	ssyncadd.s32 $0xFFFFE000  }
0x36: {  	_ =	swait.ge [sflag:s19], $0x2000  }
0x37: {  	[sflag:s19] =	ssyncset.done $0x0  }
0x38: {  	[sflag:s19] =	ssyncadd.s32 $0xFFFFE000  }
0x39: {  	_ =	swait.ge [sflag:s19], $0x2000  }
0x3a: {  	[sflag:s19] =	ssyncset.done $0x0  }
0x3b: {  	[sflag:s19] =	ssyncadd.s32 $0xFFFFE000  }
0x3c: {  	_ =	swait.ge [sflag:s19], $0x2000  }
0x3d: {  	[sflag:s19] =	ssyncset.done $0x0  }
0x3e: {  	[sflag:s19] =	ssyncadd.s32 $0xFFFFE000  }
0x3f: {  	_ =	swait.ge [sflag:s19], $0x2000  }
0x40: {  	p0 =	seq.s32 s31, $0x0;
	[sflag:s19] =	ssyncset.done $0x0  }
0x41: {  	s0 =	sshllo.u32 s31, $0x1;
	s1 =	simm.s32 @!p0 $0x4;
	[sflag:s19] =	ssyncadd.s32 $0xFFFFE000  }
0x42: {  	s6 =	smul.u32 $0xA00, s0;
	_ =	swait.ge @!p0 [sflag:s1], $0xA000  }
0x43: {  	[sflag:s1] =	ssyncset.done @!p0 $0x0  }
0x44: {  	[sflag:s1] =	ssyncadd.s32 @!p0 $0xFFFF6000;
	s1 =	sshra.s32 s6, $0x2  }
0x45: {  	[tilespmem:s20], [sflag:$0x2] =	stream.indirect.gather [hbm4b:s3+s10], $0x40, s1, s10, $0xb8;
	[tilespmem:$0x1A440] =	vst v63  }
0x46: {  	s6 =	sadd.s32 $0x80, s1  }
0x47: {  	[tilespmem:s21], [sflag:$0x2] =	stream.indirect.gather [hbm4b:s3+s10], $0x40, s6, s10, $0xb8;
	[tilespmem:$0x1A440] =	vst v63  }
0x48: {  	s13 =	sadd.s32 $0x100, s1  }
0x49: {  	[tilespmem:s22], [sflag:$0x2] =	stream.indirect.gather [hbm4b:s3+s10], $0x40, s13, s10, $0xb8;
	[tilespmem:$0x1A440] =	vst v63  }
0x4a: {  	s12 =	sadd.s32 $0x180, s1  }
0x4b: {  	[tilespmem:s23], [sflag:$0x2] =	stream.indirect.gather [hbm4b:s3+s10], $0x40, s12, s10, $0xb8;
	[tilespmem:$0x1A440] =	vst v63  }
0x4c: {  	s1 =	sadd.s32 $0x200, s1;
	s13 =	simm.s32 $0x0  }
0x4d: {  	[tilespmem:s24], [sflag:$0x2] =	stream.indirect.gather [hbm4b:s3+s10], $0x40, s1, s10, $0xb8;
	[tilespmem:$0x1A440] =	vst v63  }
0x4e: {  	v10 =	vld [tilespmem:s13+$0x6400]  }
0x4f: {  	v11 =	vld [tilespmem:s13+$0x6440]  }
0x50: {  	v14 =	vld [tilespmem:s13+$0x6480]  }
0x51: {  	v15 =	vld [tilespmem:s13+$0x64C0]  }
0x52: {  	v13 =	vld [tilespmem:s13+$0x6500]  }
0x53: {  	v12 =	vld [tilespmem:s13+$0x6540]  }
0x54: {  	vm1 =	veq.f32 v10, v6;
	vm2 =	veq.f32 v11, v6;
	v10 =	vld [tilespmem:s13+$0x6580]  }
0x55: {  	s1 =	simm.s32 $0x200;
	v11 =	vld [tilespmem:s13+$0x65C0];
	vm1 =	vmor vm1, vm2;
	vm2 =	veq.f32 v14, v6  }
0x56: {  	s6 =	simm.s32 $0x1000;
	vm3 =	veq.f32 v15, v6;
	v14 =	vld [tilespmem:s1+$0x6400];
	vm2 =	vmor vm1, vm2;
	vm1 =	vmmov vm0  }
.LBB2_3:
0x57: {  	p0 =	sne.s32 s6, $0x27800;
	v15 =	vld [tilespmem:s1+$0x6440];
	vm2 =	vmor vm2, vm3;
	vm3 =	veq.f32 v13, v6  }
0x58: {  	v16 =	vld [tilespmem:s1+$0x6480];
	vm2 =	vmor vm2, vm3;
	vm3 =	veq.f32 v12, v6  }
0x59: {  	v17 =	vld [tilespmem:s1+$0x64C0];
	vm2 =	vmor vm2, vm3;
	vm3 =	veq.f32 v10, v6  }
.Ltmp4:
0x5a: {  	v13 =	vld [tilespmem:s1+$0x6500];
	vm2 =	vmor vm2, vm3;
	vm3 =	veq.f32 v11, v6;
	(pc) =	sbr.rel @p0 .LBB2_3-.Ltmp4, $4  }
0x5b: {  	v12 =	vld [tilespmem:s1+$0x6540];
	vm2 =	vmor vm2, vm3  }
0x5c: {  	vm3 =	veq.f32 v14, v6;
	vm4 =	veq.f32 v15, v6;
	v10 =	vld [tilespmem:s1+$0x6580];
	vm1 =	vmor vm1, vm2  }
0x5d: {  	vm2 =	vmor vm3, vm4;
	vm3 =	veq.f32 v16, v6;
	v11 =	vld [tilespmem:s1+$0x65C0];
	s1 =	sshra.s32 s6, $0x2  }
0x5e: {  	s6 =	sadd.s32 $0x800, s6;
	v14 =	vld [tilespmem:s1+$0x6400];
	vm2 =	vmor vm2, vm3;
	vm3 =	veq.f32 v17, v6  }
0x5f: {  	v15 =	vld [tilespmem:s1+$0x6440]  }
0x60: {  	v16 =	vld [tilespmem:s1+$0x6480]  }
0x61: {  	v17 =	vld [tilespmem:s1+$0x64C0]  }
0x62: {  	v18 =	vld [tilespmem:s1+$0x6500]  }
0x63: {  	vm2 =	vmor vm2, vm3;
	vm3 =	veq.f32 v13, v6;
	v61 =	vld [tilespmem:s1+$0x6540]  }
0x64: {  	v62 =	vld [tilespmem:s1+$0x6580];
	vm2 =	vmor vm2, vm3;
	vm4 =	veq.f32 v14, v6;
	vm3 =	veq.f32 v15, v6  }
0x65: {  	v63 =	vld [tilespmem:s1+$0x65C0];
	vm5 =	veq.f32 v12, v6;
	vm8 =	veq.f32 v16, v6;
	vm3 =	vmor vm4, vm3  }
0x66: {  	vm2 =	vmor vm2, vm5;
	vm9 =	veq.f32 v17, v6;
	vm3 =	vmor vm3, vm8  }
0x67: {  	vm10 =	veq.f32 v10, v6;
	vm11 =	veq.f32 v18, v6;
	vm3 =	vmor vm3, vm9  }
0x68: {  	vm2 =	vmor vm2, vm10;
	vm12 =	veq.f32 v61, v6;
	vm3 =	vmor vm3, vm11  }
0x69: {  	vm13 =	veq.f32 v11, v6;
	vm14 =	veq.f32 v62, v6;
	vm3 =	vmor vm3, vm12  }
0x6a: {  	vm2 =	vmor vm2, vm13;
	vm15 =	veq.f32 v63, v6;
	vm3 =	vmor vm3, vm14  }
0x6b: {  	vm1 =	vmor vm1, vm2;
	vm2 =	vmor vm3, vm15  }
0x6c: {  	vm1 =	vmor vm1, vm2  }
0x6d: {  	v10 =	vsel vm1, $0x3F800000, v0  }
0x6e: {  	(xrf0) =	vmax.scan.msk.f32 $0xffff, v10;
	_ =	sdelay $0x5  }
0x6f: {  	v10, _, _ =	vpop (xrf0)  }
0x70: {  	(v2sf) =	vpush v10, $0xF;
	_ =	sdelay $0xe  }
0x71: {  	s13 =	spop (v2sf)  }
0x72: {  	p0 =	sgt.f32 s13, $0.0e+00  }
.Ltmp5:
0x73: {  	_ = 	snop;
	(pc) =	sbr.rel @!p0 .LBB2_8-.Ltmp5, $1  }
0x74: {  	_ =	sdelay $0x3  }
0x75: {  	s1 =	simm.s32 $0x0  }
0x76: {  	v19 =	vld [tilespmem:s1+$0x64C0]  }
0x77: {  	v18 =	vld [tilespmem:s1+$0x64F0]  }
0x78: {  	v10 =	vld [tilespmem:s1+$0x6490]  }
0x79: {  	v22 =	vld [tilespmem:s1+$0x64D0]  }
0x7a: {  	v17 =	vld [tilespmem:s1+$0x64A0]  }
0x7b: {  	v14 =	vld [tilespmem:s1+$0x64B0]  }
0x7c: {  	v21 =	vld [tilespmem:s1+$0x64E0]  }
0x7d: {  	vm1 =	vgt.f32 v19, v6  }
0x7e: {  	v15 =	vld [tilespmem:s1+$0x6480];
	vm2 =	vlt.f32 v19, v6;
	vm4 =	vlt.f32 v18, v9;
	vm5 =	vgt.f32 v18, v9  }
0x7f: {  	v12 =	vld [tilespmem:s1+$0x6410];
	vm11 =	vlt.f32 v10, v7;
	vm6 =	vgt.f32 v10, v7;
	vm12 =	vgt.f32 v17, v8  }
0x80: {  	vm13 =	vgt.f32 v14, v9;
	vm8 =	vgt.f32 v22, v7;
	vm14 =	vlt.f32 v22, v7  }
0x81: {  	v16 =	vld [tilespmem:s1+$0x6450];
	vm3 =	vmor vm1, vm2;
	vm1 =	vlt.f32 v21, v8;
	vm2 =	vgt.f32 v21, v8  }
0x82: {  	vm7 =	vmor vm2, vm1;
	vm2 =	vmor vm6, vm11;
	vm6 =	vmor vm8, vm14  }
0x83: {  	v11 =	vld [tilespmem:s1+$0x6460];
	vm9 =	vlt.f32 v17, v8;
	vm10 =	vlt.f32 v15, v6;
	vm3 =	vmor vm3, vm6  }
0x84: {  	v13 =	vld [tilespmem:s1+$0x6400];
	vm15 =	vgt.f32 v12, v7;
	vm4 =	vmor vm5, vm4;
	vm3 =	vmor vm3, vm7  }
0x85: {  	v23 =	vld [tilespmem:s1+$0x6440];
	vm5 =	vmor vm12, vm9;
	vm9 =	vlt.f32 v12, v7;
	vm3 =	vmor vm3, vm4  }
0x86: {  	v24 =	vld [tilespmem:s1+$0x6470];
	vm12 =	vgt.f32 v16, v7;
	vm1 =	vlt.f32 v14, v9;
	v25 =	vsel vm3, $0x3F800000, v1  }
0x87: {  	v20 =	vld [tilespmem:s1+$0x6420];
	vm11 =	vgt.f32 v15, v6;
	vm8 =	vlt.f32 v16, v7;
	v26 =	vperm.xlane v25, v2  }
0x88: {  	vm14 =	vgt.f32 v11, v8;
	vm1 =	vmor vm13, vm1;
	vm10 =	vmor vm11, vm10  }
0x89: {  	vm6 =	vlt.f32 v13, v6;
	vm11 =	vlt.f32 v11, v8;
	v25 =	vmax.f32 v25, v26  }
0x8a: {  	vm8 =	vmor vm12, vm8;
	vm12 =	vlt.f32 v23, v6;
	v26 =	vperm.xlane v25, v3  }
0x8b: {  	vm13 =	vgt.f32 v23, v6;
	vm7 =	vmor vm15, vm9;
	vm9 =	vgt.f32 v24, v9  }
0x8c: {  	vm2 =	vmor vm10, vm2;
	vm10 =	vlt.f32 v20, v8;
	v25 =	vmax.f32 v25, v26  }
0x8d: {  	vm11 =	vmor vm14, vm11;
	vm14 =	vlt.f32 v24, v9;
	v27 =	vperm.xlane v25, v4  }
0x8e: {  	vm13 =	vmor vm13, vm12;
	vm4 =	vgt.f32 v13, v6;
	vm9 =	vmor vm9, vm14  }
0x8f: {  	vm4 =	vmor vm4, vm6;
	vm6 =	vmor vm13, vm8;
	v27 =	vmax.f32 v25, v27;
	v25 =	vld [tilespmem:s1+$0x6430]  }
0x90: {  	vm2 =	vmor vm2, vm5;
	vm3 =	vgt.f32 v20, v8;
	vm6 =	vmor vm6, vm11  }
0x91: {  	vm1 =	vmor vm2, vm1;
	vm3 =	vmor vm3, vm10;
	vm15 =	vmor vm6, vm9  }
0x92: {  	vm4 =	vmor vm4, vm7;
	v28 =	vsel vm1, $0x3F800000, v1;
	v26 =	vsel vm15, $0x3F800000, v1  }
0x93: {  	s6 =	simm.s32 $0x400;
	vm1 =	vmor vm4, vm3;
	v30 =	vperm.xlane v26, v2;
	v29 =	vperm.xlane v27, v5  }
.LBB2_6:
0x94: {  	s12 =	sshra.s32 s6, $0x2;
	p0 =	sne.s32 s6, $0x27C00;
	s6 =	sadd.s32 $0x400, s6;
	vm2 =	vlt.f32 v25, v9;
	vm3 =	vgt.f32 v25, v9;
	v31 =	vperm.xlane v28, v2  }
0x95: {  	vm2 =	vmor vm3, vm2;
	v26 =	vmax.f32 v26, v30;
	v27 =	vmax.f32 v27, v29  }
0x96: {  	v29 =	vperm.xlane v26, v3;
	v28 =	vmax.f32 v28, v31;
	v19 =	vmul.f32 v27, v19  }
0x97: {  	vm1 =	vmor vm1, vm2;
	v21 =	vmul.f32 v27, v21;
	v30 =	vperm.xlane v28, v3  }
0x98: {  	v31 =	vsel vm1, $0x3F800000, v1;
	v26 =	vmax.f32 v26, v29  }
0x99: {  	v18 =	vmul.f32 v27, v18;
	v29 =	vperm.xlane v31, v2;
	v28 =	vmax.f32 v28, v30;
	[tilespmem:s1+$0x64C0] =	vst v19  }
0x9a: {  	v19 =	vld [tilespmem:s12+$0x64C0];
	v30 =	vperm.xlane v28, v4;
	[tilespmem:s1+$0x64E0] =	vst v21  }
0x9b: {  	v29 =	vmax.f32 v31, v29;
	v31 =	vperm.xlane v26, v4;
	[tilespmem:s1+$0x64F0] =	vst v18  }
0x9c: {  	v22 =	vmul.f32 v27, v22;
	v32 =	vperm.xlane v29, v3;
	v28 =	vmax.f32 v28, v30  }
0x9d: {  	v26 =	vmax.f32 v26, v31;
	v21 =	vld [tilespmem:s12+$0x64E0];
	v27 =	vperm.xlane v28, v5  }
0x9e: {  	v29 =	vmax.f32 v29, v32;
	v18 =	vld [tilespmem:s12+$0x64F0];
	[tilespmem:s1+$0x64D0] =	vst v22  }
0x9f: {  	v22 =	vperm.xlane v29, v4;
	vm1 =	vgt.f32 v19, v6;
	v27 =	vmax.f32 v28, v27  }
0xa0: {  	vm2 =	vlt.f32 v19, v6;
	v10 =	vmul.f32 v27, v10;
	v17 =	vmul.f32 v27, v17  }
0xa1: {  	vm1 =	vmor vm1, vm2;
	v28 =	vmax.f32 v29, v22;
	v22 =	vperm.xlane v26, v5  }
0xa2: {  	v14 =	vmul.f32 v27, v14;
	v29 =	vperm.xlane v28, v5;
	vm3 =	vlt.f32 v21, v8;
	[tilespmem:s1+$0x6490] =	vst v10  }
0xa3: {  	v15 =	vmul.f32 v27, v15;
	vm4 =	vgt.f32 v21, v8;
	v26 =	vmax.f32 v26, v22;
	v10 =	vld [tilespmem:s12+$0x6490];
	[tilespmem:s1+$0x64A0] =	vst v17  }
0xa4: {  	vm2 =	vlt.f32 v18, v9;
	vm5 =	vgt.f32 v18, v9;
	v24 =	vmul.f32 v26, v24;
	v22 =	vld [tilespmem:s12+$0x64D0];
	[tilespmem:s1+$0x64B0] =	vst v14  }
0xa5: {  	v16 =	vmul.f32 v26, v16;
	v11 =	vmul.f32 v26, v11;
	vm2 =	vmor vm5, vm2;
	v17 =	vld [tilespmem:s12+$0x64A0];
	[tilespmem:s1+$0x6480] =	vst v15  }
0xa6: {  	v27 =	vmax.f32 v28, v29;
	vm5 =	vmor vm4, vm3;
	v14 =	vld [tilespmem:s12+$0x64B0];
	[tilespmem:s1+$0x6470] =	vst v24  }
0xa7: {  	v23 =	vmul.f32 v26, v23;
	v13 =	vmul.f32 v27, v13;
	v15 =	vld [tilespmem:s12+$0x6480];
	[tilespmem:s1+$0x6460] =	vst v11  }
0xa8: {  	v12 =	vmul.f32 v27, v12;
	v11 =	vld [tilespmem:s12+$0x6460];
	vm3 =	vlt.f32 v10, v7;
	vm4 =	vgt.f32 v10, v7;
	[tilespmem:s1+$0x6450] =	vst v16  }
0xa9: {  	v20 =	vmul.f32 v27, v20;
	v24 =	vmul.f32 v27, v25;
	v16 =	vld [tilespmem:s12+$0x6450];
	vm4 =	vmor vm4, vm3;
	[tilespmem:s1+$0x6400] =	vst v13  }
0xaa: {  	v13 =	vld [tilespmem:s12+$0x6400];
	vm7 =	vgt.f32 v17, v8;
	[tilespmem:s1+$0x6410] =	vst v12  }
0xab: {  	vm8 =	vgt.f32 v22, v7;
	v12 =	vld [tilespmem:s12+$0x6410];
	vm3 =	vlt.f32 v14, v9;
	vm6 =	vgt.f32 v14, v9;
	[tilespmem:s1+$0x6440] =	vst v23  }
0xac: {  	vm9 =	vlt.f32 v17, v8;
	vm3 =	vmor vm6, vm3;
	vm6 =	vlt.f32 v22, v7;
	[tilespmem:s1+$0x6430] =	vst v24  }
0xad: {  	vm10 =	vlt.f32 v15, v6;
	vm11 =	vgt.f32 v15, v6;
	v24 =	vld [tilespmem:s12+$0x6470];
	vm6 =	vmor vm8, vm6;
	[tilespmem:s1+$0x6420] =	vst v20;
	s1 =	smov.u32 s12  }
0xae: {  	vm10 =	vmor vm11, vm10;
	v20 =	vld [tilespmem:s1+$0x6420];
	vm8 =	vlt.f32 v16, v7;
	vm11 =	vmor vm1, vm6  }
0xaf: {  	vm12 =	vlt.f32 v11, v8;
	vm1 =	vmor vm7, vm9;
	vm6 =	vlt.f32 v13, v6;
	v23 =	vld [tilespmem:s1+$0x6440]  }
0xb0: {  	vm9 =	vgt.f32 v16, v7;
	vm5 =	vmor vm11, vm5;
	vm7 =	vlt.f32 v12, v7  }
0xb1: {  	vm8 =	vmor vm9, vm8;
	vm11 =	vgt.f32 v12, v7;
	vm2 =	vmor vm5, vm2  }
0xb2: {  	vm5 =	vgt.f32 v13, v6;
	vm7 =	vmor vm11, vm7;
	v25 =	vsel vm2, $0x3F800000, v1  }
0xb3: {  	vm9 =	vgt.f32 v24, v9;
	v26 =	vperm.xlane v25, v2;
	vm2 =	vgt.f32 v20, v8  }
0xb4: {  	vm4 =	vmor vm10, vm4;
	vm11 =	vlt.f32 v23, v6;
	vm13 =	vgt.f32 v23, v6  }
0xb5: {  	vm14 =	vgt.f32 v11, v8;
	vm10 =	vlt.f32 v20, v8;
	v26 =	vmax.f32 v25, v26  }
0xb6: {  	vm12 =	vmor vm14, vm12;
	vm14 =	vlt.f32 v24, v9;
	v27 =	vperm.xlane v26, v3  }
0xb7: {  	vm5 =	vmor vm5, vm6;
	vm9 =	vmor vm9, vm14;
	vm6 =	vmor vm13, vm11  }
.Ltmp6:
0xb8: {  	vm2 =	vmor vm2, vm10;
	vm6 =	vmor vm6, vm8;
	v27 =	vmax.f32 v26, v27;
	v25 =	vld [tilespmem:s1+$0x6430];
	(pc) =	sbr.rel @p0 .LBB2_6-.Ltmp6, $4  }
0xb9: {  	vm1 =	vmor vm4, vm1;
	vm6 =	vmor vm6, vm12;
	v29 =	vperm.xlane v27, v4  }
0xba: {  	vm1 =	vmor vm1, vm3;
	vm4 =	vmor vm5, vm7;
	vm5 =	vmor vm6, vm9  }
0xbb: {  	v28 =	vsel vm1, $0x3F800000, v1;
	v26 =	vsel vm5, $0x3F800000, v1;
	v27 =	vmax.f32 v27, v29  }
0xbc: {  	vm1 =	vmor vm4, vm2;
	v30 =	vperm.xlane v26, v2;
	v29 =	vperm.xlane v27, v5  }
0xbd: {  	v31 =	vperm.xlane v28, v2  }
0xbe: {  	vm2 =	vlt.f32 v25, v9;
	v26 =	vmax.f32 v26, v30  }
0xbf: {  	vm3 =	vgt.f32 v25, v9;
	v28 =	vmax.f32 v28, v31;
	v50 =	vperm.xlane v26, v3  }
0xc0: {  	vm2 =	vmor vm3, vm2;
	v27 =	vmax.f32 v27, v29;
	v31 =	vperm.xlane v28, v3  }
0xc1: {  	vm1 =	vmor vm1, vm2;
	v19 =	vmul.f32 v27, v19;
	v26 =	vmax.f32 v26, v50  }
0xc2: {  	v32 =	vsel vm1, $0x3F800000, v1;
	v28 =	vmax.f32 v28, v31;
	v53 =	vperm.xlane v26, v4  }
0xc3: {  	v47 =	vperm.xlane v32, v2;
	v48 =	vperm.xlane v28, v4  }
0xc4: {  	v21 =	vmul.f32 v27, v21;
	v18 =	vmul.f32 v27, v18;
	v57 =	vmax.f32 v26, v53  }
0xc5: {  	v49 =	vmax.f32 v32, v47;
	v28 =	vmax.f32 v28, v48;
	v59 =	vperm.xlane v57, v5  }
0xc6: {  	[tilespmem:s1+$0x64C0] =	vst v19;
	v51 =	vperm.xlane v49, v3;
	v52 =	vperm.xlane v28, v5  }
0xc7: {  	v54 =	vmul.f32 v27, v22;
	[tilespmem:s1+$0x64F0] =	vst v18;
	v18 =	vmax.f32 v57, v59  }
0xc8: {  	[tilespmem:s1+$0x64E0] =	vst v21;
	v55 =	vmax.f32 v49, v51;
	v56 =	vmax.f32 v28, v52;
	v62 =	vmul.f32 v18, v24  }
0xc9: {  	[tilespmem:s1+$0x64D0] =	vst v54;
	v58 =	vperm.xlane v55, v4;
	v10 =	vmul.f32 v56, v10  }
0xca: {  	v17 =	vmul.f32 v56, v17;
	[tilespmem:s1+$0x6470] =	vst v62  }
0xcb: {  	v60 =	vmax.f32 v55, v58;
	[tilespmem:s1+$0x6490] =	vst v10;
	v10 =	vmul.f32 v56, v14  }
0xcc: {  	v15 =	vmul.f32 v56, v15;
	v61 =	vperm.xlane v60, v5;
	[tilespmem:s1+$0x64A0] =	vst v17  }
0xcd: {  	[tilespmem:s1+$0x64B0] =	vst v10;
	v10 =	vmul.f32 v18, v11  }
0xce: {  	[tilespmem:s1+$0x6480] =	vst v15;
	v14 =	vmax.f32 v60, v61;
	v11 =	vmul.f32 v18, v16  }
0xcf: {  	v13 =	vmul.f32 v14, v13;
	[tilespmem:s1+$0x6460] =	vst v10  }
0xd0: {  	v63 =	vmul.f32 v14, v25;
	[tilespmem:s1+$0x6450] =	vst v11  }
0xd1: {  	v10 =	vmul.f32 v14, v12;
	[tilespmem:s1+$0x6400] =	vst v13  }
0xd2: {  	v11 =	vmul.f32 v18, v23;
	[tilespmem:s1+$0x6430] =	vst v63  }
0xd3: {  	[tilespmem:s1+$0x6410] =	vst v10;
	v10 =	vmul.f32 v14, v20  }
0xd4: {  	[tilespmem:s1+$0x6440] =	vst v11  }
0xd5: {  	[tilespmem:s1+$0x6420] =	vst v10  }
.LBB2_8:
0xd6: {  	s1 =	smul.u32 $0x500, s31;
	_ =	sdelay $0x1  }
0xd7: {  	s1 =	sadd.s32 s5, s1  }
0xd8: {  	s1 =	sshll.u32 s1, $0x4  }
0xd9: {  	s1 =	sadd.s32 s4, s1  }
0xda: {  	[hbm4b:s1+s25] =	stream.strided.scatter [tilespmem:s11], [sflag:$0x3], $0xA000, s10, s25, $0x38;
	[tilespmem:$0x1A440] =	vst v63  }
0xdb: {  	_ =	swait.ge [sflag:s26], $0x2000  }
0xdc: {  	[sflag:s26] =	ssyncset.done $0x0  }
0xdd: {  	[sflag:s26] =	ssyncadd.s32 $0xFFFFE000  }
0xde: {  	_ =	swait.ge [sflag:s26], $0x2000  }
0xdf: {  	[sflag:s26] =	ssyncset.done $0x0  }
0xe0: {  	[sflag:s26] =	ssyncadd.s32 $0xFFFFE000  }
0xe1: {  	_ =	swait.ge [sflag:s26], $0x2000  }
0xe2: {  	[sflag:s26] =	ssyncset.done $0x0  }
0xe3: {  	[sflag:s26] =	ssyncadd.s32 $0xFFFFE000  }
0xe4: {  	_ =	swait.ge [sflag:s26], $0x2000  }
0xe5: {  	[sflag:s26] =	ssyncset.done $0x0  }
0xe6: {  	[sflag:s26] =	ssyncadd.s32 $0xFFFFE000  }
0xe7: {  	_ =	swait.ge [sflag:s26], $0x2000  }
0xe8: {  	p0 =	seq.s32 s31, $0x13;
	[sflag:s26] =	ssyncset.done $0x0  }
0xe9: {  	s1 =	simm.s32 @!p0 $0x3;
	[sflag:s26] =	ssyncadd.s32 $0xFFFFE000  }
0xea: {  	s6 =	smul.u32 @!p0 $0x1400, s31;
	_ =	swait.ge @!p0 [sflag:s1], $0xA000  }
0xeb: {  	[sflag:s1] =	ssyncset.done @!p0 $0x0  }
0xec: {  	[sflag:s1] =	ssyncadd.s32 @!p0 $0xFFFF6000;
	s1 =	sshra.s32 @!p0 s6, $0x2  }
0xed: {  	s12 =	simm.s32 @!p0 $0x80;
	s13 =	simm.s32 @!p0 $0x6400;
	s6 =	sadd.s32 @!p0 $0x500, s1  }
0xee: {  	[tilespmem:s13], [sflag:$0x1] =	stream.indirect.gather @!p0 [hbm4b:s3+s12], $0x40, s6, s12, $0xb8;
	[tilespmem:$0x1A440] =	vst v63  }
0xef: {  	s6 =	sadd.s32 @!p0 $0x580, s1;
	s13 =	simm.s32 @!p0 $0x8400  }
0xf0: {  	[tilespmem:s13], [sflag:$0x1] =	stream.indirect.gather @!p0 [hbm4b:s3+s12], $0x40, s6, s12, $0xb8;
	[tilespmem:$0x1A440] =	vst v63  }
0xf1: {  	s6 =	sadd.s32 @!p0 $0x600, s1;
	s13 =	simm.s32 @!p0 $0xA400  }
0xf2: {  	[tilespmem:s13], [sflag:$0x1] =	stream.indirect.gather @!p0 [hbm4b:s3+s12], $0x40, s6, s12, $0xb8;
	[tilespmem:$0x1A440] =	vst v63  }
0xf3: {  	s6 =	sadd.s32 @!p0 $0x680, s1;
	s13 =	simm.s32 @!p0 $0xC400  }
0xf4: {  	[tilespmem:s13], [sflag:$0x1] =	stream.indirect.gather @!p0 [hbm4b:s3+s12], $0x40, s6, s12, $0xb8;
	[tilespmem:$0x1A440] =	vst v63  }
0xf5: {  	s1 =	sadd.s32 @!p0 $0x700, s1;
	s6 =	simm.s32 @!p0 $0xE400;
	s13 =	simm.s32 $0x0  }
0xf6: {  	[tilespmem:s6], [sflag:$0x1] =	stream.indirect.gather @!p0 [hbm4b:s3+s12], $0x40, s1, s12, $0xb8;
	[tilespmem:$0x1A440] =	vst v63  }
0xf7: {  	v10 =	vld [tilespmem:s13+$0x10400]  }
0xf8: {  	v11 =	vld [tilespmem:s13+$0x10440]  }
0xf9: {  	v14 =	vld [tilespmem:s13+$0x10480]  }
0xfa: {  	v15 =	vld [tilespmem:s13+$0x104C0]  }
0xfb: {  	v13 =	vld [tilespmem:s13+$0x10500]  }
0xfc: {  	v12 =	vld [tilespmem:s13+$0x10540]  }
0xfd: {  	vm1 =	veq.f32 v10, v6;
	vm2 =	veq.f32 v11, v6;
	v10 =	vld [tilespmem:s13+$0x10580]  }
0xfe: {  	s1 =	simm.s32 $0x200;
	v11 =	vld [tilespmem:s13+$0x105C0];
	vm1 =	vmor vm1, vm2;
	vm2 =	veq.f32 v14, v6  }
0xff: {  	s6 =	simm.s32 $0x1000;
	vm3 =	veq.f32 v15, v6;
	v14 =	vld [tilespmem:s1+$0x10400];
	vm2 =	vmor vm1, vm2;
	vm1 =	vmmov vm0  }
.LBB2_9:
0x100: {  	p0 =	sne.s32 s6, $0x27800;
	v15 =	vld [tilespmem:s1+$0x10440];
	vm2 =	vmor vm2, vm3;
	vm3 =	veq.f32 v13, v6  }
0x101: {  	v16 =	vld [tilespmem:s1+$0x10480];
	vm2 =	vmor vm2, vm3;
	vm3 =	veq.f32 v12, v6  }
0x102: {  	v17 =	vld [tilespmem:s1+$0x104C0];
	vm2 =	vmor vm2, vm3;
	vm3 =	veq.f32 v10, v6  }
.Ltmp7:
0x103: {  	v13 =	vld [tilespmem:s1+$0x10500];
	vm2 =	vmor vm2, vm3;
	vm3 =	veq.f32 v11, v6;
	(pc) =	sbr.rel @p0 .LBB2_9-.Ltmp7, $4  }
0x104: {  	v12 =	vld [tilespmem:s1+$0x10540];
	vm2 =	vmor vm2, vm3  }
0x105: {  	vm3 =	veq.f32 v14, v6;
	vm4 =	veq.f32 v15, v6;
	v10 =	vld [tilespmem:s1+$0x10580];
	vm1 =	vmor vm1, vm2  }
0x106: {  	vm2 =	vmor vm3, vm4;
	vm3 =	veq.f32 v16, v6;
	v11 =	vld [tilespmem:s1+$0x105C0];
	s1 =	sshra.s32 s6, $0x2  }
0x107: {  	s6 =	sadd.s32 $0x800, s6;
	v14 =	vld [tilespmem:s1+$0x10400];
	vm2 =	vmor vm2, vm3;
	vm3 =	veq.f32 v17, v6  }
0x108: {  	v15 =	vld [tilespmem:s1+$0x10440]  }
0x109: {  	v16 =	vld [tilespmem:s1+$0x10480]  }
0x10a: {  	v17 =	vld [tilespmem:s1+$0x104C0]  }
0x10b: {  	v18 =	vld [tilespmem:s1+$0x10500]  }
0x10c: {  	vm2 =	vmor vm2, vm3;
	vm3 =	veq.f32 v13, v6;
	v61 =	vld [tilespmem:s1+$0x10540]  }
0x10d: {  	v62 =	vld [tilespmem:s1+$0x10580];
	vm2 =	vmor vm2, vm3;
	vm4 =	veq.f32 v14, v6;
	vm3 =	veq.f32 v15, v6  }
0x10e: {  	v63 =	vld [tilespmem:s1+$0x105C0];
	vm5 =	veq.f32 v12, v6;
	vm8 =	veq.f32 v16, v6;
	vm3 =	vmor vm4, vm3  }
0x10f: {  	vm2 =	vmor vm2, vm5;
	vm9 =	veq.f32 v17, v6;
	vm3 =	vmor vm3, vm8  }
0x110: {  	vm10 =	veq.f32 v10, v6;
	vm11 =	veq.f32 v18, v6;
	vm3 =	vmor vm3, vm9  }
0x111: {  	vm2 =	vmor vm2, vm10;
	vm12 =	veq.f32 v61, v6;
	vm3 =	vmor vm3, vm11  }
0x112: {  	vm13 =	veq.f32 v11, v6;
	vm14 =	veq.f32 v62, v6;
	vm3 =	vmor vm3, vm12  }
0x113: {  	vm2 =	vmor vm2, vm13;
	vm15 =	veq.f32 v63, v6;
	vm3 =	vmor vm3, vm14  }
0x114: {  	vm1 =	vmor vm1, vm2;
	vm2 =	vmor vm3, vm15  }
0x115: {  	vm1 =	vmor vm1, vm2  }
0x116: {  	v10 =	vsel vm1, $0x3F800000, v0  }
0x117: {  	(xrf0) =	vmax.scan.msk.f32 $0xffff, v10;
	_ =	sdelay $0x5  }
0x118: {  	v10, _, _ =	vpop (xrf0)  }
0x119: {  	(v2sf) =	vpush v10, $0xF;
	_ =	sdelay $0xe  }
0x11a: {  	s13 =	spop (v2sf)  }
0x11b: {  	p0 =	sgt.f32 s13, $0.0e+00  }
.Ltmp8:
0x11c: {  	_ = 	snop;
	(pc) =	sbr.rel @!p0 .LBB2_14-.Ltmp8, $1  }
0x11d: {  	_ =	sdelay $0x3  }
0x11e: {  	s1 =	simm.s32 $0x0  }
0x11f: {  	v19 =	vld [tilespmem:s1+$0x104C0]  }
0x120: {  	v18 =	vld [tilespmem:s1+$0x104F0]  }
0x121: {  	v10 =	vld [tilespmem:s1+$0x10490]  }
0x122: {  	v22 =	vld [tilespmem:s1+$0x104D0]  }
0x123: {  	v17 =	vld [tilespmem:s1+$0x104A0]  }
0x124: {  	v14 =	vld [tilespmem:s1+$0x104B0]  }
0x125: {  	v21 =	vld [tilespmem:s1+$0x104E0]  }
0x126: {  	vm1 =	vgt.f32 v19, v6  }
0x127: {  	v15 =	vld [tilespmem:s1+$0x10480];
	vm2 =	vlt.f32 v19, v6;
	vm4 =	vlt.f32 v18, v9;
	vm5 =	vgt.f32 v18, v9  }
0x128: {  	v12 =	vld [tilespmem:s1+$0x10410];
	vm11 =	vlt.f32 v10, v7;
	vm6 =	vgt.f32 v10, v7;
	vm12 =	vgt.f32 v17, v8  }
0x129: {  	vm13 =	vgt.f32 v14, v9;
	vm8 =	vgt.f32 v22, v7;
	vm14 =	vlt.f32 v22, v7  }
0x12a: {  	v16 =	vld [tilespmem:s1+$0x10450];
	vm3 =	vmor vm1, vm2;
	vm1 =	vlt.f32 v21, v8;
	vm2 =	vgt.f32 v21, v8  }
0x12b: {  	vm7 =	vmor vm2, vm1;
	vm2 =	vmor vm6, vm11;
	vm6 =	vmor vm8, vm14  }
0x12c: {  	v11 =	vld [tilespmem:s1+$0x10460];
	vm9 =	vlt.f32 v17, v8;
	vm10 =	vlt.f32 v15, v6;
	vm3 =	vmor vm3, vm6  }
0x12d: {  	v13 =	vld [tilespmem:s1+$0x10400];
	vm15 =	vgt.f32 v12, v7;
	vm4 =	vmor vm5, vm4;
	vm3 =	vmor vm3, vm7  }
0x12e: {  	v23 =	vld [tilespmem:s1+$0x10440];
	vm5 =	vmor vm12, vm9;
	vm9 =	vlt.f32 v12, v7;
	vm3 =	vmor vm3, vm4  }
0x12f: {  	v24 =	vld [tilespmem:s1+$0x10470];
	vm12 =	vgt.f32 v16, v7;
	vm1 =	vlt.f32 v14, v9;
	v25 =	vsel vm3, $0x3F800000, v1  }
0x130: {  	v20 =	vld [tilespmem:s1+$0x10420];
	vm11 =	vgt.f32 v15, v6;
	vm8 =	vlt.f32 v16, v7;
	v26 =	vperm.xlane v25, v2  }
0x131: {  	vm14 =	vgt.f32 v11, v8;
	vm1 =	vmor vm13, vm1;
	vm10 =	vmor vm11, vm10  }
0x132: {  	vm6 =	vlt.f32 v13, v6;
	vm11 =	vlt.f32 v11, v8;
	v25 =	vmax.f32 v25, v26  }
0x133: {  	vm8 =	vmor vm12, vm8;
	vm12 =	vlt.f32 v23, v6;
	v26 =	vperm.xlane v25, v3  }
0x134: {  	vm13 =	vgt.f32 v23, v6;
	vm7 =	vmor vm15, vm9;
	vm9 =	vgt.f32 v24, v9  }
0x135: {  	vm2 =	vmor vm10, vm2;
	vm10 =	vlt.f32 v20, v8;
	v25 =	vmax.f32 v25, v26  }
0x136: {  	vm11 =	vmor vm14, vm11;
	vm14 =	vlt.f32 v24, v9;
	v27 =	vperm.xlane v25, v4  }
0x137: {  	vm13 =	vmor vm13, vm12;
	vm4 =	vgt.f32 v13, v6;
	vm9 =	vmor vm9, vm14  }
0x138: {  	vm4 =	vmor vm4, vm6;
	vm6 =	vmor vm13, vm8;
	v27 =	vmax.f32 v25, v27;
	v25 =	vld [tilespmem:s1+$0x10430]  }
0x139: {  	vm2 =	vmor vm2, vm5;
	vm3 =	vgt.f32 v20, v8;
	vm6 =	vmor vm6, vm11  }
0x13a: {  	vm1 =	vmor vm2, vm1;
	vm3 =	vmor vm3, vm10;
	vm15 =	vmor vm6, vm9  }
0x13b: {  	vm4 =	vmor vm4, vm7;
	v28 =	vsel vm1, $0x3F800000, v1;
	v26 =	vsel vm15, $0x3F800000, v1  }
0x13c: {  	s6 =	simm.s32 $0x400;
	vm1 =	vmor vm4, vm3;
	v30 =	vperm.xlane v26, v2;
	v29 =	vperm.xlane v27, v5  }
.LBB2_12:
0x13d: {  	s12 =	sshra.s32 s6, $0x2;
	p0 =	sne.s32 s6, $0x27C00;
	s6 =	sadd.s32 $0x400, s6;
	vm2 =	vlt.f32 v25, v9;
	vm3 =	vgt.f32 v25, v9;
	v31 =	vperm.xlane v28, v2  }
0x13e: {  	vm2 =	vmor vm3, vm2;
	v26 =	vmax.f32 v26, v30;
	v27 =	vmax.f32 v27, v29  }
0x13f: {  	v29 =	vperm.xlane v26, v3;
	v28 =	vmax.f32 v28, v31;
	v19 =	vmul.f32 v27, v19  }
0x140: {  	vm1 =	vmor vm1, vm2;
	v21 =	vmul.f32 v27, v21;
	v30 =	vperm.xlane v28, v3  }
0x141: {  	v31 =	vsel vm1, $0x3F800000, v1;
	v26 =	vmax.f32 v26, v29  }
0x142: {  	v18 =	vmul.f32 v27, v18;
	v29 =	vperm.xlane v31, v2;
	v28 =	vmax.f32 v28, v30;
	[tilespmem:s1+$0x104C0] =	vst v19  }
0x143: {  	v19 =	vld [tilespmem:s12+$0x104C0];
	v30 =	vperm.xlane v28, v4;
	[tilespmem:s1+$0x104E0] =	vst v21  }
0x144: {  	v29 =	vmax.f32 v31, v29;
	v31 =	vperm.xlane v26, v4;
	[tilespmem:s1+$0x104F0] =	vst v18  }
0x145: {  	v22 =	vmul.f32 v27, v22;
	v32 =	vperm.xlane v29, v3;
	v28 =	vmax.f32 v28, v30  }
0x146: {  	v26 =	vmax.f32 v26, v31;
	v21 =	vld [tilespmem:s12+$0x104E0];
	v27 =	vperm.xlane v28, v5  }
0x147: {  	v29 =	vmax.f32 v29, v32;
	v18 =	vld [tilespmem:s12+$0x104F0];
	[tilespmem:s1+$0x104D0] =	vst v22  }
0x148: {  	v22 =	vperm.xlane v29, v4;
	vm1 =	vgt.f32 v19, v6;
	v27 =	vmax.f32 v28, v27  }
0x149: {  	vm2 =	vlt.f32 v19, v6;
	v10 =	vmul.f32 v27, v10;
	v17 =	vmul.f32 v27, v17  }
0x14a: {  	vm1 =	vmor vm1, vm2;
	v28 =	vmax.f32 v29, v22;
	v22 =	vperm.xlane v26, v5  }
0x14b: {  	v14 =	vmul.f32 v27, v14;
	v29 =	vperm.xlane v28, v5;
	vm3 =	vlt.f32 v21, v8;
	[tilespmem:s1+$0x10490] =	vst v10  }
0x14c: {  	v15 =	vmul.f32 v27, v15;
	vm4 =	vgt.f32 v21, v8;
	v26 =	vmax.f32 v26, v22;
	v10 =	vld [tilespmem:s12+$0x10490];
	[tilespmem:s1+$0x104A0] =	vst v17  }
0x14d: {  	vm2 =	vlt.f32 v18, v9;
	vm5 =	vgt.f32 v18, v9;
	v24 =	vmul.f32 v26, v24;
	v22 =	vld [tilespmem:s12+$0x104D0];
	[tilespmem:s1+$0x104B0] =	vst v14  }
0x14e: {  	v16 =	vmul.f32 v26, v16;
	v11 =	vmul.f32 v26, v11;
	vm2 =	vmor vm5, vm2;
	v17 =	vld [tilespmem:s12+$0x104A0];
	[tilespmem:s1+$0x10480] =	vst v15  }
0x14f: {  	v27 =	vmax.f32 v28, v29;
	vm5 =	vmor vm4, vm3;
	v14 =	vld [tilespmem:s12+$0x104B0];
	[tilespmem:s1+$0x10470] =	vst v24  }
0x150: {  	v23 =	vmul.f32 v26, v23;
	v13 =	vmul.f32 v27, v13;
	v15 =	vld [tilespmem:s12+$0x10480];
	[tilespmem:s1+$0x10460] =	vst v11  }
0x151: {  	v12 =	vmul.f32 v27, v12;
	v11 =	vld [tilespmem:s12+$0x10460];
	vm3 =	vlt.f32 v10, v7;
	vm4 =	vgt.f32 v10, v7;
	[tilespmem:s1+$0x10450] =	vst v16  }
0x152: {  	v20 =	vmul.f32 v27, v20;
	v24 =	vmul.f32 v27, v25;
	v16 =	vld [tilespmem:s12+$0x10450];
	vm4 =	vmor vm4, vm3;
	[tilespmem:s1+$0x10400] =	vst v13  }
0x153: {  	v13 =	vld [tilespmem:s12+$0x10400];
	vm7 =	vgt.f32 v17, v8;
	[tilespmem:s1+$0x10410] =	vst v12  }
0x154: {  	vm8 =	vgt.f32 v22, v7;
	v12 =	vld [tilespmem:s12+$0x10410];
	vm3 =	vlt.f32 v14, v9;
	vm6 =	vgt.f32 v14, v9;
	[tilespmem:s1+$0x10440] =	vst v23  }
0x155: {  	vm9 =	vlt.f32 v17, v8;
	vm3 =	vmor vm6, vm3;
	vm6 =	vlt.f32 v22, v7;
	[tilespmem:s1+$0x10430] =	vst v24  }
0x156: {  	vm10 =	vlt.f32 v15, v6;
	vm11 =	vgt.f32 v15, v6;
	v24 =	vld [tilespmem:s12+$0x10470];
	vm6 =	vmor vm8, vm6;
	[tilespmem:s1+$0x10420] =	vst v20;
	s1 =	smov.u32 s12  }
0x157: {  	vm10 =	vmor vm11, vm10;
	v20 =	vld [tilespmem:s1+$0x10420];
	vm8 =	vlt.f32 v16, v7;
	vm11 =	vmor vm1, vm6  }
0x158: {  	vm12 =	vlt.f32 v11, v8;
	vm1 =	vmor vm7, vm9;
	vm6 =	vlt.f32 v13, v6;
	v23 =	vld [tilespmem:s1+$0x10440]  }
0x159: {  	vm9 =	vgt.f32 v16, v7;
	vm5 =	vmor vm11, vm5;
	vm7 =	vlt.f32 v12, v7  }
0x15a: {  	vm8 =	vmor vm9, vm8;
	vm11 =	vgt.f32 v12, v7;
	vm2 =	vmor vm5, vm2  }
0x15b: {  	vm5 =	vgt.f32 v13, v6;
	vm7 =	vmor vm11, vm7;
	v25 =	vsel vm2, $0x3F800000, v1  }
0x15c: {  	vm9 =	vgt.f32 v24, v9;
	v26 =	vperm.xlane v25, v2;
	vm2 =	vgt.f32 v20, v8  }
0x15d: {  	vm4 =	vmor vm10, vm4;
	vm11 =	vlt.f32 v23, v6;
	vm13 =	vgt.f32 v23, v6  }
0x15e: {  	vm14 =	vgt.f32 v11, v8;
	vm10 =	vlt.f32 v20, v8;
	v26 =	vmax.f32 v25, v26  }
0x15f: {  	vm12 =	vmor vm14, vm12;
	vm14 =	vlt.f32 v24, v9;
	v27 =	vperm.xlane v26, v3  }
0x160: {  	vm5 =	vmor vm5, vm6;
	vm9 =	vmor vm9, vm14;
	vm6 =	vmor vm13, vm11  }
.Ltmp9:
0x161: {  	vm2 =	vmor vm2, vm10;
	vm6 =	vmor vm6, vm8;
	v27 =	vmax.f32 v26, v27;
	v25 =	vld [tilespmem:s1+$0x10430];
	(pc) =	sbr.rel @p0 .LBB2_12-.Ltmp9, $4  }
0x162: {  	vm1 =	vmor vm4, vm1;
	vm6 =	vmor vm6, vm12;
	v29 =	vperm.xlane v27, v4  }
0x163: {  	vm1 =	vmor vm1, vm3;
	vm4 =	vmor vm5, vm7;
	vm5 =	vmor vm6, vm9  }
0x164: {  	v28 =	vsel vm1, $0x3F800000, v1;
	v26 =	vsel vm5, $0x3F800000, v1;
	v27 =	vmax.f32 v27, v29  }
0x165: {  	vm1 =	vmor vm4, vm2;
	v30 =	vperm.xlane v26, v2;
	v29 =	vperm.xlane v27, v5  }
0x166: {  	v31 =	vperm.xlane v28, v2  }
0x167: {  	vm2 =	vlt.f32 v25, v9;
	v26 =	vmax.f32 v26, v30  }
0x168: {  	vm3 =	vgt.f32 v25, v9;
	v28 =	vmax.f32 v28, v31;
	v50 =	vperm.xlane v26, v3  }
0x169: {  	vm2 =	vmor vm3, vm2;
	v27 =	vmax.f32 v27, v29;
	v31 =	vperm.xlane v28, v3  }
0x16a: {  	vm1 =	vmor vm1, vm2;
	v19 =	vmul.f32 v27, v19;
	v26 =	vmax.f32 v26, v50  }
0x16b: {  	v32 =	vsel vm1, $0x3F800000, v1;
	v28 =	vmax.f32 v28, v31;
	v53 =	vperm.xlane v26, v4  }
0x16c: {  	v47 =	vperm.xlane v32, v2;
	v48 =	vperm.xlane v28, v4  }
0x16d: {  	v21 =	vmul.f32 v27, v21;
	v18 =	vmul.f32 v27, v18;
	v57 =	vmax.f32 v26, v53  }
0x16e: {  	v49 =	vmax.f32 v32, v47;
	v28 =	vmax.f32 v28, v48;
	v59 =	vperm.xlane v57, v5  }
0x16f: {  	[tilespmem:s1+$0x104C0] =	vst v19;
	v51 =	vperm.xlane v49, v3;
	v52 =	vperm.xlane v28, v5  }
0x170: {  	v54 =	vmul.f32 v27, v22;
	[tilespmem:s1+$0x104F0] =	vst v18;
	v18 =	vmax.f32 v57, v59  }
0x171: {  	[tilespmem:s1+$0x104E0] =	vst v21;
	v55 =	vmax.f32 v49, v51;
	v56 =	vmax.f32 v28, v52;
	v62 =	vmul.f32 v18, v24  }
0x172: {  	[tilespmem:s1+$0x104D0] =	vst v54;
	v58 =	vperm.xlane v55, v4;
	v10 =	vmul.f32 v56, v10  }
0x173: {  	v17 =	vmul.f32 v56, v17;
	[tilespmem:s1+$0x10470] =	vst v62  }
0x174: {  	v60 =	vmax.f32 v55, v58;
	[tilespmem:s1+$0x10490] =	vst v10;
	v10 =	vmul.f32 v56, v14  }
0x175: {  	v15 =	vmul.f32 v56, v15;
	v61 =	vperm.xlane v60, v5;
	[tilespmem:s1+$0x104A0] =	vst v17  }
0x176: {  	[tilespmem:s1+$0x104B0] =	vst v10;
	v10 =	vmul.f32 v18, v11  }
0x177: {  	[tilespmem:s1+$0x10480] =	vst v15;
	v14 =	vmax.f32 v60, v61;
	v11 =	vmul.f32 v18, v16  }
0x178: {  	v13 =	vmul.f32 v14, v13;
	[tilespmem:s1+$0x10460] =	vst v10  }
0x179: {  	v63 =	vmul.f32 v14, v25;
	[tilespmem:s1+$0x10450] =	vst v11  }
.Ltmp10:
0x17a: {  	v10 =	vmul.f32 v14, v12;
	[tilespmem:s1+$0x10400] =	vst v13;
	(pc) =	sbr.rel .LBB2_14-.Ltmp10, $4  }
0x17b: {  	v11 =	vmul.f32 v18, v23;
	[tilespmem:s1+$0x10430] =	vst v63  }
0x17c: {  	[tilespmem:s1+$0x10410] =	vst v10;
	v10 =	vmul.f32 v14, v20  }
0x17d: {  	[tilespmem:s1+$0x10440] =	vst v11  }
0x17e: {  	[tilespmem:s1+$0x10420] =	vst v10  }
.LBB2_16:
0x17f: {  	_ =	sfence.sel $0x180000  }
0x180: {  	[bflag:$0x0] =	sbarrier.arrive $0xFFFF  }
0x181: {  	_ =	strace $0x90000047  }
0x182: {  	s0 =	stileid.u32;
	[bflag:$0x2] =	sbarrier.arrive $0xFFFF  }
0x183: {  	p0 =	sne.s32 s0, $0x0;
	s0 =	rddreg [dreg:$0x2]  }
0x184: {  	s0 =	sadd.s32 @!p0 $0x100000, s0  }
0x185: {  	[sflag:s0] =	ssyncadd.tile.s32 @!p0 $0x1;
	_ =	shalt  }
.Lfunc_end2:
_tile_overlayer_lowered:
.L_overlay_start_2:
0x186: {  	(tag) =	ssettag $0x2  }
0x187: {  	s0 =	rddreg [dreg:$0x0];
	s2 =	stileid.u32  }
0x188: {  	s1 =	rddreg [dreg:$0x1];
	p0 =	sne.s32 s2, $0x0  }
0x189: {  	s3 =	rddreg [dreg:$0x2];
	[bflag:$0x3] =	sbarrier.arrive $0xFFFF;
	s2 =	simm.s32 @!p0 $0x1C05  }
0x18a: {  	[timem:s3], [sflag:s2] =	dma.local @!p0 [hbm:s0], s1  }
0x18b: {  	s0 =	simm.s32 @!p0 $0x5  }
0x18c: {  	_ =	swait.ge @!p0 [sflag:s0], s1  }
0x18d: {  	s1 =	ssub.s32 @!p0 $0x0, s1;
	[sflag:s0] =	ssyncset.done @!p0 $0x0  }
0x18e: {  	[sflag:s0] =	ssyncadd.s32 @!p0 s1  }
0x18f: {  	[bflag:$0x3] =	sbarrier.arrive $0xFFFF  }
0x190: {  	_ =	shalt  }

// kernel: sparse-core-data-format-call.cloned.1.call-start
scs
called_computation_lowered:
.L_overlay_start_0:
0x0: {  	s2 =	sld [smem:$0x3FD9]  }
0x1: {  	s3 =	sld [smem:$0x3FFE];
	_ =	sdelay $0x1  }
0x2: {  	s1 =	srdreg.scid  }
0x3: {  	s0 =	sand.u32 $0x1, s1  }
0x4: {  	s18 =	sshll.u32 s0, $0xA;
	s2 =	sadd.s32 s3, s2  }
0x5: {  	s2 =	sadd.s32 s2, s18  }
0x6: {  	[smem:$0x3FC6] =	sst s2  }
0x7: {  	_ = 	snop  }
0x8: {  	s2 =	sld [smem:$0x3FD0];
	(tm) =	ssettm $0x1  }
0x9: {  	s19 =	sld [smem:$0x3FFB];
	_ =	sdelay $0x3  }
0xa: {  	_ =	strace s19  }
0xb: {  	s3 =	sld [smem:$0x3FFC];
	_ =	sdelay $0x3  }
0xc: {  	_ =	strace s3  }
0xd: {  	s3 =	sld [smem:$0x3FFD];
	_ =	sdelay $0x3  }
0xe: {  	_ =	strace s3  }
0xf: {  	_ =	strace $0x8FFFFFFF  }
0x10: {  	s20 =	sld [smem:$0x3FDB];
	_ =	sdelay $0x1  }
0x11: {  	s4 =	simm.s32 $_scs_section_size  }
0x12: {  	s5 =	simm.s32 $_size__tile_overlayer_lowered;
	s6 =	simm.s32 $_tile_overlayer_lowered  }
0x13: {  	s23 =	simm.s32 $0x1BFF;
	s22 =	sshll.u32 s6, $0x1;
	s3 =	sadd.s32 s4, s20  }
0x14: {  	s7 =	simm.s32 $0x0;
	s21 =	sshll.u32 s5, $0x1;
	s5 =	sadd.s32 s22, s3  }
0x15: {  	[timem:s7], [sflag:s23] =	dma.local [hbm:s5], s21  }
0x16: {  	_ =	swait.ge [sflag:s23], s21  }
0x17: {  	s4 =	ssub.s32 $0x0, s21;
	[sflag:s23] =	ssyncset.done $0x0  }
0x18: {  	[sflag:s23] =	ssyncadd.s32 s4;
	_ =	sdelay $0x1  }
0x19: {  	s24 =	simm.s32 $0x1B8B  }
0x1a: {  	_ =	swait.ge [sflag:s24], $0x1  }
0x1b: {  	[sflag:s24] =	ssyncset.done $0x0  }
0x1c: {  	s26 =	simm.s32 $0x1B8E;
	s25 =	sld [smem:$0x3FFE];
	[sflag:s24] =	ssyncadd.s32 $0xFFFFFFFF  }
0x1d: {  	s27 =	simm.s32 $execute0_lowered;
	[smem:$0x3FD2] =	sst s26  }
0x1e: {  	s5 =	sshll.u32 s27, $0x1;
	_ =	strace $0x80000049;
	[dreg:$0x1] =	wrdreg $0xFFFFFFFF  }
0x1f: {  	s28 =	simm.s32 $_size_execute0_lowered;
	s3 =	sadd.s32 s3, s5;
	[dreg:$0x0] =	wrdreg $0x0  }
0x20: {  	s5 =	sshll.u32 s28, $0x1;
	[dreg:$0x2] =	wrdreg s3  }
0x21: {  	[dreg:$0x3] =	wrdreg s5  }
0x22: {  	[dreg:$0x4] =	wrdreg $0xC0  }
0x23: {  	_ =	task [dreg:s7], $0x5FFFF  }
0x24: {  	[dreg:$0x1] =	wrdreg $0xFFFFFFFF  }
0x25: {  	[dreg:$0x0] =	wrdreg $0x60  }
0x26: {  	[dreg:$0x2] =	wrdreg s25  }
0x27: {  	[dreg:$0x3] =	wrdreg s2  }
0x28: {  	[dreg:$0x4] =	wrdreg $0x9  }
0x29: {  	_ =	task.clear_ibuf [dreg:s7], $0x5FFFF;
	_ =	strace $0x90000049  }
0x2a: {  	s29 =	simm.s32 $0x9;
	_ =	strace $0x8000004B  }
0x2b: {  	_ =	swait.ge [sflag:s29], $0x1  }
0x2c: {  	[sflag:s29] =	ssyncadd.s32 $0xFFFFFFFF  }
0x2d: {  	_ =	strace $0x9000004B  }
0x2e: {  	_ =	sfence  }
0x2f: {  	s30 =	sld [smem:$0x0];
	_ =	sdelay $0x2  }
0x30: {  	s31 =	sshll.u32 s1, $0xD;
	s1 =	sshrl.u32 s1, $0x2  }
0x31: {  	s3 =	sand.u32 $0x4000, s31;
	s1 =	sadd.s32 s1, s30  }
0x32: {  	s0 =	sor.u32 s3, s0;
	s1 =	sshll.u32 s1, $0x11  }
0x33: {  	s0 =	sor.u32 s1, s0  }
0x34: {  	s0 =	sadd.s32 $0x8F2B, s0  }
0x35: {  	[sflag:s0] =	ssyncadd.remote.s32 $0x1  }
0x36: {  	_ =	sfence.sel $0xFFFF  }
0x37: {  	[dreg:$0x0] =	wrdreg $0xFFFFFFFF;
	(pc) =	sbr.abs _section_cstart, $3  }
0x38: {  	[dreg:$0x1] =	wrdreg $0xFFFFFFFF  }
0x39: {  	_ =	task.clear_ibuf [dreg:s7], $0x2FFFF;
	_ =	strace $0x9FFFFFFF  }
0x3a: {  	(tm) =	ssettm $0x7FFFFFFF  }
0x3b: {  	_ =	shalt  }
tec
execute0_lowered:
.L_overlay_start_1:
0x0: {  	(tag) =	ssettag $0x1  }
0x1: {  	s0 =	srdreg.scid  }
0x2: {  	s1 =	sshll.u32 s0, $0x4  }
0x3: {  	s0 =	stileid.u32;
	s1 =	sand.u32 $0x10, s1  }
0x4: {  	s1 =	sor.u32 s0, s1  }
0x5: {  	s6 =	rddreg [dreg:$0x0];
	s4 =	simm.s32 $0x1;
	s2 =	sshll.u32 s1, $0x7  }
0x6: {  	s7 =	simm.s32 $0x2;
	s12 =	simm.s32 $0x0;
	s1 =	ssub.s32 $0x1000, s2  }
0x7: {  	s8 =	simm.s32 $0x8000;
	s13 =	simm.s32 $0x0;
	s3 =	sand.u32 $0xF80, s1  }
0x8: {  	s9 =	simm.s32 $0x0;
	s5 =	sshrl.u32 s1, $0xC;
	p0 =	sne.s32 s3, $0x0  }
.Ltmp0:
0x9: {  	s1 =	rddreg [dreg:$0x2];
	s4 =	simm.s32 @!p0 $0x0;
	(pc) =	sbr.rel .LBB1_1-.Ltmp0, $4  }
0xa: {  	s11 =	simm.s32 $0x0;
	s3 =	rddreg [dreg:$0x1];
	s5 =	sadd.s32 s4, s5  }
0xb: {  	_ =	strace $0x8000004A;
	s4 =	simm.s32 $0x1;
	s5 =	smul.u32 $0xC8, s5  }
0xc: {  	s6 =	sadd.s32 $0xA00, s6;
	s10 =	smov.u32 s2;
	[sflag:s4] =	ssyncpa.u1 $0x0  }
0xd: {  	p0 =	por $0x0, $0x0;
	[sflag:s7] =	ssyncpa.u1 $0x0;
	s7 =	sor.u32 $0x1, s5  }
.LBB1_4:
0xe: {  	s16 =	sshll.u32 s13, $0x3;
	s17 =	sand.u32 $0x78, s13  }
0xf: {  	s30 =	sand.u32 $0x7E00, s13;
	s12 =	sshll.u32 s12, $0xF;
	s16 =	sand.u32 $0xC00, s16  }
0x10: {  	[tilespmem:s15+$0x810 ss:$0x81] =	vst.msk $0xffff, v2;
	s31 =	sand.u32 $0x7, s13;
	s16 =	sor.u32 s17, s16;
	s17 =	sadd.s32 s3, s30  }
0x11: {  	[tilespmem:s15+$0x1020 ss:$0x81] =	vst.msk $0xffff, v0;
	s13 =	sshll.u32 s31, $0x12;
	s12 =	sadd.s32 s12, s17;
	s16 =	sshrl.u32 s16, $0x3  }
0x12: {  	[tilespmem:s15+$0x0 ss:$0x81] =	vst.msk $0xffff, v1;
	s13 =	sor.u32 $0x400, s13;
	s12 =	sadd.s32 s16, s12  }
0x13: {  	[hbm4b:s12+s13] =	stream.strided.scatter [tilespmem:s14], [sflag:$0x2], $0x2000, s8, s13, $0x20;
	[tilespmem:$0x8080] =	vst v63  }
.LBB1_5:
0x14: {  	s14 =	sadd.s32 $0x1, s9  }
0x15: {  	s12 =	sadd.s32 $0x1000, s10;
	s16 =	smov.u32 s10;
	p2 =	sgt.s32 s14, $0xC7  }
0x16: {  	s16 =	smov.u32 @p2 s12  }
0x17: {  	s14 =	simm.s32 @p2 $0x0;
	p2 =	sgt.s32 s16, $0xFFF  }
0x18: {  	s16 =	smov.u32 @p2 s2;
	p2 =	sne.s32 s11, s7  }
.Ltmp1:
0x19: {  	p1 =	slt.u32 s11, $0x2;
	(pc) =	sbr.rel @!p2 .LBB1_6-.Ltmp1, $4  }
0x1a: {  	s15 =	simm.s32 @!p1 $0x2  }
0x1b: {  	s13 =	smov.u32 s10;
	p0 =	por !p0, !p0;
	_ =	swait.ge @!p1 [sflag:s15], $0x2000  }
0x1c: {  	s12 =	smov.u32 s9;
	[sflag:s15] =	ssyncset.done @!p1 $0x0;
	s9 =	smov.u32 s14  }
0x1d: {  	s11 =	sadd.s32 $0x1, s11;
	[sflag:s15] =	ssyncadd.s32 @!p1 $0xFFFFE000;
	s10 =	smov.u32 s16  }
.LBB1_1:
0x1e: {  	p1 =	sge.u32 s11, s5  }
0x1f: {  	s14 =	sand.u32 @!p1 $0x1FFFFFF, s9  }
0x20: {  	s15 =	smulhi.u32 @!p1 $0x147AE15, s14;
	_ =	sdelay $0x1  }
0x21: {  	s15 =	smul.u32 @!p1 $0xC8, s15  }
0x22: {  	s16 =	sxor.u32 @!p1 $0xFFFFFFFF, s11;
	s17 =	smul.u32 @!p1 $0xC80, s10  }
0x23: {  	s31 =	sadd.s32 $0xFFFFFFFF, s11;
	s16 =	sshll.u32 @!p1 s16, $0xD;
	s14 =	ssub.s32 @!p1 s14, s15  }
0x24: {  	s15 =	sand.u32 @!p1 $0x2000, s16;
	s16 =	sadd.s32 @!p1 s6, s17;
	s14 =	sshll.u32 @!p1 s14, $0x4  }
0x25: {  	s17 =	simm.s32 @!p1 $0x6400;
	s14 =	sadd.s32 @!p1 s14, s16;
	s16 =	simm.s32 @!p1 $0x40  }
0x26: {  	[tilespmem:s15], [sflag:$0x1] =	stream.strided.gather @!p1 [hbm4b:s14+s16], $0x2000, s17, s16, $0x38;
	[tilespmem:$0x8080] =	vst v63  }
0x27: {  	p1 =	sge.u32 s31, s5  }
.Ltmp2:
0x28: {  	_ = 	snop;
	(pc) =	sbr.rel @p1 .LBB1_5-.Ltmp2, $1  }
0x29: {  	_ =	sdelay $0x3  }
0x2a: {  	s14 =	simm.s32 $0x1  }
0x2b: {  	_ =	swait.ge [sflag:s4], $0x2000;
	s14 =	simm.s32 @!p0 $0x0  }
0x2c: {  	[sflag:s4] =	ssyncset.done $0x0;
	s15 =	sshll.u32 s14, $0xD  }
0x2d: {  	[sflag:s4] =	ssyncadd.s32 $0xFFFFE000;
	s18 =	sor.u32 $0x20, s15  }
0x2e: {  	s14 =	smul.u32 $0x8100, s14;
	v3 =	vld [tilespmem:s18+$0x10]  }
0x2f: {  	s30 =	sand.u32 $0x1, s11;
	v2 =	vld [tilespmem:s18+$0xFFFFFFF0]  }
0x30: {  	s15 =	smul.u32 $0x8100, s30;
	s14 =	sshrl.u32 s14, $0x2;
	v0 =	vld [tilespmem:s18+$0x0]  }
0x31: {  	v1 =	vld [tilespmem:s18+$0xFFFFFFE0];
	s16 =	sor.u32 $0x4000, s14  }
0x32: {  	s31 =	sshrl.u32 s15, $0x2;
	s15 =	sadd.s32 $0x0, s16  }
0x33: {  	s17 =	simm.s32 $0x4;
	s18 =	sadd.s32 $0x40, s18;
	s14 =	sor.u32 $0x4000, s31;
	[tilespmem:s15+$0x1830 ss:$0x81] =	vst.msk $0xffff, v3  }
.LBB1_3:
0x34: {  	v3 =	vld [tilespmem:s18+$0x10];
	p1 =	sne.s32 s17, $0x1FC;
	[tilespmem:s15+$0x810 ss:$0x81] =	vst.msk $0xffff, v2;
	s19 =	smov.u32 s17;
	s17 =	sadd.s32 $0x4, s17  }
.Ltmp3:
0x35: {  	v2 =	vld [tilespmem:s18+$0xFFFFFFF0];
	[tilespmem:s15+$0x1020 ss:$0x81] =	vst.msk $0xffff, v0;
	(pc) =	sbr.rel @p1 .LBB1_3-.Ltmp3, $4  }
0x36: {  	v0 =	vld [tilespmem:s18+$0x0];
	[tilespmem:s15+$0x0 ss:$0x81] =	vst.msk $0xffff, v1  }
0x37: {  	s15 =	sshra.s32 s19, $0x2;
	v1 =	vld [tilespmem:s18+$0xFFFFFFE0]  }
0x38: {  	s15 =	sadd.s32 s15, s16  }
0x39: {  	s18 =	sadd.s32 $0x40, s18;
	[tilespmem:s15+$0x1830 ss:$0x81] =	vst.msk $0xffff, v3  }
.Ltmp4:
0x3a: {  	_ = 	snop;
	(pc) =	sbr.rel .LBB1_4-.Ltmp4, $1  }
0x3b: {  	_ =	sdelay $0x3  }
.LBB1_6:
0x3c: {  	_ =	sfence.sel $0x180000  }
0x3d: {  	s2 =	simm.s32 $0x1;
	[bflag:$0x0] =	sbarrier.arrive $0xFFFF  }
0x3e: {  	s31 =	simm.s32 $0x2;
	[sflag:s2] =	ssyncpa.u1 $0x1  }
0x3f: {  	[sflag:s31] =	ssyncpa.u1 $0x1  }
0x40: {  	p0 =	sne.s32 s0, $0x0;
	_ =	strace $0x9000004A  }
0x41: {  	s0 =	sadd.s32 @!p0 $0x100000, s1;
	[bflag:$0x2] =	sbarrier.arrive $0xFFFF  }
0x42: {  	[sflag:s0] =	ssyncadd.tile.s32 @!p0 $0x1;
	_ =	shalt  }
.Lfunc_end1:
_tile_overlayer_lowered:
.L_overlay_start_2:
0x43: {  	(tag) =	ssettag $0x2  }
0x44: {  	s0 =	rddreg [dreg:$0x0];
	s2 =	stileid.u32  }
0x45: {  	s1 =	rddreg [dreg:$0x1];
	p0 =	sne.s32 s2, $0x0  }
0x46: {  	s3 =	rddreg [dreg:$0x2];
	[bflag:$0x3] =	sbarrier.arrive $0xFFFF;
	s2 =	simm.s32 @!p0 $0x1C01  }
0x47: {  	[timem:s3], [sflag:s2] =	dma.local @!p0 [hbm:s0], s1  }
0x48: {  	s0 =	simm.s32 @!p0 $0x1  }
0x49: {  	_ =	swait.ge @!p0 [sflag:s0], s1  }
0x4a: {  	s1 =	ssub.s32 @!p0 $0x0, s1;
	[sflag:s0] =	ssyncset.done @!p0 $0x0  }
0x4b: {  	[sflag:s0] =	ssyncadd.s32 @!p0 s1  }
0x4c: {  	[bflag:$0x3] =	sbarrier.arrive $0xFFFF  }
0x4d: {  	_ =	shalt  }

</sc_bundles>
